<compile_context>
chip_gen: v7x
topology: tpu7x:2x2x1
jax: 0.10.2.dev20260603
libtpu: 0.0.44.dev20260713+nightly
codegen_flags: <defaults>
</compile_context>

<pallas_src>
import functools

import jax
import jax.numpy as jnp
from jax import lax
from jax.experimental import pallas as pl
from jax.experimental.pallas import tpu as pltpu
from jax.experimental.pallas import tpu_sc as plsc

_NC = 2
_NS = 16
_NW = _NC * _NS
_L = 200
_RB = 32
_CHI = _RB * _L
_CHO = _RB * _L * 4


def _dg(vec, idx):
    return vec.at[idx].get(mode="promise_in_bounds")


def _body(idx_hbm, par_hbm, out_hbm, par_v,
          idx_v0, idx_v1, out_v0, out_v1, s_i0, s_i1, s_o0, s_o1):
    wid = lax.axis_index("s") * _NC + lax.axis_index("c")
    rows_per_w = idx_hbm.shape[0] // (_L * _NW)
    npair = rows_per_w // (2 * _RB)

    pltpu.sync_copy(par_hbm, par_v)
    lane = lax.iota(jnp.int32, 16)
    emb_v = par_v[pl.ds(0, 16)]
    w_v = par_v[pl.ds(16, 16)]
    b_v = par_v[pl.ds(32, 16)]
    k2 = jnp.minimum(lane, 7) * 2
    luts = []
    for c in range(4):
        cc = jnp.full((16,), c, jnp.int32)
        luts.append(_dg(emb_v, k2) * _dg(w_v, cc)
                    + _dg(emb_v, k2 + 1) * _dg(w_v, cc + 4)
                    + _dg(b_v, cc))

    ibase = wid * rows_per_w * _L
    obase = wid * rows_per_w * _L * 4
    bufs = ((idx_v0, out_v0, s_i0, s_o0), (idx_v1, out_v1, s_i1, s_o1))

    def istart(blk, half):
        iv, _, sem, _ = bufs[half]
        return pltpu.async_copy(
            idx_hbm.at[pl.ds(ibase + blk * _CHI, _CHI)],
            iv.at[pl.ds(0, _CHI)], sem)

    def iwait(half):
        iv, _, sem, _ = bufs[half]
        pltpu.make_async_copy(idx_hbm.at[pl.ds(0, _CHI)],
                              iv.at[pl.ds(0, _CHI)], sem).wait()

    def ostart(blk, half):
        _, ov, _, sem = bufs[half]
        return pltpu.async_copy(
            ov.at[pl.ds(0, _CHO)],
            out_hbm.at[pl.ds(obase + blk * _CHO, _CHO)], sem)

    def compute(half):
        iv, ov, _, _ = bufs[half]

        def row_body(r, carry):
            ib = r * _L
            ob = r * _L * 4

            for j in range(12):
                o = j * 16
                v = iv[pl.ds(ib + o, 16)]
                for c in range(4):
                    ov[pl.ds(ob + c * _L + o, 16)] = _dg(luts[c], v)
            v = iv[pl.ds(ib + _L - 16, 16)]
            for c in range(4):
                ov[pl.ds(ob + c * _L + _L - 16, 16)] = _dg(luts[c], v)
            return carry

        lax.fori_loop(0, _RB, row_body, 0)

    istart(0, 0)
    istart(1, 1)

    def pair_body(t, carry):
        blk = t * 2
        iwait(0)
        compute(0)
        ostart(blk, 0)

        @pl.when(t + 1 < npair)
        def _():
            istart(blk + 2, 0)

        iwait(1)
        compute(1)
        ostart(blk + 1, 1)

        @pl.when(t + 1 < npair)
        def _():
            istart(blk + 3, 1)

        return carry

    lax.fori_loop(0, npair, pair_body, 0)


def kernel(inputs, emb_table, W, b):
    B, L = inputs.shape
    N = B * L
    idx_flat = inputs.reshape(N).astype(jnp.int32)
    par = jnp.zeros((48,), jnp.float32)
    par = par.at[0:6].set(emb_table.reshape(-1))
    par = par.at[16:24].set(W.reshape(-1))
    par = par.at[32:36].set(b)

    mesh = plsc.VectorSubcoreMesh(core_axis_name="c", subcore_axis_name="s")
    run = functools.partial(
        pl.kernel,
        mesh=mesh,
        out_type=jax.ShapeDtypeStruct((N * 4,), jnp.float32),
        scratch_types=[
            pltpu.VMEM((48,), jnp.float32),
            pltpu.VMEM((_CHI + 8,), jnp.int32),
            pltpu.VMEM((_CHI + 8,), jnp.int32),
            pltpu.VMEM((_CHO + 8,), jnp.float32),
            pltpu.VMEM((_CHO + 8,), jnp.float32),
            pltpu.SemaphoreType.DMA,
            pltpu.SemaphoreType.DMA,
            pltpu.SemaphoreType.DMA,
            pltpu.SemaphoreType.DMA,
        ],
    )(_body)
    out = run(idx_flat, par)
    return jnp.swapaxes(out.reshape(B, 4, L), 1, 2)

# --- scband reference (transcript-rebuilt; emitter-appended) ---
"""Pipeline reference for scband-my-model-87522843561334 (READ-ONLY COPY).

The authoritative reference and input builder live on the scoring server;
editing this copy changes nothing except your own understanding.
"""

import jax, jax.numpy as jnp
import numpy as np


def setup_inputs(seed: int = 0) -> dict:
    key = jax.random.key(seed)
    k1, k2, k3 = jax.random.split(key, 3)
    inputs = jax.random.randint(k1, (16384, 200), 0, 3, dtype=jnp.int64)
    # Embedding(3, 2): uniform init like keras default
    emb_table = jax.random.uniform(k2, (3, 2), dtype=jnp.float32, minval=-0.05, maxval=0.05)
    # Dense(4): kernel [2, 4], bias [4]
    W = jax.random.normal(k3, (2, 4), dtype=jnp.float32) * (1.0 / jnp.sqrt(2.0))
    b = jnp.zeros((4,), dtype=jnp.float32)
    return {"inputs": inputs, "emb_table": emb_table, "W": W, "b": b}


def reference(inputs, emb_table, W, b):
    # x = Embedding(inputs): gather rows of the table
    x = jnp.take(emb_table, inputs, axis=0)  # [B, L, 2]
    # Dense(4) applied on the last axis
    out = jnp.matmul(x, W) + b  # [B, L, 4]
    return out

if __name__ == "__main__":
    import jax
    _d = setup_inputs()
    print(jax.jit(kernel)(*tuple(_d.values())))

</pallas_src>

<mosaic_0001>
#map = affine_map<(d0, d1) -> (0)>
module attributes {stable_mosaic.version = 14 : i64} {
  func.func @_body(%arg0: i32, %arg1: i32, %arg2: memref<3276800xi32, #tpu.memory_space<hbm>>, %arg3: memref<48xf32, #tpu.memory_space<hbm>>, %arg4: memref<13107200xf32, #tpu.memory_space<hbm>>, %arg5: memref<48xf32, #tpu.memory_space<vmem>>, %arg6: memref<6408xi32, #tpu.memory_space<vmem>>, %arg7: memref<6408xi32, #tpu.memory_space<vmem>>, %arg8: memref<25608xf32, #tpu.memory_space<vmem>>, %arg9: memref<25608xf32, #tpu.memory_space<vmem>>, %arg10: memref<!tpu.dma_semaphore, #tpu.memory_space<semaphore_mem>>, %arg11: memref<!tpu.dma_semaphore, #tpu.memory_space<semaphore_mem>>, %arg12: memref<!tpu.dma_semaphore, #tpu.memory_space<semaphore_mem>>, %arg13: memref<!tpu.dma_semaphore, #tpu.memory_space<semaphore_mem>>) attributes {dimension_semantics = [#tpu.dimension_semantics<core_parallel>, #tpu.dimension_semantics<subcore_parallel>], iteration_bounds = array<i64: 2, 16>, scalar_prefetch = 0 : i64, scratch_operands = 9 : i64, tpu.core_type = #tpu.core_type<sc_vector_subcore>, window_params = [{transform_indices = #map}, {transform_indices = #map}, {transform_indices = #map}]} {
    %mul3A = arith.constant 2 : i32
    %mul3A_0 = arith.muli %arg1, %mul3A : i32
    %add3A = arith.addi %mul3A_0, %arg0 : i32
    "tpu.region"() ({
      %run_scoped3A = tpu.sem_alloc : memref<!tpu.dma_semaphore, #tpu.memory_space<semaphore_mem>>
      tpu.enqueue_dma source(%arg3 : memref<48xf32, #tpu.memory_space<hbm>>) target(%arg5 : memref<48xf32, #tpu.memory_space<vmem>>) target_semaphore(%run_scoped3A : memref<!tpu.dma_semaphore, #tpu.memory_space<semaphore_mem>>)
      tpu.wait_dma2 semaphore(%run_scoped3A : memref<!tpu.dma_semaphore, #tpu.memory_space<semaphore_mem>>) src(%arg3 : memref<48xf32, #tpu.memory_space<hbm>>) dst(%arg5 : memref<48xf32, #tpu.memory_space<vmem>>)
      tpu.yield
    }) : () -> ()
    %iota3A = tpu.iota {dimensions = array<i32: 0>} : vector<16xi32>
    %get3A = arith.constant 0 : index
    %get3A_1 = tpu.vector_load %arg5[%get3A] {strides = array<i32>} : memref<48xf32, #tpu.memory_space<vmem>>, vector<16xf32>,
    %get3A_2 = vector.shape_cast %get3A_1 : vector<16xf32> to vector<16xf32>
    %get3A_3 = arith.constant 16 : index
    %get3A_4 = tpu.vector_load %arg5[%get3A_3] {strides = array<i32>} : memref<48xf32, #tpu.memory_space<vmem>>, vector<16xf32>,
    %get3A_5 = vector.shape_cast %get3A_4 : vector<16xf32> to vector<16xf32>
    %get3A_6 = arith.constant 32 : index
    %get3A_7 = tpu.vector_load %arg5[%get3A_6] {strides = array<i32>} : memref<48xf32, #tpu.memory_space<vmem>>, vector<16xf32>,
    %get3A_8 = vector.shape_cast %get3A_7 : vector<16xf32> to vector<16xf32>
    %min3A = arith.constant 7 : i32
    %min3A_9 = vector.broadcast %min3A : i32 to vector<16xi32>
    %min3A_10 = arith.minsi %iota3A, %min3A_9 : vector<16xi32>
    %mul3A_11 = arith.constant 2 : i32
    %mul3A_12 = vector.broadcast %mul3A_11 : i32 to vector<16xi32>
    %mul3A_13 = arith.muli %min3A_10, %mul3A_12 : vector<16xi32>
    %broadcast_in_dim3A = arith.constant 0 : i32
    %broadcast_in_dim3A_14 = vector.broadcast %broadcast_in_dim3A : i32 to vector<16xi32>
    %lt3A = arith.constant 0 : i32
    %lt3A_15 = vector.broadcast %lt3A : i32 to vector<16xi32>
    %lt3A_16 = arith.cmpi slt, %mul3A_13, %lt3A_15 : vector<16xi32>
    %add3A_17 = arith.constant 16 : i32
    %add3A_18 = vector.broadcast %add3A_17 : i32 to vector<16xi32>
    %add3A_19 = arith.addi %mul3A_13, %add3A_18 : vector<16xi32>
    %select_n3A = arith.select %lt3A_16, %add3A_19, %mul3A_13 : vector<16xi1>, vector<16xi32>
    %broadcast_in_dim3A_20 = vector.shape_cast %select_n3A : vector<16xi32> to vector<16x1xi32>
    %gather3A = vector.shape_cast %broadcast_in_dim3A_20 : vector<16x1xi32> to vector<16xi32>
    %gather3A_21 = tpu.dynamic_gather %get3A_2[%gather3A] in [0] : vector<16xf32>, vector<16xi32> -> vector<16xf32>
    %lt3A_22 = arith.constant 0 : i32
    %lt3A_23 = vector.broadcast %lt3A_22 : i32 to vector<16xi32>
    %lt3A_24 = arith.cmpi slt, %broadcast_in_dim3A_14, %lt3A_23 : vector<16xi32>
    %add3A_25 = arith.constant 16 : i32
    %add3A_26 = vector.broadcast %add3A_25 : i32 to vector<16xi32>
    %add3A_27 = arith.addi %broadcast_in_dim3A_14, %add3A_26 : vector<16xi32>
    %select_n3A_28 = arith.select %lt3A_24, %add3A_27, %broadcast_in_dim3A_14 : vector<16xi1>, vector<16xi32>
    %broadcast_in_dim3A_29 = vector.shape_cast %select_n3A_28 : vector<16xi32> to vector<16x1xi32>
    %gather3A_30 = vector.shape_cast %broadcast_in_dim3A_29 : vector<16x1xi32> to vector<16xi32>
    %gather3A_31 = tpu.dynamic_gather %get3A_5[%gather3A_30] in [0] : vector<16xf32>, vector<16xi32> -> vector<16xf32>
    %mul3A_32 = arith.mulf %gather3A_21, %gather3A_31 : vector<16xf32>
    %add3A_33 = arith.constant 1 : i32
    %add3A_34 = vector.broadcast %add3A_33 : i32 to vector<16xi32>
    %add3A_35 = arith.addi %mul3A_13, %add3A_34 : vector<16xi32>
    %lt3A_36 = arith.constant 0 : i32
    %lt3A_37 = vector.broadcast %lt3A_36 : i32 to vector<16xi32>
    %lt3A_38 = arith.cmpi slt, %add3A_35, %lt3A_37 : vector<16xi32>
    %add3A_39 = arith.constant 16 : i32
    %add3A_40 = vector.broadcast %add3A_39 : i32 to vector<16xi32>
    %add3A_41 = arith.addi %add3A_35, %add3A_40 : vector<16xi32>
    %select_n3A_42 = arith.select %lt3A_38, %add3A_41, %add3A_35 : vector<16xi1>, vector<16xi32>
    %broadcast_in_dim3A_43 = vector.shape_cast %select_n3A_42 : vector<16xi32> to vector<16x1xi32>
    %gather3A_44 = vector.shape_cast %broadcast_in_dim3A_43 : vector<16x1xi32> to vector<16xi32>
    %gather3A_45 = tpu.dynamic_gather %get3A_2[%gather3A_44] in [0] : vector<16xf32>, vector<16xi32> -> vector<16xf32>
    %add3A_46 = arith.constant 4 : i32
    %add3A_47 = vector.broadcast %add3A_46 : i32 to vector<16xi32>
    %add3A_48 = arith.addi %broadcast_in_dim3A_14, %add3A_47 : vector<16xi32>
    %lt3A_49 = arith.constant 0 : i32
    %lt3A_50 = vector.broadcast %lt3A_49 : i32 to vector<16xi32>
    %lt3A_51 = arith.cmpi slt, %add3A_48, %lt3A_50 : vector<16xi32>
    %add3A_52 = arith.constant 16 : i32
    %add3A_53 = vector.broadcast %add3A_52 : i32 to vector<16xi32>
    %add3A_54 = arith.addi %add3A_48, %add3A_53 : vector<16xi32>
    %select_n3A_55 = arith.select %lt3A_51, %add3A_54, %add3A_48 : vector<16xi1>, vector<16xi32>
    %broadcast_in_dim3A_56 = vector.shape_cast %select_n3A_55 : vector<16xi32> to vector<16x1xi32>
    %gather3A_57 = vector.shape_cast %broadcast_in_dim3A_56 : vector<16x1xi32> to vector<16xi32>
    %gather3A_58 = tpu.dynamic_gather %get3A_5[%gather3A_57] in [0] : vector<16xf32>, vector<16xi32> -> vector<16xf32>
    %mul3A_59 = arith.mulf %gather3A_45, %gather3A_58 : vector<16xf32>
    %add3A_60 = arith.addf %mul3A_32, %mul3A_59 : vector<16xf32>
    %lt3A_61 = arith.constant 0 : i32
    %lt3A_62 = vector.broadcast %lt3A_61 : i32 to vector<16xi32>
    %lt3A_63 = arith.cmpi slt, %broadcast_in_dim3A_14, %lt3A_62 : vector<16xi32>
    %add3A_64 = arith.constant 16 : i32
    %add3A_65 = vector.broadcast %add3A_64 : i32 to vector<16xi32>
    %add3A_66 = arith.addi %broadcast_in_dim3A_14, %add3A_65 : vector<16xi32>
    %select_n3A_67 = arith.select %lt3A_63, %add3A_66, %broadcast_in_dim3A_14 : vector<16xi1>, vector<16xi32>
    %broadcast_in_dim3A_68 = vector.shape_cast %select_n3A_67 : vector<16xi32> to vector<16x1xi32>
    %gather3A_69 = vector.shape_cast %broadcast_in_dim3A_68 : vector<16x1xi32> to vector<16xi32>
    %gather3A_70 = tpu.dynamic_gather %get3A_8[%gather3A_69] in [0] : vector<16xf32>, vector<16xi32> -> vector<16xf32>
    %add3A_71 = arith.addf %add3A_60, %gather3A_70 : vector<16xf32>
    %broadcast_in_dim3A_72 = arith.constant 1 : i32
    %broadcast_in_dim3A_73 = vector.broadcast %broadcast_in_dim3A_72 : i32 to vector<16xi32>
    %lt3A_74 = arith.constant 0 : i32
    %lt3A_75 = vector.broadcast %lt3A_74 : i32 to vector<16xi32>
    %lt3A_76 = arith.cmpi slt, %mul3A_13, %lt3A_75 : vector<16xi32>
    %add3A_77 = arith.constant 16 : i32
    %add3A_78 = vector.broadcast %add3A_77 : i32 to vector<16xi32>
    %add3A_79 = arith.addi %mul3A_13, %add3A_78 : vector<16xi32>
    %select_n3A_80 = arith.select %lt3A_76, %add3A_79, %mul3A_13 : vector<16xi1>, vector<16xi32>
    %broadcast_in_dim3A_81 = vector.shape_cast %select_n3A_80 : vector<16xi32> to vector<16x1xi32>
    %gather3A_82 = vector.shape_cast %broadcast_in_dim3A_81 : vector<16x1xi32> to vector<16xi32>
    %gather3A_83 = tpu.dynamic_gather %get3A_2[%gather3A_82] in [0] : vector<16xf32>, vector<16xi32> -> vector<16xf32>
    %lt3A_84 = arith.constant 0 : i32
    %lt3A_85 = vector.broadcast %lt3A_84 : i32 to vector<16xi32>
    %lt3A_86 = arith.cmpi slt, %broadcast_in_dim3A_73, %lt3A_85 : vector<16xi32>
    %add3A_87 = arith.constant 16 : i32
    %add3A_88 = vector.broadcast %add3A_87 : i32 to vector<16xi32>
    %add3A_89 = arith.addi %broadcast_in_dim3A_73, %add3A_88 : vector<16xi32>
    %select_n3A_90 = arith.select %lt3A_86, %add3A_89, %broadcast_in_dim3A_73 : vector<16xi1>, vector<16xi32>
    %broadcast_in_dim3A_91 = vector.shape_cast %select_n3A_90 : vector<16xi32> to vector<16x1xi32>
    %gather3A_92 = vector.shape_cast %broadcast_in_dim3A_91 : vector<16x1xi32> to vector<16xi32>
    %gather3A_93 = tpu.dynamic_gather %get3A_5[%gather3A_92] in [0] : vector<16xf32>, vector<16xi32> -> vector<16xf32>
    %mul3A_94 = arith.mulf %gather3A_83, %gather3A_93 : vector<16xf32>
    %add3A_95 = arith.constant 1 : i32
    %add3A_96 = vector.broadcast %add3A_95 : i32 to vector<16xi32>
    %add3A_97 = arith.addi %mul3A_13, %add3A_96 : vector<16xi32>
    %lt3A_98 = arith.constant 0 : i32
    %lt3A_99 = vector.broadcast %lt3A_98 : i32 to vector<16xi32>
    %lt3A_100 = arith.cmpi slt, %add3A_97, %lt3A_99 : vector<16xi32>
    %add3A_101 = arith.constant 16 : i32
    %add3A_102 = vector.broadcast %add3A_101 : i32 to vector<16xi32>
    %add3A_103 = arith.addi %add3A_97, %add3A_102 : vector<16xi32>
    %select_n3A_104 = arith.select %lt3A_100, %add3A_103, %add3A_97 : vector<16xi1>, vector<16xi32>
    %broadcast_in_dim3A_105 = vector.shape_cast %select_n3A_104 : vector<16xi32> to vector<16x1xi32>
    %gather3A_106 = vector.shape_cast %broadcast_in_dim3A_105 : vector<16x1xi32> to vector<16xi32>
    %gather3A_107 = tpu.dynamic_gather %get3A_2[%gather3A_106] in [0] : vector<16xf32>, vector<16xi32> -> vector<16xf32>
    %add3A_108 = arith.constant 4 : i32
    %add3A_109 = vector.broadcast %add3A_108 : i32 to vector<16xi32>
    %add3A_110 = arith.addi %broadcast_in_dim3A_73, %add3A_109 : vector<16xi32>
    %lt3A_111 = arith.constant 0 : i32
    %lt3A_112 = vector.broadcast %lt3A_111 : i32 to vector<16xi32>
    %lt3A_113 = arith.cmpi slt, %add3A_110, %lt3A_112 : vector<16xi32>
    %add3A_114 = arith.constant 16 : i32
    %add3A_115 = vector.broadcast %add3A_114 : i32 to vector<16xi32>
    %add3A_116 = arith.addi %add3A_110, %add3A_115 : vector<16xi32>
    %select_n3A_117 = arith.select %lt3A_113, %add3A_116, %add3A_110 : vector<16xi1>, vector<16xi32>
    %broadcast_in_dim3A_118 = vector.shape_cast %select_n3A_117 : vector<16xi32> to vector<16x1xi32>
    %gather3A_119 = vector.shape_cast %broadcast_in_dim3A_118 : vector<16x1xi32> to vector<16xi32>
    %gather3A_120 = tpu.dynamic_gather %get3A_5[%gather3A_119] in [0] : vector<16xf32>, vector<16xi32> -> vector<16xf32>
    %mul3A_121 = arith.mulf %gather3A_107, %gather3A_120 : vector<16xf32>
    %add3A_122 = arith.addf %mul3A_94, %mul3A_121 : vector<16xf32>
    %lt3A_123 = arith.constant 0 : i32
    %lt3A_124 = vector.broadcast %lt3A_123 : i32 to vector<16xi32>
    %lt3A_125 = arith.cmpi slt, %broadcast_in_dim3A_73, %lt3A_124 : vector<16xi32>
    %add3A_126 = arith.constant 16 : i32
    %add3A_127 = vector.broadcast %add3A_126 : i32 to vector<16xi32>
    %add3A_128 = arith.addi %broadcast_in_dim3A_73, %add3A_127 : vector<16xi32>
    %select_n3A_129 = arith.select %lt3A_125, %add3A_128, %broadcast_in_dim3A_73 : vector<16xi1>, vector<16xi32>
    %broadcast_in_dim3A_130 = vector.shape_cast %select_n3A_129 : vector<16xi32> to vector<16x1xi32>
    %gather3A_131 = vector.shape_cast %broadcast_in_dim3A_130 : vector<16x1xi32> to vector<16xi32>
    %gather3A_132 = tpu.dynamic_gather %get3A_8[%gather3A_131] in [0] : vector<16xf32>, vector<16xi32> -> vector<16xf32>
    %add3A_133 = arith.addf %add3A_122, %gather3A_132 : vector<16xf32>
    %broadcast_in_dim3A_134 = arith.constant 2 : i32
    %broadcast_in_dim3A_135 = vector.broadcast %broadcast_in_dim3A_134 : i32 to vector<16xi32>
    %lt3A_136 = arith.constant 0 : i32
    %lt3A_137 = vector.broadcast %lt3A_136 : i32 to vector<16xi32>
    %lt3A_138 = arith.cmpi slt, %mul3A_13, %lt3A_137 : vector<16xi32>
    %add3A_139 = arith.constant 16 : i32
    %add3A_140 = vector.broadcast %add3A_139 : i32 to vector<16xi32>
    %add3A_141 = arith.addi %mul3A_13, %add3A_140 : vector<16xi32>
    %select_n3A_142 = arith.select %lt3A_138, %add3A_141, %mul3A_13 : vector<16xi1>, vector<16xi32>
    %broadcast_in_dim3A_143 = vector.shape_cast %select_n3A_142 : vector<16xi32> to vector<16x1xi32>
    %gather3A_144 = vector.shape_cast %broadcast_in_dim3A_143 : vector<16x1xi32> to vector<16xi32>
    %gather3A_145 = tpu.dynamic_gather %get3A_2[%gather3A_144] in [0] : vector<16xf32>, vector<16xi32> -> vector<16xf32>
    %lt3A_146 = arith.constant 0 : i32
    %lt3A_147 = vector.broadcast %lt3A_146 : i32 to vector<16xi32>
    %lt3A_148 = arith.cmpi slt, %broadcast_in_dim3A_135, %lt3A_147 : vector<16xi32>
    %add3A_149 = arith.constant 16 : i32
    %add3A_150 = vector.broadcast %add3A_149 : i32 to vector<16xi32>
    %add3A_151 = arith.addi %broadcast_in_dim3A_135, %add3A_150 : vector<16xi32>
    %select_n3A_152 = arith.select %lt3A_148, %add3A_151, %broadcast_in_dim3A_135 : vector<16xi1>, vector<16xi32>
    %broadcast_in_dim3A_153 = vector.shape_cast %select_n3A_152 : vector<16xi32> to vector<16x1xi32>
    %gather3A_154 = vector.shape_cast %broadcast_in_dim3A_153 : vector<16x1xi32> to vector<16xi32>
    %gather3A_155 = tpu.dynamic_gather %get3A_5[%gather3A_154] in [0] : vector<16xf32>, vector<16xi32> -> vector<16xf32>
    %mul3A_156 = arith.mulf %gather3A_145, %gather3A_155 : vector<16xf32>
    %add3A_157 = arith.constant 1 : i32
    %add3A_158 = vector.broadcast %add3A_157 : i32 to vector<16xi32>
    %add3A_159 = arith.addi %mul3A_13, %add3A_158 : vector<16xi32>
    %lt3A_160 = arith.constant 0 : i32
    %lt3A_161 = vector.broadcast %lt3A_160 : i32 to vector<16xi32>
    %lt3A_162 = arith.cmpi slt, %add3A_159, %lt3A_161 : vector<16xi32>
    %add3A_163 = arith.constant 16 : i32
    %add3A_164 = vector.broadcast %add3A_163 : i32 to vector<16xi32>
    %add3A_165 = arith.addi %add3A_159, %add3A_164 : vector<16xi32>
    %select_n3A_166 = arith.select %lt3A_162, %add3A_165, %add3A_159 : vector<16xi1>, vector<16xi32>
    %broadcast_in_dim3A_167 = vector.shape_cast %select_n3A_166 : vector<16xi32> to vector<16x1xi32>
    %gather3A_168 = vector.shape_cast %broadcast_in_dim3A_167 : vector<16x1xi32> to vector<16xi32>
    %gather3A_169 = tpu.dynamic_gather %get3A_2[%gather3A_168] in [0] : vector<16xf32>, vector<16xi32> -> vector<16xf32>
    %add3A_170 = arith.constant 4 : i32
    %add3A_171 = vector.broadcast %add3A_170 : i32 to vector<16xi32>
    %add3A_172 = arith.addi %broadcast_in_dim3A_135, %add3A_171 : vector<16xi32>
    %lt3A_173 = arith.constant 0 : i32
    %lt3A_174 = vector.broadcast %lt3A_173 : i32 to vector<16xi32>
    %lt3A_175 = arith.cmpi slt, %add3A_172, %lt3A_174 : vector<16xi32>
    %add3A_176 = arith.constant 16 : i32
    %add3A_177 = vector.broadcast %add3A_176 : i32 to vector<16xi32>
    %add3A_178 = arith.addi %add3A_172, %add3A_177 : vector<16xi32>
    %select_n3A_179 = arith.select %lt3A_175, %add3A_178, %add3A_172 : vector<16xi1>, vector<16xi32>
    %broadcast_in_dim3A_180 = vector.shape_cast %select_n3A_179 : vector<16xi32> to vector<16x1xi32>
    %gather3A_181 = vector.shape_cast %broadcast_in_dim3A_180 : vector<16x1xi32> to vector<16xi32>
    %gather3A_182 = tpu.dynamic_gather %get3A_5[%gather3A_181] in [0] : vector<16xf32>, vector<16xi32> -> vector<16xf32>
    %mul3A_183 = arith.mulf %gather3A_169, %gather3A_182 : vector<16xf32>
    %add3A_184 = arith.addf %mul3A_156, %mul3A_183 : vector<16xf32>
    %lt3A_185 = arith.constant 0 : i32
    %lt3A_186 = vector.broadcast %lt3A_185 : i32 to vector<16xi32>
    %lt3A_187 = arith.cmpi slt, %broadcast_in_dim3A_135, %lt3A_186 : vector<16xi32>
    %add3A_188 = arith.constant 16 : i32
    %add3A_189 = vector.broadcast %add3A_188 : i32 to vector<16xi32>
    %add3A_190 = arith.addi %broadcast_in_dim3A_135, %add3A_189 : vector<16xi32>
    %select_n3A_191 = arith.select %lt3A_187, %add3A_190, %broadcast_in_dim3A_135 : vector<16xi1>, vector<16xi32>
    %broadcast_in_dim3A_192 = vector.shape_cast %select_n3A_191 : vector<16xi32> to vector<16x1xi32>
    %gather3A_193 = vector.shape_cast %broadcast_in_dim3A_192 : vector<16x1xi32> to vector<16xi32>
    %gather3A_194 = tpu.dynamic_gather %get3A_8[%gather3A_193] in [0] : vector<16xf32>, vector<16xi32> -> vector<16xf32>
    %add3A_195 = arith.addf %add3A_184, %gather3A_194 : vector<16xf32>
    %broadcast_in_dim3A_196 = arith.constant 3 : i32
    %broadcast_in_dim3A_197 = vector.broadcast %broadcast_in_dim3A_196 : i32 to vector<16xi32>
    %lt3A_198 = arith.constant 0 : i32
    %lt3A_199 = vector.broadcast %lt3A_198 : i32 to vector<16xi32>
    %lt3A_200 = arith.cmpi slt, %mul3A_13, %lt3A_199 : vector<16xi32>
    %add3A_201 = arith.constant 16 : i32
    %add3A_202 = vector.broadcast %add3A_201 : i32 to vector<16xi32>
    %add3A_203 = arith.addi %mul3A_13, %add3A_202 : vector<16xi32>
    %select_n3A_204 = arith.select %lt3A_200, %add3A_203, %mul3A_13 : vector<16xi1>, vector<16xi32>
    %broadcast_in_dim3A_205 = vector.shape_cast %select_n3A_204 : vector<16xi32> to vector<16x1xi32>
    %gather3A_206 = vector.shape_cast %broadcast_in_dim3A_205 : vector<16x1xi32> to vector<16xi32>
    %gather3A_207 = tpu.dynamic_gather %get3A_2[%gather3A_206] in [0] : vector<16xf32>, vector<16xi32> -> vector<16xf32>
    %lt3A_208 = arith.constant 0 : i32
    %lt3A_209 = vector.broadcast %lt3A_208 : i32 to vector<16xi32>
    %lt3A_210 = arith.cmpi slt, %broadcast_in_dim3A_197, %lt3A_209 : vector<16xi32>
    %add3A_211 = arith.constant 16 : i32
    %add3A_212 = vector.broadcast %add3A_211 : i32 to vector<16xi32>
    %add3A_213 = arith.addi %broadcast_in_dim3A_197, %add3A_212 : vector<16xi32>
    %select_n3A_214 = arith.select %lt3A_210, %add3A_213, %broadcast_in_dim3A_197 : vector<16xi1>, vector<16xi32>
    %broadcast_in_dim3A_215 = vector.shape_cast %select_n3A_214 : vector<16xi32> to vector<16x1xi32>
    %gather3A_216 = vector.shape_cast %broadcast_in_dim3A_215 : vector<16x1xi32> to vector<16xi32>
    %gather3A_217 = tpu.dynamic_gather %get3A_5[%gather3A_216] in [0] : vector<16xf32>, vector<16xi32> -> vector<16xf32>
    %mul3A_218 = arith.mulf %gather3A_207, %gather3A_217 : vector<16xf32>
    %add3A_219 = arith.constant 1 : i32
    %add3A_220 = vector.broadcast %add3A_219 : i32 to vector<16xi32>
    %add3A_221 = arith.addi %mul3A_13, %add3A_220 : vector<16xi32>
    %lt3A_222 = arith.constant 0 : i32
    %lt3A_223 = vector.broadcast %lt3A_222 : i32 to vector<16xi32>
    %lt3A_224 = arith.cmpi slt, %add3A_221, %lt3A_223 : vector<16xi32>
    %add3A_225 = arith.constant 16 : i32
    %add3A_226 = vector.broadcast %add3A_225 : i32 to vector<16xi32>
    %add3A_227 = arith.addi %add3A_221, %add3A_226 : vector<16xi32>
    %select_n3A_228 = arith.select %lt3A_224, %add3A_227, %add3A_221 : vector<16xi1>, vector<16xi32>
    %broadcast_in_dim3A_229 = vector.shape_cast %select_n3A_228 : vector<16xi32> to vector<16x1xi32>
    %gather3A_230 = vector.shape_cast %broadcast_in_dim3A_229 : vector<16x1xi32> to vector<16xi32>
    %gather3A_231 = tpu.dynamic_gather %get3A_2[%gather3A_230] in [0] : vector<16xf32>, vector<16xi32> -> vector<16xf32>
    %add3A_232 = arith.constant 4 : i32
    %add3A_233 = vector.broadcast %add3A_232 : i32 to vector<16xi32>
    %add3A_234 = arith.addi %broadcast_in_dim3A_197, %add3A_233 : vector<16xi32>
    %lt3A_235 = arith.constant 0 : i32
    %lt3A_236 = vector.broadcast %lt3A_235 : i32 to vector<16xi32>
    %lt3A_237 = arith.cmpi slt, %add3A_234, %lt3A_236 : vector<16xi32>
    %add3A_238 = arith.constant 16 : i32
    %add3A_239 = vector.broadcast %add3A_238 : i32 to vector<16xi32>
    %add3A_240 = arith.addi %add3A_234, %add3A_239 : vector<16xi32>
    %select_n3A_241 = arith.select %lt3A_237, %add3A_240, %add3A_234 : vector<16xi1>, vector<16xi32>
    %broadcast_in_dim3A_242 = vector.shape_cast %select_n3A_241 : vector<16xi32> to vector<16x1xi32>
    %gather3A_243 = vector.shape_cast %broadcast_in_dim3A_242 : vector<16x1xi32> to vector<16xi32>
    %gather3A_244 = tpu.dynamic_gather %get3A_5[%gather3A_243] in [0] : vector<16xf32>, vector<16xi32> -> vector<16xf32>
    %mul3A_245 = arith.mulf %gather3A_231, %gather3A_244 : vector<16xf32>
    %add3A_246 = arith.addf %mul3A_218, %mul3A_245 : vector<16xf32>
    %lt3A_247 = arith.constant 0 : i32
    %lt3A_248 = vector.broadcast %lt3A_247 : i32 to vector<16xi32>
    %lt3A_249 = arith.cmpi slt, %broadcast_in_dim3A_197, %lt3A_248 : vector<16xi32>
    %add3A_250 = arith.constant 16 : i32
    %add3A_251 = vector.broadcast %add3A_250 : i32 to vector<16xi32>
    %add3A_252 = arith.addi %broadcast_in_dim3A_197, %add3A_251 : vector<16xi32>
    %select_n3A_253 = arith.select %lt3A_249, %add3A_252, %broadcast_in_dim3A_197 : vector<16xi1>, vector<16xi32>
    %broadcast_in_dim3A_254 = vector.shape_cast %select_n3A_253 : vector<16xi32> to vector<16x1xi32>
    %gather3A_255 = vector.shape_cast %broadcast_in_dim3A_254 : vector<16x1xi32> to vector<16xi32>
    %gather3A_256 = tpu.dynamic_gather %get3A_8[%gather3A_255] in [0] : vector<16xf32>, vector<16xi32> -> vector<16xf32>
    %add3A_257 = arith.addf %add3A_246, %gather3A_256 : vector<16xf32>
    %mul3A_258 = arith.constant 512 : i32
    %mul3A_259 = arith.muli %add3A, %mul3A_258 : i32
    %mul3A_260 = arith.constant 200 : i32
    %mul3A_261 = arith.muli %mul3A_259, %mul3A_260 : i32
    %mul3A_262 = arith.constant 512 : i32
    %mul3A_263 = arith.muli %add3A, %mul3A_262 : i32
    %mul3A_264 = arith.constant 200 : i32
    %mul3A_265 = arith.muli %mul3A_263, %mul3A_264 : i32
    %mul3A_266 = arith.constant 4 : i32
    %mul3A_267 = arith.muli %mul3A_265, %mul3A_266 : i32
    %add3A_268 = arith.constant 0 : i32
    %add3A_269 = arith.addi %mul3A_261, %add3A_268 : i32
    %dma_start3A = arith.constant 0 : i32
    %dma_start3A_270 = tpu.memref_slice %arg6[%dma_start3A] : memref<6408xi32, #tpu.memory_space<vmem>> -> memref<6400xi32, #tpu.memory_space<vmem>>
    %dma_start3A_271 = tpu.memref_slice %arg2[%add3A_269] : memref<3276800xi32, #tpu.memory_space<hbm>> -> memref<6400xi32, #tpu.memory_space<hbm>>
    %dma_start3A_272 = arith.constant 0 : i32
    %dma_start3A_273 = tpu.memref_slice %arg6[%dma_start3A_272] : memref<6408xi32, #tpu.memory_space<vmem>> -> memref<6400xi32, #tpu.memory_space<vmem>>
    %dma_start3A_274 = tpu.memref_slice %arg2[%add3A_269] : memref<3276800xi32, #tpu.memory_space<hbm>> -> memref<6400xi32, #tpu.memory_space<hbm>>
    tpu.enqueue_dma source(%dma_start3A_274 : memref<6400xi32, #tpu.memory_space<hbm>>) target(%dma_start3A_273 : memref<6400xi32, #tpu.memory_space<vmem>>) target_semaphore(%arg10 : memref<!tpu.dma_semaphore, #tpu.memory_space<semaphore_mem>>)
    %add3A_275 = arith.constant 6400 : i32
    %add3A_276 = arith.addi %mul3A_261, %add3A_275 : i32
    %dma_start3A_277 = arith.constant 0 : i32
    %dma_start3A_278 = tpu.memref_slice %arg7[%dma_start3A_277] : memref<6408xi32, #tpu.memory_space<vmem>> -> memref<6400xi32, #tpu.memory_space<vmem>>
    %dma_start3A_279 = tpu.memref_slice %arg2[%add3A_276] : memref<3276800xi32, #tpu.memory_space<hbm>> -> memref<6400xi32, #tpu.memory_space<hbm>>
    %dma_start3A_280 = arith.constant 0 : i32
    %dma_start3A_281 = tpu.memref_slice %arg7[%dma_start3A_280] : memref<6408xi32, #tpu.memory_space<vmem>> -> memref<6400xi32, #tpu.memory_space<vmem>>
    %dma_start3A_282 = tpu.memref_slice %arg2[%add3A_276] : memref<3276800xi32, #tpu.memory_space<hbm>> -> memref<6400xi32, #tpu.memory_space<hbm>>
    tpu.enqueue_dma source(%dma_start3A_282 : memref<6400xi32, #tpu.memory_space<hbm>>) target(%dma_start3A_281 : memref<6400xi32, #tpu.memory_space<vmem>>) target_semaphore(%arg11 : memref<!tpu.dma_semaphore, #tpu.memory_space<semaphore_mem>>)
    %scan3A = arith.constant 0 : i32
    %scan3A_283 = arith.constant 0 : i32
    %scan3A_284 = arith.constant 8 : i32
    %scan3A_285 = arith.addi %scan3A_283, %scan3A_284 : i32
    %scan3A_286 = arith.constant 1 : i32
    scf.for %scan3A_288 = %scan3A_283 to %scan3A_285 step %scan3A_286  : i32 {
      %mul3A_289 = arith.constant 2 : i32
      %mul3A_290 = arith.muli %scan3A_288, %mul3A_289 : i32
      %dma_wait3A = arith.constant 0 : i32
      %dma_wait3A_291 = tpu.memref_slice %arg6[%dma_wait3A] : memref<6408xi32, #tpu.memory_space<vmem>> -> memref<6400xi32, #tpu.memory_space<vmem>>
      %dma_wait3A_292 = arith.constant 0 : i32
      %dma_wait3A_293 = tpu.memref_slice %arg2[%dma_wait3A_292] : memref<3276800xi32, #tpu.memory_space<hbm>> -> memref<6400xi32, #tpu.memory_space<hbm>>
      %dma_wait3A_294 = arith.constant 0 : i32
      %dma_wait3A_295 = tpu.memref_slice %arg6[%dma_wait3A_294] : memref<6408xi32, #tpu.memory_space<vmem>> -> memref<6400xi32, #tpu.memory_space<vmem>>
      %dma_wait3A_296 = arith.constant 0 : i32
      %dma_wait3A_297 = tpu.memref_slice %arg2[%dma_wait3A_296] : memref<3276800xi32, #tpu.memory_space<hbm>> -> memref<6400xi32, #tpu.memory_space<hbm>>
      tpu.wait_dma2 semaphore(%arg10 : memref<!tpu.dma_semaphore, #tpu.memory_space<semaphore_mem>>) src(%dma_wait3A_297 : memref<6400xi32, #tpu.memory_space<hbm>>) dst(%dma_wait3A_295 : memref<6400xi32, #tpu.memory_space<vmem>>)
      %scan3A_298 = arith.constant 0 : i32
      %scan3A_299 = arith.constant 0 : i32
      %scan3A_300 = arith.constant 32 : i32
      %scan3A_301 = arith.addi %scan3A_299, %scan3A_300 : i32
      %scan3A_302 = arith.constant 1 : i32
      scf.for %scan3A_350 = %scan3A_299 to %scan3A_301 step %scan3A_302  : i32 {
        %mul3A_351 = arith.constant 200 : i32
        %mul3A_352 = arith.muli %scan3A_350, %mul3A_351 : i32
        %mul3A_353 = arith.constant 200 : i32
        %mul3A_354 = arith.muli %scan3A_350, %mul3A_353 : i32
        %mul3A_355 = arith.constant 4 : i32
        %mul3A_356 = arith.muli %mul3A_354, %mul3A_355 : i32
        %add3A_357 = arith.constant 0 : i32
        %add3A_358 = arith.addi %mul3A_352, %add3A_357 : i32
        %get3A_359 = arith.index_cast %add3A_358 : i32 to index
        %get3A_360 = tpu.vector_load %arg6[%get3A_359] {strides = array<i32>} : memref<6408xi32, #tpu.memory_space<vmem>>, vector<16xi32>,
        %get3A_361 = vector.shape_cast %get3A_360 : vector<16xi32> to vector<16xi32>
        %lt3A_362 = arith.constant 0 : i32
        %lt3A_363 = vector.broadcast %lt3A_362 : i32 to vector<16xi32>
        %lt3A_364 = arith.cmpi slt, %get3A_361, %lt3A_363 : vector<16xi32>
        %add3A_365 = arith.constant 16 : i32
        %add3A_366 = vector.broadcast %add3A_365 : i32 to vector<16xi32>
        %add3A_367 = arith.addi %get3A_361, %add3A_366 : vector<16xi32>
        %select_n3A_368 = arith.select %lt3A_364, %add3A_367, %get3A_361 : vector<16xi1>, vector<16xi32>
        %broadcast_in_dim3A_369 = vector.shape_cast %select_n3A_368 : vector<16xi32> to vector<16x1xi32>
        %gather3A_370 = vector.shape_cast %broadcast_in_dim3A_369 : vector<16x1xi32> to vector<16xi32>
        %gather3A_371 = tpu.dynamic_gather %add3A_71[%gather3A_370] in [0] : vector<16xf32>, vector<16xi32> -> vector<16xf32>
        %add3A_372 = arith.constant 0 : i32
        %add3A_373 = arith.addi %mul3A_356, %add3A_372 : i32
        %add3A_374 = arith.constant 0 : i32
        %add3A_375 = arith.addi %add3A_373, %add3A_374 : i32
        %swap3A = arith.index_cast %add3A_375 : i32 to index
        %swap3A_376 = tpu.vector_load %arg8[%swap3A] {strides = array<i32>} : memref<25608xf32, #tpu.memory_space<vmem>>, vector<16xf32>,
        %swap3A_377 = vector.shape_cast %swap3A_376 : vector<16xf32> to vector<16xf32>
        %swap3A_378 = vector.shape_cast %gather3A_371 : vector<16xf32> to vector<16xf32>
        tpu.vector_store %arg8[%swap3A], %swap3A_378 {strides = array<i32>} : memref<25608xf32, #tpu.memory_space<vmem>>, vector<16xf32>,
        %lt3A_379 = arith.constant 0 : i32
        %lt3A_380 = vector.broadcast %lt3A_379 : i32 to vector<16xi32>
        %lt3A_381 = arith.cmpi slt, %get3A_361, %lt3A_380 : vector<16xi32>
        %add3A_382 = arith.constant 16 : i32
        %add3A_383 = vector.broadcast %add3A_382 : i32 to vector<16xi32>
        %add3A_384 = arith.addi %get3A_361, %add3A_383 : vector<16xi32>
        %select_n3A_385 = arith.select %lt3A_381, %add3A_384, %get3A_361 : vector<16xi1>, vector<16xi32>
        %broadcast_in_dim3A_386 = vector.shape_cast %select_n3A_385 : vector<16xi32> to vector<16x1xi32>
        %gather3A_387 = vector.shape_cast %broadcast_in_dim3A_386 : vector<16x1xi32> to vector<16xi32>
        %gather3A_388 = tpu.dynamic_gather %add3A_133[%gather3A_387] in [0] : vector<16xf32>, vector<16xi32> -> vector<16xf32>
        %add3A_389 = arith.constant 200 : i32
        %add3A_390 = arith.addi %mul3A_356, %add3A_389 : i32
        %add3A_391 = arith.constant 0 : i32
        %add3A_392 = arith.addi %add3A_390, %add3A_391 : i32
        %swap3A_393 = arith.index_cast %add3A_392 : i32 to index
        %swap3A_394 = tpu.vector_load %arg8[%swap3A_393] {strides = array<i32>} : memref<25608xf32, #tpu.memory_space<vmem>>, vector<16xf32>,
        %swap3A_395 = vector.shape_cast %swap3A_394 : vector<16xf32> to vector<16xf32>
        %swap3A_396 = vector.shape_cast %gather3A_388 : vector<16xf32> to vector<16xf32>
        tpu.vector_store %arg8[%swap3A_393], %swap3A_396 {strides = array<i32>} : memref<25608xf32, #tpu.memory_space<vmem>>, vector<16xf32>,
        %lt3A_397 = arith.constant 0 : i32
        %lt3A_398 = vector.broadcast %lt3A_397 : i32 to vector<16xi32>
        %lt3A_399 = arith.cmpi slt, %get3A_361, %lt3A_398 : vector<16xi32>
        %add3A_400 = arith.constant 16 : i32
        %add3A_401 = vector.broadcast %add3A_400 : i32 to vector<16xi32>
        %add3A_402 = arith.addi %get3A_361, %add3A_401 : vector<16xi32>
        %select_n3A_403 = arith.select %lt3A_399, %add3A_402, %get3A_361 : vector<16xi1>, vector<16xi32>
        %broadcast_in_dim3A_404 = vector.shape_cast %select_n3A_403 : vector<16xi32> to vector<16x1xi32>
        %gather3A_405 = vector.shape_cast %broadcast_in_dim3A_404 : vector<16x1xi32> to vector<16xi32>
        %gather3A_406 = tpu.dynamic_gather %add3A_195[%gather3A_405] in [0] : vector<16xf32>, vector<16xi32> -> vector<16xf32>
        %add3A_407 = arith.constant 400 : i32
        %add3A_408 = arith.addi %mul3A_356, %add3A_407 : i32
        %add3A_409 = arith.constant 0 : i32
        %add3A_410 = arith.addi %add3A_408, %add3A_409 : i32
        %swap3A_411 = arith.index_cast %add3A_410 : i32 to index
        %swap3A_412 = tpu.vector_load %arg8[%swap3A_411] {strides = array<i32>} : memref<25608xf32, #tpu.memory_space<vmem>>, vector<16xf32>,
        %swap3A_413 = vector.shape_cast %swap3A_412 : vector<16xf32> to vector<16xf32>
        %swap3A_414 = vector.shape_cast %gather3A_406 : vector<16xf32> to vector<16xf32>
        tpu.vector_store %arg8[%swap3A_411], %swap3A_414 {strides = array<i32>} : memref<25608xf32, #tpu.memory_space<vmem>>, vector<16xf32>,
        %lt3A_415 = arith.constant 0 : i32
        %lt3A_416 = vector.broadcast %lt3A_415 : i32 to vector<16xi32>
        %lt3A_417 = arith.cmpi slt, %get3A_361, %lt3A_416 : vector<16xi32>
        %add3A_418 = arith.constant 16 : i32
        %add3A_419 = vector.broadcast %add3A_418 : i32 to vector<16xi32>
        %add3A_420 = arith.addi %get3A_361, %add3A_419 : vector<16xi32>
        %select_n3A_421 = arith.select %lt3A_417, %add3A_420, %get3A_361 : vector<16xi1>, vector<16xi32>
        %broadcast_in_dim3A_422 = vector.shape_cast %select_n3A_421 : vector<16xi32> to vector<16x1xi32>
        %gather3A_423 = vector.shape_cast %broadcast_in_dim3A_422 : vector<16x1xi32> to vector<16xi32>
        %gather3A_424 = tpu.dynamic_gather %add3A_257[%gather3A_423] in [0] : vector<16xf32>, vector<16xi32> -> vector<16xf32>
        %add3A_425 = arith.constant 600 : i32
        %add3A_426 = arith.addi %mul3A_356, %add3A_425 : i32
        %add3A_427 = arith.constant 0 : i32
        %add3A_428 = arith.addi %add3A_426, %add3A_427 : i32
        %swap3A_429 = arith.index_cast %add3A_428 : i32 to index
        %swap3A_430 = tpu.vector_load %arg8[%swap3A_429] {strides = array<i32>} : memref<25608xf32, #tpu.memory_space<vmem>>, vector<16xf32>,
        %swap3A_431 = vector.shape_cast %swap3A_430 : vector<16xf32> to vector<16xf32>
        %swap3A_432 = vector.shape_cast %gather3A_424 : vector<16xf32> to vector<16xf32>
        tpu.vector_store %arg8[%swap3A_429], %swap3A_432 {strides = array<i32>} : memref<25608xf32, #tpu.memory_space<vmem>>, vector<16xf32>,
        %add3A_433 = arith.constant 16 : i32
        %add3A_434 = arith.addi %mul3A_352, %add3A_433 : i32
        %get3A_435 = arith.index_cast %add3A_434 : i32 to index
        %get3A_436 = tpu.vector_load %arg6[%get3A_435] {strides = array<i32>} : memref<6408xi32, #tpu.memory_space<vmem>>, vector<16xi32>,
        %get3A_437 = vector.shape_cast %get3A_436 : vector<16xi32> to vector<16xi32>
        %lt3A_438 = arith.constant 0 : i32
        %lt3A_439 = vector.broadcast %lt3A_438 : i32 to vector<16xi32>
        %lt3A_440 = arith.cmpi slt, %get3A_437, %lt3A_439 : vector<16xi32>
        %add3A_441 = arith.constant 16 : i32
        %add3A_442 = vector.broadcast %add3A_441 : i32 to vector<16xi32>
        %add3A_443 = arith.addi %get3A_437, %add3A_442 : vector<16xi32>
        %select_n3A_444 = arith.select %lt3A_440, %add3A_443, %get3A_437 : vector<16xi1>, vector<16xi32>
        %broadcast_in_dim3A_445 = vector.shape_cast %select_n3A_444 : vector<16xi32> to vector<16x1xi32>
        %gather3A_446 = vector.shape_cast %broadcast_in_dim3A_445 : vector<16x1xi32> to vector<16xi32>
        %gather3A_447 = tpu.dynamic_gather %add3A_71[%gather3A_446] in [0] : vector<16xf32>, vector<16xi32> -> vector<16xf32>
        %add3A_448 = arith.constant 0 : i32
        %add3A_449 = arith.addi %mul3A_356, %add3A_448 : i32
        %add3A_450 = arith.constant 16 : i32
        %add3A_451 = arith.addi %add3A_449, %add3A_450 : i32
        %swap3A_452 = arith.index_cast %add3A_451 : i32 to index
        %swap3A_453 = tpu.vector_load %arg8[%swap3A_452] {strides = array<i32>} : memref<25608xf32, #tpu.memory_space<vmem>>, vector<16xf32>,
        %swap3A_454 = vector.shape_cast %swap3A_453 : vector<16xf32> to vector<16xf32>
        %swap3A_455 = vector.shape_cast %gather3A_447 : vector<16xf32> to vector<16xf32>
        tpu.vector_store %arg8[%swap3A_452], %swap3A_455 {strides = array<i32>} : memref<25608xf32, #tpu.memory_space<vmem>>, vector<16xf32>,
        %lt3A_456 = arith.constant 0 : i32
        %lt3A_457 = vector.broadcast %lt3A_456 : i32 to vector<16xi32>
        %lt3A_458 = arith.cmpi slt, %get3A_437, %lt3A_457 : vector<16xi32>
        %add3A_459 = arith.constant 16 : i32
        %add3A_460 = vector.broadcast %add3A_459 : i32 to vector<16xi32>
        %add3A_461 = arith.addi %get3A_437, %add3A_460 : vector<16xi32>
        %select_n3A_462 = arith.select %lt3A_458, %add3A_461, %get3A_437 : vector<16xi1>, vector<16xi32>
        %broadcast_in_dim3A_463 = vector.shape_cast %select_n3A_462 : vector<16xi32> to vector<16x1xi32>
        %gather3A_464 = vector.shape_cast %broadcast_in_dim3A_463 : vector<16x1xi32> to vector<16xi32>
        %gather3A_465 = tpu.dynamic_gather %add3A_133[%gather3A_464] in [0] : vector<16xf32>, vector<16xi32> -> vector<16xf32>
        %add3A_466 = arith.constant 200 : i32
        %add3A_467 = arith.addi %mul3A_356, %add3A_466 : i32
        %add3A_468 = arith.constant 16 : i32
        %add3A_469 = arith.addi %add3A_467, %add3A_468 : i32
        %swap3A_470 = arith.index_cast %add3A_469 : i32 to index
        %swap3A_471 = tpu.vector_load %arg8[%swap3A_470] {strides = array<i32>} : memref<25608xf32, #tpu.memory_space<vmem>>, vector<16xf32>,
        %swap3A_472 = vector.shape_cast %swap3A_471 : vector<16xf32> to vector<16xf32>
        %swap3A_473 = vector.shape_cast %gather3A_465 : vector<16xf32> to vector<16xf32>
        tpu.vector_store %arg8[%swap3A_470], %swap3A_473 {strides = array<i32>} : memref<25608xf32, #tpu.memory_space<vmem>>, vector<16xf32>,
        %lt3A_474 = arith.constant 0 : i32
        %lt3A_475 = vector.broadcast %lt3A_474 : i32 to vector<16xi32>
        %lt3A_476 = arith.cmpi slt, %get3A_437, %lt3A_475 : vector<16xi32>
        %add3A_477 = arith.constant 16 : i32
        %add3A_478 = vector.broadcast %add3A_477 : i32 to vector<16xi32>
        %add3A_479 = arith.addi %get3A_437, %add3A_478 : vector<16xi32>
        %select_n3A_480 = arith.select %lt3A_476, %add3A_479, %get3A_437 : vector<16xi1>, vector<16xi32>
        %broadcast_in_dim3A_481 = vector.shape_cast %select_n3A_480 : vector<16xi32> to vector<16x1xi32>
        %gather3A_482 = vector.shape_cast %broadcast_in_dim3A_481 : vector<16x1xi32> to vector<16xi32>
        %gather3A_483 = tpu.dynamic_gather %add3A_195[%gather3A_482] in [0] : vector<16xf32>, vector<16xi32> -> vector<16xf32>
        %add3A_484 = arith.constant 400 : i32
        %add3A_485 = arith.addi %mul3A_356, %add3A_484 : i32
        %add3A_486 = arith.constant 16 : i32
        %add3A_487 = arith.addi %add3A_485, %add3A_486 : i32
        %swap3A_488 = arith.index_cast %add3A_487 : i32 to index
        %swap3A_489 = tpu.vector_load %arg8[%swap3A_488] {strides = array<i32>} : memref<25608xf32, #tpu.memory_space<vmem>>, vector<16xf32>,
        %swap3A_490 = vector.shape_cast %swap3A_489 : vector<16xf32> to vector<16xf32>
        %swap3A_491 = vector.shape_cast %gather3A_483 : vector<16xf32> to vector<16xf32>
        tpu.vector_store %arg8[%swap3A_488], %swap3A_491 {strides = array<i32>} : memref<25608xf32, #tpu.memory_space<vmem>>, vector<16xf32>,
        %lt3A_492 = arith.constant 0 : i32
        %lt3A_493 = vector.broadcast %lt3A_492 : i32 to vector<16xi32>
        %lt3A_494 = arith.cmpi slt, %get3A_437, %lt3A_493 : vector<16xi32>
        %add3A_495 = arith.constant 16 : i32
        %add3A_496 = vector.broadcast %add3A_495 : i32 to vector<16xi32>
        %add3A_497 = arith.addi %get3A_437, %add3A_496 : vector<16xi32>
        %select_n3A_498 = arith.select %lt3A_494, %add3A_497, %get3A_437 : vector<16xi1>, vector<16xi32>
        %broadcast_in_dim3A_499 = vector.shape_cast %select_n3A_498 : vector<16xi32> to vector<16x1xi32>
        %gather3A_500 = vector.shape_cast %broadcast_in_dim3A_499 : vector<16x1xi32> to vector<16xi32>
        %gather3A_501 = tpu.dynamic_gather %add3A_257[%gather3A_500] in [0] : vector<16xf32>, vector<16xi32> -> vector<16xf32>
        %add3A_502 = arith.constant 600 : i32
        %add3A_503 = arith.addi %mul3A_356, %add3A_502 : i32
        %add3A_504 = arith.constant 16 : i32
        %add3A_505 = arith.addi %add3A_503, %add3A_504 : i32
        %swap3A_506 = arith.index_cast %add3A_505 : i32 to index
        %swap3A_507 = tpu.vector_load %arg8[%swap3A_506] {strides = array<i32>} : memref<25608xf32, #tpu.memory_space<vmem>>, vector<16xf32>,
        %swap3A_508 = vector.shape_cast %swap3A_507 : vector<16xf32> to vector<16xf32>
        %swap3A_509 = vector.shape_cast %gather3A_501 : vector<16xf32> to vector<16xf32>
        tpu.vector_store %arg8[%swap3A_506], %swap3A_509 {strides = array<i32>} : memref<25608xf32, #tpu.memory_space<vmem>>, vector<16xf32>,
        %add3A_510 = arith.constant 32 : i32
        %add3A_511 = arith.addi %mul3A_352, %add3A_510 : i32
        %get3A_512 = arith.index_cast %add3A_511 : i32 to index
        %get3A_513 = tpu.vector_load %arg6[%get3A_512] {strides = array<i32>} : memref<6408xi32, #tpu.memory_space<vmem>>, vector<16xi32>,
        %get3A_514 = vector.shape_cast %get3A_513 : vector<16xi32> to vector<16xi32>
        %lt3A_515 = arith.constant 0 : i32
        %lt3A_516 = vector.broadcast %lt3A_515 : i32 to vector<16xi32>
        %lt3A_517 = arith.cmpi slt, %get3A_514, %lt3A_516 : vector<16xi32>
        %add3A_518 = arith.constant 16 : i32
        %add3A_519 = vector.broadcast %add3A_518 : i32 to vector<16xi32>
        %add3A_520 = arith.addi %get3A_514, %add3A_519 : vector<16xi32>
        %select_n3A_521 = arith.select %lt3A_517, %add3A_520, %get3A_514 : vector<16xi1>, vector<16xi32>
        %broadcast_in_dim3A_522 = vector.shape_cast %select_n3A_521 : vector<16xi32> to vector<16x1xi32>
        %gather3A_523 = vector.shape_cast %broadcast_in_dim3A_522 : vector<16x1xi32> to vector<16xi32>
        %gather3A_524 = tpu.dynamic_gather %add3A_71[%gather3A_523] in [0] : vector<16xf32>, vector<16xi32> -> vector<16xf32>
        %add3A_525 = arith.constant 0 : i32
        %add3A_526 = arith.addi %mul3A_356, %add3A_525 : i32
        %add3A_527 = arith.constant 32 : i32
        %add3A_528 = arith.addi %add3A_526, %add3A_527 : i32
        %swap3A_529 = arith.index_cast %add3A_528 : i32 to index
        %swap3A_530 = tpu.vector_load %arg8[%swap3A_529] {strides = array<i32>} : memref<25608xf32, #tpu.memory_space<vmem>>, vector<16xf32>,
        %swap3A_531 = vector.shape_cast %swap3A_530 : vector<16xf32> to vector<16xf32>
        %swap3A_532 = vector.shape_cast %gather3A_524 : vector<16xf32> to vector<16xf32>
        tpu.vector_store %arg8[%swap3A_529], %swap3A_532 {strides = array<i32>} : memref<25608xf32, #tpu.memory_space<vmem>>, vector<16xf32>,
        %lt3A_533 = arith.constant 0 : i32
        %lt3A_534 = vector.broadcast %lt3A_533 : i32 to vector<16xi32>
        %lt3A_535 = arith.cmpi slt, %get3A_514, %lt3A_534 : vector<16xi32>
        %add3A_536 = arith.constant 16 : i32
        %add3A_537 = vector.broadcast %add3A_536 : i32 to vector<16xi32>
        %add3A_538 = arith.addi %get3A_514, %add3A_537 : vector<16xi32>
        %select_n3A_539 = arith.select %lt3A_535, %add3A_538, %get3A_514 : vector<16xi1>, vector<16xi32>
        %broadcast_in_dim3A_540 = vector.shape_cast %select_n3A_539 : vector<16xi32> to vector<16x1xi32>
        %gather3A_541 = vector.shape_cast %broadcast_in_dim3A_540 : vector<16x1xi32> to vector<16xi32>
        %gather3A_542 = tpu.dynamic_gather %add3A_133[%gather3A_541] in [0] : vector<16xf32>, vector<16xi32> -> vector<16xf32>
        %add3A_543 = arith.constant 200 : i32
        %add3A_544 = arith.addi %mul3A_356, %add3A_543 : i32
        %add3A_545 = arith.constant 32 : i32
        %add3A_546 = arith.addi %add3A_544, %add3A_545 : i32
        %swap3A_547 = arith.index_cast %add3A_546 : i32 to index
        %swap3A_548 = tpu.vector_load %arg8[%swap3A_547] {strides = array<i32>} : memref<25608xf32, #tpu.memory_space<vmem>>, vector<16xf32>,
        %swap3A_549 = vector.shape_cast %swap3A_548 : vector<16xf32> to vector<16xf32>
        %swap3A_550 = vector.shape_cast %gather3A_542 : vector<16xf32> to vector<16xf32>
        tpu.vector_store %arg8[%swap3A_547], %swap3A_550 {strides = array<i32>} : memref<25608xf32, #tpu.memory_space<vmem>>, vector<16xf32>,
        %lt3A_551 = arith.constant 0 : i32
        %lt3A_552 = vector.broadcast %lt3A_551 : i32 to vector<16xi32>
        %lt3A_553 = arith.cmpi slt, %get3A_514, %lt3A_552 : vector<16xi32>
        %add3A_554 = arith.constant 16 : i32
        %add3A_555 = vector.broadcast %add3A_554 : i32 to vector<16xi32>
        %add3A_556 = arith.addi %get3A_514, %add3A_555 : vector<16xi32>
        %select_n3A_557 = arith.select %lt3A_553, %add3A_556, %get3A_514 : vector<16xi1>, vector<16xi32>
        %broadcast_in_dim3A_558 = vector.shape_cast %select_n3A_557 : vector<16xi32> to vector<16x1xi32>
        %gather3A_559 = vector.shape_cast %broadcast_in_dim3A_558 : vector<16x1xi32> to vector<16xi32>
        %gather3A_560 = tpu.dynamic_gather %add3A_195[%gather3A_559] in [0] : vector<16xf32>, vector<16xi32> -> vector<16xf32>
        %add3A_561 = arith.constant 400 : i32
        %add3A_562 = arith.addi %mul3A_356, %add3A_561 : i32
        %add3A_563 = arith.constant 32 : i32
        %add3A_564 = arith.addi %add3A_562, %add3A_563 : i32
        %swap3A_565 = arith.index_cast %add3A_564 : i32 to index
        %swap3A_566 = tpu.vector_load %arg8[%swap3A_565] {strides = array<i32>} : memref<25608xf32, #tpu.memory_space<vmem>>, vector<16xf32>,
        %swap3A_567 = vector.shape_cast %swap3A_566 : vector<16xf32> to vector<16xf32>
        %swap3A_568 = vector.shape_cast %gather3A_560 : vector<16xf32> to vector<16xf32>
        tpu.vector_store %arg8[%swap3A_565], %swap3A_568 {strides = array<i32>} : memref<25608xf32, #tpu.memory_space<vmem>>, vector<16xf32>,
        %lt3A_569 = arith.constant 0 : i32
        %lt3A_570 = vector.broadcast %lt3A_569 : i32 to vector<16xi32>
        %lt3A_571 = arith.cmpi slt, %get3A_514, %lt3A_570 : vector<16xi32>
        %add3A_572 = arith.constant 16 : i32
        %add3A_573 = vector.broadcast %add3A_572 : i32 to vector<16xi32>
        %add3A_574 = arith.addi %get3A_514, %add3A_573 : vector<16xi32>
        %select_n3A_575 = arith.select %lt3A_571, %add3A_574, %get3A_514 : vector<16xi1>, vector<16xi32>
        %broadcast_in_dim3A_576 = vector.shape_cast %select_n3A_575 : vector<16xi32> to vector<16x1xi32>
        %gather3A_577 = vector.shape_cast %broadcast_in_dim3A_576 : vector<16x1xi32> to vector<16xi32>
        %gather3A_578 = tpu.dynamic_gather %add3A_257[%gather3A_577] in [0] : vector<16xf32>, vector<16xi32> -> vector<16xf32>
        %add3A_579 = arith.constant 600 : i32
        %add3A_580 = arith.addi %mul3A_356, %add3A_579 : i32
        %add3A_581 = arith.constant 32 : i32
        %add3A_582 = arith.addi %add3A_580, %add3A_581 : i32
        %swap3A_583 = arith.index_cast %add3A_582 : i32 to index
        %swap3A_584 = tpu.vector_load %arg8[%swap3A_583] {strides = array<i32>} : memref<25608xf32, #tpu.memory_space<vmem>>, vector<16xf32>,
        %swap3A_585 = vector.shape_cast %swap3A_584 : vector<16xf32> to vector<16xf32>
        %swap3A_586 = vector.shape_cast %gather3A_578 : vector<16xf32> to vector<16xf32>
        tpu.vector_store %arg8[%swap3A_583], %swap3A_586 {strides = array<i32>} : memref<25608xf32, #tpu.memory_space<vmem>>, vector<16xf32>,
        %add3A_587 = arith.constant 48 : i32
        %add3A_588 = arith.addi %mul3A_352, %add3A_587 : i32
        %get3A_589 = arith.index_cast %add3A_588 : i32 to index
        %get3A_590 = tpu.vector_load %arg6[%get3A_589] {strides = array<i32>} : memref<6408xi32, #tpu.memory_space<vmem>>, vector<16xi32>,
        %get3A_591 = vector.shape_cast %get3A_590 : vector<16xi32> to vector<16xi32>
        %lt3A_592 = arith.constant 0 : i32
        %lt3A_593 = vector.broadcast %lt3A_592 : i32 to vector<16xi32>
        %lt3A_594 = arith.cmpi slt, %get3A_591, %lt3A_593 : vector<16xi32>
        %add3A_595 = arith.constant 16 : i32
        %add3A_596 = vector.broadcast %add3A_595 : i32 to vector<16xi32>
        %add3A_597 = arith.addi %get3A_591, %add3A_596 : vector<16xi32>
        %select_n3A_598 = arith.select %lt3A_594, %add3A_597, %get3A_591 : vector<16xi1>, vector<16xi32>
        %broadcast_in_dim3A_599 = vector.shape_cast %select_n3A_598 : vector<16xi32> to vector<16x1xi32>
        %gather3A_600 = vector.shape_cast %broadcast_in_dim3A_599 : vector<16x1xi32> to vector<16xi32>
        %gather3A_601 = tpu.dynamic_gather %add3A_71[%gather3A_600] in [0] : vector<16xf32>, vector<16xi32> -> vector<16xf32>
        %add3A_602 = arith.constant 0 : i32
        %add3A_603 = arith.addi %mul3A_356, %add3A_602 : i32
        %add3A_604 = arith.constant 48 : i32
        %add3A_605 = arith.addi %add3A_603, %add3A_604 : i32
        %swap3A_606 = arith.index_cast %add3A_605 : i32 to index
        %swap3A_607 = tpu.vector_load %arg8[%swap3A_606] {strides = array<i32>} : memref<25608xf32, #tpu.memory_space<vmem>>, vector<16xf32>,
        %swap3A_608 = vector.shape_cast %swap3A_607 : vector<16xf32> to vector<16xf32>
        %swap3A_609 = vector.shape_cast %gather3A_601 : vector<16xf32> to vector<16xf32>
        tpu.vector_store %arg8[%swap3A_606], %swap3A_609 {strides = array<i32>} : memref<25608xf32, #tpu.memory_space<vmem>>, vector<16xf32>,
        %lt3A_610 = arith.constant 0 : i32
        %lt3A_611 = vector.broadcast %lt3A_610 : i32 to vector<16xi32>
        %lt3A_612 = arith.cmpi slt, %get3A_591, %lt3A_611 : vector<16xi32>
        %add3A_613 = arith.constant 16 : i32
        %add3A_614 = vector.broadcast %add3A_613 : i32 to vector<16xi32>
        %add3A_615 = arith.addi %get3A_591, %add3A_614 : vector<16xi32>
        %select_n3A_616 = arith.select %lt3A_612, %add3A_615, %get3A_591 : vector<16xi1>, vector<16xi32>
        %broadcast_in_dim3A_617 = vector.shape_cast %select_n3A_616 : vector<16xi32> to vector<16x1xi32>
        %gather3A_618 = vector.shape_cast %broadcast_in_dim3A_617 : vector<16x1xi32> to vector<16xi32>
        %gather3A_619 = tpu.dynamic_gather %add3A_133[%gather3A_618] in [0] : vector<16xf32>, vector<16xi32> -> vector<16xf32>
        %add3A_620 = arith.constant 200 : i32
        %add3A_621 = arith.addi %mul3A_356, %add3A_620 : i32
        %add3A_622 = arith.constant 48 : i32
        %add3A_623 = arith.addi %add3A_621, %add3A_622 : i32
        %swap3A_624 = arith.index_cast %add3A_623 : i32 to index
        %swap3A_625 = tpu.vector_load %arg8[%swap3A_624] {strides = array<i32>} : memref<25608xf32, #tpu.memory_space<vmem>>, vector<16xf32>,
        %swap3A_626 = vector.shape_cast %swap3A_625 : vector<16xf32> to vector<16xf32>
        %swap3A_627 = vector.shape_cast %gather3A_619 : vector<16xf32> to vector<16xf32>
        tpu.vector_store %arg8[%swap3A_624], %swap3A_627 {strides = array<i32>} : memref<25608xf32, #tpu.memory_space<vmem>>, vector<16xf32>,
        %lt3A_628 = arith.constant 0 : i32
        %lt3A_629 = vector.broadcast %lt3A_628 : i32 to vector<16xi32>
        %lt3A_630 = arith.cmpi slt, %get3A_591, %lt3A_629 : vector<16xi32>
        %add3A_631 = arith.constant 16 : i32
        %add3A_632 = vector.broadcast %add3A_631 : i32 to vector<16xi32>
        %add3A_633 = arith.addi %get3A_591, %add3A_632 : vector<16xi32>
        %select_n3A_634 = arith.select %lt3A_630, %add3A_633, %get3A_591 : vector<16xi1>, vector<16xi32>
        %broadcast_in_dim3A_635 = vector.shape_cast %select_n3A_634 : vector<16xi32> to vector<16x1xi32>
        %gather3A_636 = vector.shape_cast %broadcast_in_dim3A_635 : vector<16x1xi32> to vector<16xi32>
        %gather3A_637 = tpu.dynamic_gather %add3A_195[%gather3A_636] in [0] : vector<16xf32>, vector<16xi32> -> vector<16xf32>
        %add3A_638 = arith.constant 400 : i32
        %add3A_639 = arith.addi %mul3A_356, %add3A_638 : i32
        %add3A_640 = arith.constant 48 : i32
        %add3A_641 = arith.addi %add3A_639, %add3A_640 : i32
        %swap3A_642 = arith.index_cast %add3A_641 : i32 to index
        %swap3A_643 = tpu.vector_load %arg8[%swap3A_642] {strides = array<i32>} : memref<25608xf32, #tpu.memory_space<vmem>>, vector<16xf32>,
        %swap3A_644 = vector.shape_cast %swap3A_643 : vector<16xf32> to vector<16xf32>
        %swap3A_645 = vector.shape_cast %gather3A_637 : vector<16xf32> to vector<16xf32>
        tpu.vector_store %arg8[%swap3A_642], %swap3A_645 {strides = array<i32>} : memref<25608xf32, #tpu.memory_space<vmem>>, vector<16xf32>,
        %lt3A_646 = arith.constant 0 : i32
        %lt3A_647 = vector.broadcast %lt3A_646 : i32 to vector<16xi32>
        %lt3A_648 = arith.cmpi slt, %get3A_591, %lt3A_647 : vector<16xi32>
        %add3A_649 = arith.constant 16 : i32
        %add3A_650 = vector.broadcast %add3A_649 : i32 to vector<16xi32>
        %add3A_651 = arith.addi %get3A_591, %add3A_650 : vector<16xi32>
        %select_n3A_652 = arith.select %lt3A_648, %add3A_651, %get3A_591 : vector<16xi1>, vector<16xi32>
        %broadcast_in_dim3A_653 = vector.shape_cast %select_n3A_652 : vector<16xi32> to vector<16x1xi32>
        %gather3A_654 = vector.shape_cast %broadcast_in_dim3A_653 : vector<16x1xi32> to vector<16xi32>
        %gather3A_655 = tpu.dynamic_gather %add3A_257[%gather3A_654] in [0] : vector<16xf32>, vector<16xi32> -> vector<16xf32>
        %add3A_656 = arith.constant 600 : i32
        %add3A_657 = arith.addi %mul3A_356, %add3A_656 : i32
        %add3A_658 = arith.constant 48 : i32
        %add3A_659 = arith.addi %add3A_657, %add3A_658 : i32
        %swap3A_660 = arith.index_cast %add3A_659 : i32 to index
        %swap3A_661 = tpu.vector_load %arg8[%swap3A_660] {strides = array<i32>} : memref<25608xf32, #tpu.memory_space<vmem>>, vector<16xf32>,
        %swap3A_662 = vector.shape_cast %swap3A_661 : vector<16xf32> to vector<16xf32>
        %swap3A_663 = vector.shape_cast %gather3A_655 : vector<16xf32> to vector<16xf32>
        tpu.vector_store %arg8[%swap3A_660], %swap3A_663 {strides = array<i32>} : memref<25608xf32, #tpu.memory_space<vmem>>, vector<16xf32>,
        %add3A_664 = arith.constant 64 : i32
        %add3A_665 = arith.addi %mul3A_352, %add3A_664 : i32
        %get3A_666 = arith.index_cast %add3A_665 : i32 to index
        %get3A_667 = tpu.vector_load %arg6[%get3A_666] {strides = array<i32>} : memref<6408xi32, #tpu.memory_space<vmem>>, vector<16xi32>,
        %get3A_668 = vector.shape_cast %get3A_667 : vector<16xi32> to vector<16xi32>
        %lt3A_669 = arith.constant 0 : i32
        %lt3A_670 = vector.broadcast %lt3A_669 : i32 to vector<16xi32>
        %lt3A_671 = arith.cmpi slt, %get3A_668, %lt3A_670 : vector<16xi32>
        %add3A_672 = arith.constant 16 : i32
        %add3A_673 = vector.broadcast %add3A_672 : i32 to vector<16xi32>
        %add3A_674 = arith.addi %get3A_668, %add3A_673 : vector<16xi32>
        %select_n3A_675 = arith.select %lt3A_671, %add3A_674, %get3A_668 : vector<16xi1>, vector<16xi32>
        %broadcast_in_dim3A_676 = vector.shape_cast %select_n3A_675 : vector<16xi32> to vector<16x1xi32>
        %gather3A_677 = vector.shape_cast %broadcast_in_dim3A_676 : vector<16x1xi32> to vector<16xi32>
        %gather3A_678 = tpu.dynamic_gather %add3A_71[%gather3A_677] in [0] : vector<16xf32>, vector<16xi32> -> vector<16xf32>
        %add3A_679 = arith.constant 0 : i32
        %add3A_680 = arith.addi %mul3A_356, %add3A_679 : i32
        %add3A_681 = arith.constant 64 : i32
        %add3A_682 = arith.addi %add3A_680, %add3A_681 : i32
        %swap3A_683 = arith.index_cast %add3A_682 : i32 to index
        %swap3A_684 = tpu.vector_load %arg8[%swap3A_683] {strides = array<i32>} : memref<25608xf32, #tpu.memory_space<vmem>>, vector<16xf32>,
        %swap3A_685 = vector.shape_cast %swap3A_684 : vector<16xf32> to vector<16xf32>
        %swap3A_686 = vector.shape_cast %gather3A_678 : vector<16xf32> to vector<16xf32>
        tpu.vector_store %arg8[%swap3A_683], %swap3A_686 {strides = array<i32>} : memref<25608xf32, #tpu.memory_space<vmem>>, vector<16xf32>,
        %lt3A_687 = arith.constant 0 : i32
        %lt3A_688 = vector.broadcast %lt3A_687 : i32 to vector<16xi32>
        %lt3A_689 = arith.cmpi slt, %get3A_668, %lt3A_688 : vector<16xi32>
        %add3A_690 = arith.constant 16 : i32
        %add3A_691 = vector.broadcast %add3A_690 : i32 to vector<16xi32>
        %add3A_692 = arith.addi %get3A_668, %add3A_691 : vector<16xi32>
        %select_n3A_693 = arith.select %lt3A_689, %add3A_692, %get3A_668 : vector<16xi1>, vector<16xi32>
        %broadcast_in_dim3A_694 = vector.shape_cast %select_n3A_693 : vector<16xi32> to vector<16x1xi32>
        %gather3A_695 = vector.shape_cast %broadcast_in_dim3A_694 : vector<16x1xi32> to vector<16xi32>
        %gather3A_696 = tpu.dynamic_gather %add3A_133[%gather3A_695] in [0] : vector<16xf32>, vector<16xi32> -> vector<16xf32>
        %add3A_697 = arith.constant 200 : i32
        %add3A_698 = arith.addi %mul3A_356, %add3A_697 : i32
        %add3A_699 = arith.constant 64 : i32
        %add3A_700 = arith.addi %add3A_698, %add3A_699 : i32
        %swap3A_701 = arith.index_cast %add3A_700 : i32 to index
        %swap3A_702 = tpu.vector_load %arg8[%swap3A_701] {strides = array<i32>} : memref<25608xf32, #tpu.memory_space<vmem>>, vector<16xf32>,
        %swap3A_703 = vector.shape_cast %swap3A_702 : vector<16xf32> to vector<16xf32>
        %swap3A_704 = vector.shape_cast %gather3A_696 : vector<16xf32> to vector<16xf32>
        tpu.vector_store %arg8[%swap3A_701], %swap3A_704 {strides = array<i32>} : memref<25608xf32, #tpu.memory_space<vmem>>, vector<16xf32>,
        %lt3A_705 = arith.constant 0 : i32
        %lt3A_706 = vector.broadcast %lt3A_705 : i32 to vector<16xi32>
        %lt3A_707 = arith.cmpi slt, %get3A_668, %lt3A_706 : vector<16xi32>
        %add3A_708 = arith.constant 16 : i32
        %add3A_709 = vector.broadcast %add3A_708 : i32 to vector<16xi32>
        %add3A_710 = arith.addi %get3A_668, %add3A_709 : vector<16xi32>
        %select_n3A_711 = arith.select %lt3A_707, %add3A_710, %get3A_668 : vector<16xi1>, vector<16xi32>
        %broadcast_in_dim3A_712 = vector.shape_cast %select_n3A_711 : vector<16xi32> to vector<16x1xi32>
        %gather3A_713 = vector.shape_cast %broadcast_in_dim3A_712 : vector<16x1xi32> to vector<16xi32>
        %gather3A_714 = tpu.dynamic_gather %add3A_195[%gather3A_713] in [0] : vector<16xf32>, vector<16xi32> -> vector<16xf32>
        %add3A_715 = arith.constant 400 : i32
        %add3A_716 = arith.addi %mul3A_356, %add3A_715 : i32
        %add3A_717 = arith.constant 64 : i32
        %add3A_718 = arith.addi %add3A_716, %add3A_717 : i32
        %swap3A_719 = arith.index_cast %add3A_718 : i32 to index
        %swap3A_720 = tpu.vector_load %arg8[%swap3A_719] {strides = array<i32>} : memref<25608xf32, #tpu.memory_space<vmem>>, vector<16xf32>,
        %swap3A_721 = vector.shape_cast %swap3A_720 : vector<16xf32> to vector<16xf32>
        %swap3A_722 = vector.shape_cast %gather3A_714 : vector<16xf32> to vector<16xf32>
        tpu.vector_store %arg8[%swap3A_719], %swap3A_722 {strides = array<i32>} : memref<25608xf32, #tpu.memory_space<vmem>>, vector<16xf32>,
        %lt3A_723 = arith.constant 0 : i32
        %lt3A_724 = vector.broadcast %lt3A_723 : i32 to vector<16xi32>
        %lt3A_725 = arith.cmpi slt, %get3A_668, %lt3A_724 : vector<16xi32>
        %add3A_726 = arith.constant 16 : i32
        %add3A_727 = vector.broadcast %add3A_726 : i32 to vector<16xi32>
        %add3A_728 = arith.addi %get3A_668, %add3A_727 : vector<16xi32>
        %select_n3A_729 = arith.select %lt3A_725, %add3A_728, %get3A_668 : vector<16xi1>, vector<16xi32>
        %broadcast_in_dim3A_730 = vector.shape_cast %select_n3A_729 : vector<16xi32> to vector<16x1xi32>
        %gather3A_731 = vector.shape_cast %broadcast_in_dim3A_730 : vector<16x1xi32> to vector<16xi32>
        %gather3A_732 = tpu.dynamic_gather %add3A_257[%gather3A_731] in [0] : vector<16xf32>, vector<16xi32> -> vector<16xf32>
        %add3A_733 = arith.constant 600 : i32
        %add3A_734 = arith.addi %mul3A_356, %add3A_733 : i32
        %add3A_735 = arith.constant 64 : i32
        %add3A_736 = arith.addi %add3A_734, %add3A_735 : i32
        %swap3A_737 = arith.index_cast %add3A_736 : i32 to index
        %swap3A_738 = tpu.vector_load %arg8[%swap3A_737] {strides = array<i32>} : memref<25608xf32, #tpu.memory_space<vmem>>, vector<16xf32>,
        %swap3A_739 = vector.shape_cast %swap3A_738 : vector<16xf32> to vector<16xf32>
        %swap3A_740 = vector.shape_cast %gather3A_732 : vector<16xf32> to vector<16xf32>
        tpu.vector_store %arg8[%swap3A_737], %swap3A_740 {strides = array<i32>} : memref<25608xf32, #tpu.memory_space<vmem>>, vector<16xf32>,
        %add3A_741 = arith.constant 80 : i32
        %add3A_742 = arith.addi %mul3A_352, %add3A_741 : i32
        %get3A_743 = arith.index_cast %add3A_742 : i32 to index
        %get3A_744 = tpu.vector_load %arg6[%get3A_743] {strides = array<i32>} : memref<6408xi32, #tpu.memory_space<vmem>>, vector<16xi32>,
        %get3A_745 = vector.shape_cast %get3A_744 : vector<16xi32> to vector<16xi32>
        %lt3A_746 = arith.constant 0 : i32
        %lt3A_747 = vector.broadcast %lt3A_746 : i32 to vector<16xi32>
        %lt3A_748 = arith.cmpi slt, %get3A_745, %lt3A_747 : vector<16xi32>
        %add3A_749 = arith.constant 16 : i32
        %add3A_750 = vector.broadcast %add3A_749 : i32 to vector<16xi32>
        %add3A_751 = arith.addi %get3A_745, %add3A_750 : vector<16xi32>
        %select_n3A_752 = arith.select %lt3A_748, %add3A_751, %get3A_745 : vector<16xi1>, vector<16xi32>
        %broadcast_in_dim3A_753 = vector.shape_cast %select_n3A_752 : vector<16xi32> to vector<16x1xi32>
        %gather3A_754 = vector.shape_cast %broadcast_in_dim3A_753 : vector<16x1xi32> to vector<16xi32>
        %gather3A_755 = tpu.dynamic_gather %add3A_71[%gather3A_754] in [0] : vector<16xf32>, vector<16xi32> -> vector<16xf32>
        %add3A_756 = arith.constant 0 : i32
        %add3A_757 = arith.addi %mul3A_356, %add3A_756 : i32
        %add3A_758 = arith.constant 80 : i32
        %add3A_759 = arith.addi %add3A_757, %add3A_758 : i32
        %swap3A_760 = arith.index_cast %add3A_759 : i32 to index
        %swap3A_761 = tpu.vector_load %arg8[%swap3A_760] {strides = array<i32>} : memref<25608xf32, #tpu.memory_space<vmem>>, vector<16xf32>,
        %swap3A_762 = vector.shape_cast %swap3A_761 : vector<16xf32> to vector<16xf32>
        %swap3A_763 = vector.shape_cast %gather3A_755 : vector<16xf32> to vector<16xf32>
        tpu.vector_store %arg8[%swap3A_760], %swap3A_763 {strides = array<i32>} : memref<25608xf32, #tpu.memory_space<vmem>>, vector<16xf32>,
        %lt3A_764 = arith.constant 0 : i32
        %lt3A_765 = vector.broadcast %lt3A_764 : i32 to vector<16xi32>
        %lt3A_766 = arith.cmpi slt, %get3A_745, %lt3A_765 : vector<16xi32>
        %add3A_767 = arith.constant 16 : i32
        %add3A_768 = vector.broadcast %add3A_767 : i32 to vector<16xi32>
        %add3A_769 = arith.addi %get3A_745, %add3A_768 : vector<16xi32>
        %select_n3A_770 = arith.select %lt3A_766, %add3A_769, %get3A_745 : vector<16xi1>, vector<16xi32>
        %broadcast_in_dim3A_771 = vector.shape_cast %select_n3A_770 : vector<16xi32> to vector<16x1xi32>
        %gather3A_772 = vector.shape_cast %broadcast_in_dim3A_771 : vector<16x1xi32> to vector<16xi32>
        %gather3A_773 = tpu.dynamic_gather %add3A_133[%gather3A_772] in [0] : vector<16xf32>, vector<16xi32> -> vector<16xf32>
        %add3A_774 = arith.constant 200 : i32
        %add3A_775 = arith.addi %mul3A_356, %add3A_774 : i32
        %add3A_776 = arith.constant 80 : i32
        %add3A_777 = arith.addi %add3A_775, %add3A_776 : i32
        %swap3A_778 = arith.index_cast %add3A_777 : i32 to index
        %swap3A_779 = tpu.vector_load %arg8[%swap3A_778] {strides = array<i32>} : memref<25608xf32, #tpu.memory_space<vmem>>, vector<16xf32>,
        %swap3A_780 = vector.shape_cast %swap3A_779 : vector<16xf32> to vector<16xf32>
        %swap3A_781 = vector.shape_cast %gather3A_773 : vector<16xf32> to vector<16xf32>
        tpu.vector_store %arg8[%swap3A_778], %swap3A_781 {strides = array<i32>} : memref<25608xf32, #tpu.memory_space<vmem>>, vector<16xf32>,
        %lt3A_782 = arith.constant 0 : i32
        %lt3A_783 = vector.broadcast %lt3A_782 : i32 to vector<16xi32>
        %lt3A_784 = arith.cmpi slt, %get3A_745, %lt3A_783 : vector<16xi32>
        %add3A_785 = arith.constant 16 : i32
        %add3A_786 = vector.broadcast %add3A_785 : i32 to vector<16xi32>
        %add3A_787 = arith.addi %get3A_745, %add3A_786 : vector<16xi32>
        %select_n3A_788 = arith.select %lt3A_784, %add3A_787, %get3A_745 : vector<16xi1>, vector<16xi32>
        %broadcast_in_dim3A_789 = vector.shape_cast %select_n3A_788 : vector<16xi32> to vector<16x1xi32>
        %gather3A_790 = vector.shape_cast %broadcast_in_dim3A_789 : vector<16x1xi32> to vector<16xi32>
        %gather3A_791 = tpu.dynamic_gather %add3A_195[%gather3A_790] in [0] : vector<16xf32>, vector<16xi32> -> vector<16xf32>
        %add3A_792 = arith.constant 400 : i32
        %add3A_793 = arith.addi %mul3A_356, %add3A_792 : i32
        %add3A_794 = arith.constant 80 : i32
        %add3A_795 = arith.addi %add3A_793, %add3A_794 : i32
        %swap3A_796 = arith.index_cast %add3A_795 : i32 to index
        %swap3A_797 = tpu.vector_load %arg8[%swap3A_796] {strides = array<i32>} : memref<25608xf32, #tpu.memory_space<vmem>>, vector<16xf32>,
        %swap3A_798 = vector.shape_cast %swap3A_797 : vector<16xf32> to vector<16xf32>
        %swap3A_799 = vector.shape_cast %gather3A_791 : vector<16xf32> to vector<16xf32>
        tpu.vector_store %arg8[%swap3A_796], %swap3A_799 {strides = array<i32>} : memref<25608xf32, #tpu.memory_space<vmem>>, vector<16xf32>,
        %lt3A_800 = arith.constant 0 : i32
        %lt3A_801 = vector.broadcast %lt3A_800 : i32 to vector<16xi32>
        %lt3A_802 = arith.cmpi slt, %get3A_745, %lt3A_801 : vector<16xi32>
        %add3A_803 = arith.constant 16 : i32
        %add3A_804 = vector.broadcast %add3A_803 : i32 to vector<16xi32>
        %add3A_805 = arith.addi %get3A_745, %add3A_804 : vector<16xi32>
        %select_n3A_806 = arith.select %lt3A_802, %add3A_805, %get3A_745 : vector<16xi1>, vector<16xi32>
        %broadcast_in_dim3A_807 = vector.shape_cast %select_n3A_806 : vector<16xi32> to vector<16x1xi32>
        %gather3A_808 = vector.shape_cast %broadcast_in_dim3A_807 : vector<16x1xi32> to vector<16xi32>
        %gather3A_809 = tpu.dynamic_gather %add3A_257[%gather3A_808] in [0] : vector<16xf32>, vector<16xi32> -> vector<16xf32>
        %add3A_810 = arith.constant 600 : i32
        %add3A_811 = arith.addi %mul3A_356, %add3A_810 : i32
        %add3A_812 = arith.constant 80 : i32
        %add3A_813 = arith.addi %add3A_811, %add3A_812 : i32
        %swap3A_814 = arith.index_cast %add3A_813 : i32 to index
        %swap3A_815 = tpu.vector_load %arg8[%swap3A_814] {strides = array<i32>} : memref<25608xf32, #tpu.memory_space<vmem>>, vector<16xf32>,
        %swap3A_816 = vector.shape_cast %swap3A_815 : vector<16xf32> to vector<16xf32>
        %swap3A_817 = vector.shape_cast %gather3A_809 : vector<16xf32> to vector<16xf32>
        tpu.vector_store %arg8[%swap3A_814], %swap3A_817 {strides = array<i32>} : memref<25608xf32, #tpu.memory_space<vmem>>, vector<16xf32>,
        %add3A_818 = arith.constant 96 : i32
        %add3A_819 = arith.addi %mul3A_352, %add3A_818 : i32
        %get3A_820 = arith.index_cast %add3A_819 : i32 to index
        %get3A_821 = tpu.vector_load %arg6[%get3A_820] {strides = array<i32>} : memref<6408xi32, #tpu.memory_space<vmem>>, vector<16xi32>,
        %get3A_822 = vector.shape_cast %get3A_821 : vector<16xi32> to vector<16xi32>
        %lt3A_823 = arith.constant 0 : i32
        %lt3A_824 = vector.broadcast %lt3A_823 : i32 to vector<16xi32>
        %lt3A_825 = arith.cmpi slt, %get3A_822, %lt3A_824 : vector<16xi32>
        %add3A_826 = arith.constant 16 : i32
        %add3A_827 = vector.broadcast %add3A_826 : i32 to vector<16xi32>
        %add3A_828 = arith.addi %get3A_822, %add3A_827 : vector<16xi32>
        %select_n3A_829 = arith.select %lt3A_825, %add3A_828, %get3A_822 : vector<16xi1>, vector<16xi32>
        %broadcast_in_dim3A_830 = vector.shape_cast %select_n3A_829 : vector<16xi32> to vector<16x1xi32>
        %gather3A_831 = vector.shape_cast %broadcast_in_dim3A_830 : vector<16x1xi32> to vector<16xi32>
        %gather3A_832 = tpu.dynamic_gather %add3A_71[%gather3A_831] in [0] : vector<16xf32>, vector<16xi32> -> vector<16xf32>
        %add3A_833 = arith.constant 0 : i32
        %add3A_834 = arith.addi %mul3A_356, %add3A_833 : i32
        %add3A_835 = arith.constant 96 : i32
        %add3A_836 = arith.addi %add3A_834, %add3A_835 : i32
        %swap3A_837 = arith.index_cast %add3A_836 : i32 to index
        %swap3A_838 = tpu.vector_load %arg8[%swap3A_837] {strides = array<i32>} : memref<25608xf32, #tpu.memory_space<vmem>>, vector<16xf32>,
        %swap3A_839 = vector.shape_cast %swap3A_838 : vector<16xf32> to vector<16xf32>
        %swap3A_840 = vector.shape_cast %gather3A_832 : vector<16xf32> to vector<16xf32>
        tpu.vector_store %arg8[%swap3A_837], %swap3A_840 {strides = array<i32>} : memref<25608xf32, #tpu.memory_space<vmem>>, vector<16xf32>,
        %lt3A_841 = arith.constant 0 : i32
        %lt3A_842 = vector.broadcast %lt3A_841 : i32 to vector<16xi32>
        %lt3A_843 = arith.cmpi slt, %get3A_822, %lt3A_842 : vector<16xi32>
        %add3A_844 = arith.constant 16 : i32
        %add3A_845 = vector.broadcast %add3A_844 : i32 to vector<16xi32>
        %add3A_846 = arith.addi %get3A_822, %add3A_845 : vector<16xi32>
        %select_n3A_847 = arith.select %lt3A_843, %add3A_846, %get3A_822 : vector<16xi1>, vector<16xi32>
        %broadcast_in_dim3A_848 = vector.shape_cast %select_n3A_847 : vector<16xi32> to vector<16x1xi32>
        %gather3A_849 = vector.shape_cast %broadcast_in_dim3A_848 : vector<16x1xi32> to vector<16xi32>
        %gather3A_850 = tpu.dynamic_gather %add3A_133[%gather3A_849] in [0] : vector<16xf32>, vector<16xi32> -> vector<16xf32>
        %add3A_851 = arith.constant 200 : i32
        %add3A_852 = arith.addi %mul3A_356, %add3A_851 : i32
        %add3A_853 = arith.constant 96 : i32
        %add3A_854 = arith.addi %add3A_852, %add3A_853 : i32
        %swap3A_855 = arith.index_cast %add3A_854 : i32 to index
        %swap3A_856 = tpu.vector_load %arg8[%swap3A_855] {strides = array<i32>} : memref<25608xf32, #tpu.memory_space<vmem>>, vector<16xf32>,
        %swap3A_857 = vector.shape_cast %swap3A_856 : vector<16xf32> to vector<16xf32>
        %swap3A_858 = vector.shape_cast %gather3A_850 : vector<16xf32> to vector<16xf32>
        tpu.vector_store %arg8[%swap3A_855], %swap3A_858 {strides = array<i32>} : memref<25608xf32, #tpu.memory_space<vmem>>, vector<16xf32>,
        %lt3A_859 = arith.constant 0 : i32
        %lt3A_860 = vector.broadcast %lt3A_859 : i32 to vector<16xi32>
        %lt3A_861 = arith.cmpi slt, %get3A_822, %lt3A_860 : vector<16xi32>
        %add3A_862 = arith.constant 16 : i32
        %add3A_863 = vector.broadcast %add3A_862 : i32 to vector<16xi32>
        %add3A_864 = arith.addi %get3A_822, %add3A_863 : vector<16xi32>
        %select_n3A_865 = arith.select %lt3A_861, %add3A_864, %get3A_822 : vector<16xi1>, vector<16xi32>
        %broadcast_in_dim3A_866 = vector.shape_cast %select_n3A_865 : vector<16xi32> to vector<16x1xi32>
        %gather3A_867 = vector.shape_cast %broadcast_in_dim3A_866 : vector<16x1xi32> to vector<16xi32>
        %gather3A_868 = tpu.dynamic_gather %add3A_195[%gather3A_867] in [0] : vector<16xf32>, vector<16xi32> -> vector<16xf32>
        %add3A_869 = arith.constant 400 : i32
        %add3A_870 = arith.addi %mul3A_356, %add3A_869 : i32
        %add3A_871 = arith.constant 96 : i32
        %add3A_872 = arith.addi %add3A_870, %add3A_871 : i32
        %swap3A_873 = arith.index_cast %add3A_872 : i32 to index
        %swap3A_874 = tpu.vector_load %arg8[%swap3A_873] {strides = array<i32>} : memref<25608xf32, #tpu.memory_space<vmem>>, vector<16xf32>,
        %swap3A_875 = vector.shape_cast %swap3A_874 : vector<16xf32> to vector<16xf32>
        %swap3A_876 = vector.shape_cast %gather3A_868 : vector<16xf32> to vector<16xf32>
        tpu.vector_store %arg8[%swap3A_873], %swap3A_876 {strides = array<i32>} : memref<25608xf32, #tpu.memory_space<vmem>>, vector<16xf32>,
        %lt3A_877 = arith.constant 0 : i32
        %lt3A_878 = vector.broadcast %lt3A_877 : i32 to vector<16xi32>
        %lt3A_879 = arith.cmpi slt, %get3A_822, %lt3A_878 : vector<16xi32>
        %add3A_880 = arith.constant 16 : i32
        %add3A_881 = vector.broadcast %add3A_880 : i32 to vector<16xi32>
        %add3A_882 = arith.addi %get3A_822, %add3A_881 : vector<16xi32>
        %select_n3A_883 = arith.select %lt3A_879, %add3A_882, %get3A_822 : vector<16xi1>, vector<16xi32>
        %broadcast_in_dim3A_884 = vector.shape_cast %select_n3A_883 : vector<16xi32> to vector<16x1xi32>
        %gather3A_885 = vector.shape_cast %broadcast_in_dim3A_884 : vector<16x1xi32> to vector<16xi32>
        %gather3A_886 = tpu.dynamic_gather %add3A_257[%gather3A_885] in [0] : vector<16xf32>, vector<16xi32> -> vector<16xf32>
        %add3A_887 = arith.constant 600 : i32
        %add3A_888 = arith.addi %mul3A_356, %add3A_887 : i32
        %add3A_889 = arith.constant 96 : i32
        %add3A_890 = arith.addi %add3A_888, %add3A_889 : i32
        %swap3A_891 = arith.index_cast %add3A_890 : i32 to index
        %swap3A_892 = tpu.vector_load %arg8[%swap3A_891] {strides = array<i32>} : memref<25608xf32, #tpu.memory_space<vmem>>, vector<16xf32>,
        %swap3A_893 = vector.shape_cast %swap3A_892 : vector<16xf32> to vector<16xf32>
        %swap3A_894 = vector.shape_cast %gather3A_886 : vector<16xf32> to vector<16xf32>
        tpu.vector_store %arg8[%swap3A_891], %swap3A_894 {strides = array<i32>} : memref<25608xf32, #tpu.memory_space<vmem>>, vector<16xf32>,
        %add3A_895 = arith.constant 112 : i32
        %add3A_896 = arith.addi %mul3A_352, %add3A_895 : i32
        %get3A_897 = arith.index_cast %add3A_896 : i32 to index
        %get3A_898 = tpu.vector_load %arg6[%get3A_897] {strides = array<i32>} : memref<6408xi32, #tpu.memory_space<vmem>>, vector<16xi32>,
        %get3A_899 = vector.shape_cast %get3A_898 : vector<16xi32> to vector<16xi32>
        %lt3A_900 = arith.constant 0 : i32
        %lt3A_901 = vector.broadcast %lt3A_900 : i32 to vector<16xi32>
        %lt3A_902 = arith.cmpi slt, %get3A_899, %lt3A_901 : vector<16xi32>
        %add3A_903 = arith.constant 16 : i32
        %add3A_904 = vector.broadcast %add3A_903 : i32 to vector<16xi32>
        %add3A_905 = arith.addi %get3A_899, %add3A_904 : vector<16xi32>
        %select_n3A_906 = arith.select %lt3A_902, %add3A_905, %get3A_899 : vector<16xi1>, vector<16xi32>
        %broadcast_in_dim3A_907 = vector.shape_cast %select_n3A_906 : vector<16xi32> to vector<16x1xi32>
        %gather3A_908 = vector.shape_cast %broadcast_in_dim3A_907 : vector<16x1xi32> to vector<16xi32>
        %gather3A_909 = tpu.dynamic_gather %add3A_71[%gather3A_908] in [0] : vector<16xf32>, vector<16xi32> -> vector<16xf32>
        %add3A_910 = arith.constant 0 : i32
        %add3A_911 = arith.addi %mul3A_356, %add3A_910 : i32
        %add3A_912 = arith.constant 112 : i32
        %add3A_913 = arith.addi %add3A_911, %add3A_912 : i32
        %swap3A_914 = arith.index_cast %add3A_913 : i32 to index
        %swap3A_915 = tpu.vector_load %arg8[%swap3A_914] {strides = array<i32>} : memref<25608xf32, #tpu.memory_space<vmem>>, vector<16xf32>,
        %swap3A_916 = vector.shape_cast %swap3A_915 : vector<16xf32> to vector<16xf32>
        %swap3A_917 = vector.shape_cast %gather3A_909 : vector<16xf32> to vector<16xf32>
        tpu.vector_store %arg8[%swap3A_914], %swap3A_917 {strides = array<i32>} : memref<25608xf32, #tpu.memory_space<vmem>>, vector<16xf32>,
        %lt3A_918 = arith.constant 0 : i32
        %lt3A_919 = vector.broadcast %lt3A_918 : i32 to vector<16xi32>
        %lt3A_920 = arith.cmpi slt, %get3A_899, %lt3A_919 : vector<16xi32>
        %add3A_921 = arith.constant 16 : i32
        %add3A_922 = vector.broadcast %add3A_921 : i32 to vector<16xi32>
        %add3A_923 = arith.addi %get3A_899, %add3A_922 : vector<16xi32>
        %select_n3A_924 = arith.select %lt3A_920, %add3A_923, %get3A_899 : vector<16xi1>, vector<16xi32>
        %broadcast_in_dim3A_925 = vector.shape_cast %select_n3A_924 : vector<16xi32> to vector<16x1xi32>
        %gather3A_926 = vector.shape_cast %broadcast_in_dim3A_925 : vector<16x1xi32> to vector<16xi32>
        %gather3A_927 = tpu.dynamic_gather %add3A_133[%gather3A_926] in [0] : vector<16xf32>, vector<16xi32> -> vector<16xf32>
        %add3A_928 = arith.constant 200 : i32
        %add3A_929 = arith.addi %mul3A_356, %add3A_928 : i32
        %add3A_930 = arith.constant 112 : i32
        %add3A_931 = arith.addi %add3A_929, %add3A_930 : i32
        %swap3A_932 = arith.index_cast %add3A_931 : i32 to index
        %swap3A_933 = tpu.vector_load %arg8[%swap3A_932] {strides = array<i32>} : memref<25608xf32, #tpu.memory_space<vmem>>, vector<16xf32>,
        %swap3A_934 = vector.shape_cast %swap3A_933 : vector<16xf32> to vector<16xf32>
        %swap3A_935 = vector.shape_cast %gather3A_927 : vector<16xf32> to vector<16xf32>
        tpu.vector_store %arg8[%swap3A_932], %swap3A_935 {strides = array<i32>} : memref<25608xf32, #tpu.memory_space<vmem>>, vector<16xf32>,
        %lt3A_936 = arith.constant 0 : i32
        %lt3A_937 = vector.broadcast %lt3A_936 : i32 to vector<16xi32>
        %lt3A_938 = arith.cmpi slt, %get3A_899, %lt3A_937 : vector<16xi32>
        %add3A_939 = arith.constant 16 : i32
        %add3A_940 = vector.broadcast %add3A_939 : i32 to vector<16xi32>
        %add3A_941 = arith.addi %get3A_899, %add3A_940 : vector<16xi32>
        %select_n3A_942 = arith.select %lt3A_938, %add3A_941, %get3A_899 : vector<16xi1>, vector<16xi32>
        %broadcast_in_dim3A_943 = vector.shape_cast %select_n3A_942 : vector<16xi32> to vector<16x1xi32>
        %gather3A_944 = vector.shape_cast %broadcast_in_dim3A_943 : vector<16x1xi32> to vector<16xi32>
        %gather3A_945 = tpu.dynamic_gather %add3A_195[%gather3A_944] in [0] : vector<16xf32>, vector<16xi32> -> vector<16xf32>
        %add3A_946 = arith.constant 400 : i32
        %add3A_947 = arith.addi %mul3A_356, %add3A_946 : i32
        %add3A_948 = arith.constant 112 : i32
        %add3A_949 = arith.addi %add3A_947, %add3A_948 : i32
        %swap3A_950 = arith.index_cast %add3A_949 : i32 to index
        %swap3A_951 = tpu.vector_load %arg8[%swap3A_950] {strides = array<i32>} : memref<25608xf32, #tpu.memory_space<vmem>>, vector<16xf32>,
        %swap3A_952 = vector.shape_cast %swap3A_951 : vector<16xf32> to vector<16xf32>
        %swap3A_953 = vector.shape_cast %gather3A_945 : vector<16xf32> to vector<16xf32>
        tpu.vector_store %arg8[%swap3A_950], %swap3A_953 {strides = array<i32>} : memref<25608xf32, #tpu.memory_space<vmem>>, vector<16xf32>,
        %lt3A_954 = arith.constant 0 : i32
        %lt3A_955 = vector.broadcast %lt3A_954 : i32 to vector<16xi32>
        %lt3A_956 = arith.cmpi slt, %get3A_899, %lt3A_955 : vector<16xi32>
        %add3A_957 = arith.constant 16 : i32
        %add3A_958 = vector.broadcast %add3A_957 : i32 to vector<16xi32>
        %add3A_959 = arith.addi %get3A_899, %add3A_958 : vector<16xi32>
        %select_n3A_960 = arith.select %lt3A_956, %add3A_959, %get3A_899 : vector<16xi1>, vector<16xi32>
        %broadcast_in_dim3A_961 = vector.shape_cast %select_n3A_960 : vector<16xi32> to vector<16x1xi32>
        %gather3A_962 = vector.shape_cast %broadcast_in_dim3A_961 : vector<16x1xi32> to vector<16xi32>
        %gather3A_963 = tpu.dynamic_gather %add3A_257[%gather3A_962] in [0] : vector<16xf32>, vector<16xi32> -> vector<16xf32>
        %add3A_964 = arith.constant 600 : i32
        %add3A_965 = arith.addi %mul3A_356, %add3A_964 : i32
        %add3A_966 = arith.constant 112 : i32
        %add3A_967 = arith.addi %add3A_965, %add3A_966 : i32
        %swap3A_968 = arith.index_cast %add3A_967 : i32 to index
        %swap3A_969 = tpu.vector_load %arg8[%swap3A_968] {strides = array<i32>} : memref<25608xf32, #tpu.memory_space<vmem>>, vector<16xf32>,
        %swap3A_970 = vector.shape_cast %swap3A_969 : vector<16xf32> to vector<16xf32>
        %swap3A_971 = vector.shape_cast %gather3A_963 : vector<16xf32> to vector<16xf32>
        tpu.vector_store %arg8[%swap3A_968], %swap3A_971 {strides = array<i32>} : memref<25608xf32, #tpu.memory_space<vmem>>, vector<16xf32>,
        %add3A_972 = arith.constant 128 : i32
        %add3A_973 = arith.addi %mul3A_352, %add3A_972 : i32
        %get3A_974 = arith.index_cast %add3A_973 : i32 to index
        %get3A_975 = tpu.vector_load %arg6[%get3A_974] {strides = array<i32>} : memref<6408xi32, #tpu.memory_space<vmem>>, vector<16xi32>,
        %get3A_976 = vector.shape_cast %get3A_975 : vector<16xi32> to vector<16xi32>
        %lt3A_977 = arith.constant 0 : i32
        %lt3A_978 = vector.broadcast %lt3A_977 : i32 to vector<16xi32>
        %lt3A_979 = arith.cmpi slt, %get3A_976, %lt3A_978 : vector<16xi32>
        %add3A_980 = arith.constant 16 : i32
        %add3A_981 = vector.broadcast %add3A_980 : i32 to vector<16xi32>
        %add3A_982 = arith.addi %get3A_976, %add3A_981 : vector<16xi32>
        %select_n3A_983 = arith.select %lt3A_979, %add3A_982, %get3A_976 : vector<16xi1>, vector<16xi32>
        %broadcast_in_dim3A_984 = vector.shape_cast %select_n3A_983 : vector<16xi32> to vector<16x1xi32>
        %gather3A_985 = vector.shape_cast %broadcast_in_dim3A_984 : vector<16x1xi32> to vector<16xi32>
        %gather3A_986 = tpu.dynamic_gather %add3A_71[%gather3A_985] in [0] : vector<16xf32>, vector<16xi32> -> vector<16xf32>
        %add3A_987 = arith.constant 0 : i32
        %add3A_988 = arith.addi %mul3A_356, %add3A_987 : i32
        %add3A_989 = arith.constant 128 : i32
        %add3A_990 = arith.addi %add3A_988, %add3A_989 : i32
        %swap3A_991 = arith.index_cast %add3A_990 : i32 to index
        %swap3A_992 = tpu.vector_load %arg8[%swap3A_991] {strides = array<i32>} : memref<25608xf32, #tpu.memory_space<vmem>>, vector<16xf32>,
        %swap3A_993 = vector.shape_cast %swap3A_992 : vector<16xf32> to vector<16xf32>
        %swap3A_994 = vector.shape_cast %gather3A_986 : vector<16xf32> to vector<16xf32>
        tpu.vector_store %arg8[%swap3A_991], %swap3A_994 {strides = array<i32>} : memref<25608xf32, #tpu.memory_space<vmem>>, vector<16xf32>,
        %lt3A_995 = arith.constant 0 : i32
        %lt3A_996 = vector.broadcast %lt3A_995 : i32 to vector<16xi32>
        %lt3A_997 = arith.cmpi slt, %get3A_976, %lt3A_996 : vector<16xi32>
        %add3A_998 = arith.constant 16 : i32
        %add3A_999 = vector.broadcast %add3A_998 : i32 to vector<16xi32>
        %add3A_1000 = arith.addi %get3A_976, %add3A_999 : vector<16xi32>
        %select_n3A_1001 = arith.select %lt3A_997, %add3A_1000, %get3A_976 : vector<16xi1>, vector<16xi32>
        %broadcast_in_dim3A_1002 = vector.shape_cast %select_n3A_1001 : vector<16xi32> to vector<16x1xi32>
        %gather3A_1003 = vector.shape_cast %broadcast_in_dim3A_1002 : vector<16x1xi32> to vector<16xi32>
        %gather3A_1004 = tpu.dynamic_gather %add3A_133[%gather3A_1003] in [0] : vector<16xf32>, vector<16xi32> -> vector<16xf32>
        %add3A_1005 = arith.constant 200 : i32
        %add3A_1006 = arith.addi %mul3A_356, %add3A_1005 : i32
        %add3A_1007 = arith.constant 128 : i32
        %add3A_1008 = arith.addi %add3A_1006, %add3A_1007 : i32
        %swap3A_1009 = arith.index_cast %add3A_1008 : i32 to index
        %swap3A_1010 = tpu.vector_load %arg8[%swap3A_1009] {strides = array<i32>} : memref<25608xf32, #tpu.memory_space<vmem>>, vector<16xf32>,
        %swap3A_1011 = vector.shape_cast %swap3A_1010 : vector<16xf32> to vector<16xf32>
        %swap3A_1012 = vector.shape_cast %gather3A_1004 : vector<16xf32> to vector<16xf32>
        tpu.vector_store %arg8[%swap3A_1009], %swap3A_1012 {strides = array<i32>} : memref<25608xf32, #tpu.memory_space<vmem>>, vector<16xf32>,
        %lt3A_1013 = arith.constant 0 : i32
        %lt3A_1014 = vector.broadcast %lt3A_1013 : i32 to vector<16xi32>
        %lt3A_1015 = arith.cmpi slt, %get3A_976, %lt3A_1014 : vector<16xi32>
        %add3A_1016 = arith.constant 16 : i32
        %add3A_1017 = vector.broadcast %add3A_1016 : i32 to vector<16xi32>
        %add3A_1018 = arith.addi %get3A_976, %add3A_1017 : vector<16xi32>
        %select_n3A_1019 = arith.select %lt3A_1015, %add3A_1018, %get3A_976 : vector<16xi1>, vector<16xi32>
        %broadcast_in_dim3A_1020 = vector.shape_cast %select_n3A_1019 : vector<16xi32> to vector<16x1xi32>
        %gather3A_1021 = vector.shape_cast %broadcast_in_dim3A_1020 : vector<16x1xi32> to vector<16xi32>
        %gather3A_1022 = tpu.dynamic_gather %add3A_195[%gather3A_1021] in [0] : vector<16xf32>, vector<16xi32> -> vector<16xf32>
        %add3A_1023 = arith.constant 400 : i32
        %add3A_1024 = arith.addi %mul3A_356, %add3A_1023 : i32
        %add3A_1025 = arith.constant 128 : i32
        %add3A_1026 = arith.addi %add3A_1024, %add3A_1025 : i32
        %swap3A_1027 = arith.index_cast %add3A_1026 : i32 to index
        %swap3A_1028 = tpu.vector_load %arg8[%swap3A_1027] {strides = array<i32>} : memref<25608xf32, #tpu.memory_space<vmem>>, vector<16xf32>,
        %swap3A_1029 = vector.shape_cast %swap3A_1028 : vector<16xf32> to vector<16xf32>
        %swap3A_1030 = vector.shape_cast %gather3A_1022 : vector<16xf32> to vector<16xf32>
        tpu.vector_store %arg8[%swap3A_1027], %swap3A_1030 {strides = array<i32>} : memref<25608xf32, #tpu.memory_space<vmem>>, vector<16xf32>,
        %lt3A_1031 = arith.constant 0 : i32
        %lt3A_1032 = vector.broadcast %lt3A_1031 : i32 to vector<16xi32>
        %lt3A_1033 = arith.cmpi slt, %get3A_976, %lt3A_1032 : vector<16xi32>
        %add3A_1034 = arith.constant 16 : i32
        %add3A_1035 = vector.broadcast %add3A_1034 : i32 to vector<16xi32>
        %add3A_1036 = arith.addi %get3A_976, %add3A_1035 : vector<16xi32>
        %select_n3A_1037 = arith.select %lt3A_1033, %add3A_1036, %get3A_976 : vector<16xi1>, vector<16xi32>
        %broadcast_in_dim3A_1038 = vector.shape_cast %select_n3A_1037 : vector<16xi32> to vector<16x1xi32>
        %gather3A_1039 = vector.shape_cast %broadcast_in_dim3A_1038 : vector<16x1xi32> to vector<16xi32>
        %gather3A_1040 = tpu.dynamic_gather %add3A_257[%gather3A_1039] in [0] : vector<16xf32>, vector<16xi32> -> vector<16xf32>
        %add3A_1041 = arith.constant 600 : i32
        %add3A_1042 = arith.addi %mul3A_356, %add3A_1041 : i32
        %add3A_1043 = arith.constant 128 : i32
        %add3A_1044 = arith.addi %add3A_1042, %add3A_1043 : i32
        %swap3A_1045 = arith.index_cast %add3A_1044 : i32 to index
        %swap3A_1046 = tpu.vector_load %arg8[%swap3A_1045] {strides = array<i32>} : memref<25608xf32, #tpu.memory_space<vmem>>, vector<16xf32>,
        %swap3A_1047 = vector.shape_cast %swap3A_1046 : vector<16xf32> to vector<16xf32>
        %swap3A_1048 = vector.shape_cast %gather3A_1040 : vector<16xf32> to vector<16xf32>
        tpu.vector_store %arg8[%swap3A_1045], %swap3A_1048 {strides = array<i32>} : memref<25608xf32, #tpu.memory_space<vmem>>, vector<16xf32>,
        %add3A_1049 = arith.constant 144 : i32
        %add3A_1050 = arith.addi %mul3A_352, %add3A_1049 : i32
        %get3A_1051 = arith.index_cast %add3A_1050 : i32 to index
        %get3A_1052 = tpu.vector_load %arg6[%get3A_1051] {strides = array<i32>} : memref<6408xi32, #tpu.memory_space<vmem>>, vector<16xi32>,
        %get3A_1053 = vector.shape_cast %get3A_1052 : vector<16xi32> to vector<16xi32>
        %lt3A_1054 = arith.constant 0 : i32
        %lt3A_1055 = vector.broadcast %lt3A_1054 : i32 to vector<16xi32>
        %lt3A_1056 = arith.cmpi slt, %get3A_1053, %lt3A_1055 : vector<16xi32>
        %add3A_1057 = arith.constant 16 : i32
        %add3A_1058 = vector.broadcast %add3A_1057 : i32 to vector<16xi32>
        %add3A_1059 = arith.addi %get3A_1053, %add3A_1058 : vector<16xi32>
        %select_n3A_1060 = arith.select %lt3A_1056, %add3A_1059, %get3A_1053 : vector<16xi1>, vector<16xi32>
        %broadcast_in_dim3A_1061 = vector.shape_cast %select_n3A_1060 : vector<16xi32> to vector<16x1xi32>
        %gather3A_1062 = vector.shape_cast %broadcast_in_dim3A_1061 : vector<16x1xi32> to vector<16xi32>
        %gather3A_1063 = tpu.dynamic_gather %add3A_71[%gather3A_1062] in [0] : vector<16xf32>, vector<16xi32> -> vector<16xf32>
        %add3A_1064 = arith.constant 0 : i32
        %add3A_1065 = arith.addi %mul3A_356, %add3A_1064 : i32
        %add3A_1066 = arith.constant 144 : i32
        %add3A_1067 = arith.addi %add3A_1065, %add3A_1066 : i32
        %swap3A_1068 = arith.index_cast %add3A_1067 : i32 to index
        %swap3A_1069 = tpu.vector_load %arg8[%swap3A_1068] {strides = array<i32>} : memref<25608xf32, #tpu.memory_space<vmem>>, vector<16xf32>,
        %swap3A_1070 = vector.shape_cast %swap3A_1069 : vector<16xf32> to vector<16xf32>
        %swap3A_1071 = vector.shape_cast %gather3A_1063 : vector<16xf32> to vector<16xf32>
        tpu.vector_store %arg8[%swap3A_1068], %swap3A_1071 {strides = array<i32>} : memref<25608xf32, #tpu.memory_space<vmem>>, vector<16xf32>,
        %lt3A_1072 = arith.constant 0 : i32
        %lt3A_1073 = vector.broadcast %lt3A_1072 : i32 to vector<16xi32>
        %lt3A_1074 = arith.cmpi slt, %get3A_1053, %lt3A_1073 : vector<16xi32>
        %add3A_1075 = arith.constant 16 : i32
        %add3A_1076 = vector.broadcast %add3A_1075 : i32 to vector<16xi32>
        %add3A_1077 = arith.addi %get3A_1053, %add3A_1076 : vector<16xi32>
        %select_n3A_1078 = arith.select %lt3A_1074, %add3A_1077, %get3A_1053 : vector<16xi1>, vector<16xi32>
        %broadcast_in_dim3A_1079 = vector.shape_cast %select_n3A_1078 : vector<16xi32> to vector<16x1xi32>
        %gather3A_1080 = vector.shape_cast %broadcast_in_dim3A_1079 : vector<16x1xi32> to vector<16xi32>
        %gather3A_1081 = tpu.dynamic_gather %add3A_133[%gather3A_1080] in [0] : vector<16xf32>, vector<16xi32> -> vector<16xf32>
        %add3A_1082 = arith.constant 200 : i32
        %add3A_1083 = arith.addi %mul3A_356, %add3A_1082 : i32
        %add3A_1084 = arith.constant 144 : i32
        %add3A_1085 = arith.addi %add3A_1083, %add3A_1084 : i32
        %swap3A_1086 = arith.index_cast %add3A_1085 : i32 to index
        %swap3A_1087 = tpu.vector_load %arg8[%swap3A_1086] {strides = array<i32>} : memref<25608xf32, #tpu.memory_space<vmem>>, vector<16xf32>,
        %swap3A_1088 = vector.shape_cast %swap3A_1087 : vector<16xf32> to vector<16xf32>
        %swap3A_1089 = vector.shape_cast %gather3A_1081 : vector<16xf32> to vector<16xf32>
        tpu.vector_store %arg8[%swap3A_1086], %swap3A_1089 {strides = array<i32>} : memref<25608xf32, #tpu.memory_space<vmem>>, vector<16xf32>,
        %lt3A_1090 = arith.constant 0 : i32
        %lt3A_1091 = vector.broadcast %lt3A_1090 : i32 to vector<16xi32>
        %lt3A_1092 = arith.cmpi slt, %get3A_1053, %lt3A_1091 : vector<16xi32>
        %add3A_1093 = arith.constant 16 : i32
        %add3A_1094 = vector.broadcast %add3A_1093 : i32 to vector<16xi32>
        %add3A_1095 = arith.addi %get3A_1053, %add3A_1094 : vector<16xi32>
        %select_n3A_1096 = arith.select %lt3A_1092, %add3A_1095, %get3A_1053 : vector<16xi1>, vector<16xi32>
        %broadcast_in_dim3A_1097 = vector.shape_cast %select_n3A_1096 : vector<16xi32> to vector<16x1xi32>
        %gather3A_1098 = vector.shape_cast %broadcast_in_dim3A_1097 : vector<16x1xi32> to vector<16xi32>
        %gather3A_1099 = tpu.dynamic_gather %add3A_195[%gather3A_1098] in [0] : vector<16xf32>, vector<16xi32> -> vector<16xf32>
        %add3A_1100 = arith.constant 400 : i32
        %add3A_1101 = arith.addi %mul3A_356, %add3A_1100 : i32
        %add3A_1102 = arith.constant 144 : i32
        %add3A_1103 = arith.addi %add3A_1101, %add3A_1102 : i32
        %swap3A_1104 = arith.index_cast %add3A_1103 : i32 to index
        %swap3A_1105 = tpu.vector_load %arg8[%swap3A_1104] {strides = array<i32>} : memref<25608xf32, #tpu.memory_space<vmem>>, vector<16xf32>,
        %swap3A_1106 = vector.shape_cast %swap3A_1105 : vector<16xf32> to vector<16xf32>
        %swap3A_1107 = vector.shape_cast %gather3A_1099 : vector<16xf32> to vector<16xf32>
        tpu.vector_store %arg8[%swap3A_1104], %swap3A_1107 {strides = array<i32>} : memref<25608xf32, #tpu.memory_space<vmem>>, vector<16xf32>,
        %lt3A_1108 = arith.constant 0 : i32
        %lt3A_1109 = vector.broadcast %lt3A_1108 : i32 to vector<16xi32>
        %lt3A_1110 = arith.cmpi slt, %get3A_1053, %lt3A_1109 : vector<16xi32>
        %add3A_1111 = arith.constant 16 : i32
        %add3A_1112 = vector.broadcast %add3A_1111 : i32 to vector<16xi32>
        %add3A_1113 = arith.addi %get3A_1053, %add3A_1112 : vector<16xi32>
        %select_n3A_1114 = arith.select %lt3A_1110, %add3A_1113, %get3A_1053 : vector<16xi1>, vector<16xi32>
        %broadcast_in_dim3A_1115 = vector.shape_cast %select_n3A_1114 : vector<16xi32> to vector<16x1xi32>
        %gather3A_1116 = vector.shape_cast %broadcast_in_dim3A_1115 : vector<16x1xi32> to vector<16xi32>
        %gather3A_1117 = tpu.dynamic_gather %add3A_257[%gather3A_1116] in [0] : vector<16xf32>, vector<16xi32> -> vector<16xf32>
        %add3A_1118 = arith.constant 600 : i32
        %add3A_1119 = arith.addi %mul3A_356, %add3A_1118 : i32
        %add3A_1120 = arith.constant 144 : i32
        %add3A_1121 = arith.addi %add3A_1119, %add3A_1120 : i32
        %swap3A_1122 = arith.index_cast %add3A_1121 : i32 to index
        %swap3A_1123 = tpu.vector_load %arg8[%swap3A_1122] {strides = array<i32>} : memref<25608xf32, #tpu.memory_space<vmem>>, vector<16xf32>,
        %swap3A_1124 = vector.shape_cast %swap3A_1123 : vector<16xf32> to vector<16xf32>
        %swap3A_1125 = vector.shape_cast %gather3A_1117 : vector<16xf32> to vector<16xf32>
        tpu.vector_store %arg8[%swap3A_1122], %swap3A_1125 {strides = array<i32>} : memref<25608xf32, #tpu.memory_space<vmem>>, vector<16xf32>,
        %add3A_1126 = arith.constant 160 : i32
        %add3A_1127 = arith.addi %mul3A_352, %add3A_1126 : i32
        %get3A_1128 = arith.index_cast %add3A_1127 : i32 to index
        %get3A_1129 = tpu.vector_load %arg6[%get3A_1128] {strides = array<i32>} : memref<6408xi32, #tpu.memory_space<vmem>>, vector<16xi32>,
        %get3A_1130 = vector.shape_cast %get3A_1129 : vector<16xi32> to vector<16xi32>
        %lt3A_1131 = arith.constant 0 : i32
        %lt3A_1132 = vector.broadcast %lt3A_1131 : i32 to vector<16xi32>
        %lt3A_1133 = arith.cmpi slt, %get3A_1130, %lt3A_1132 : vector<16xi32>
        %add3A_1134 = arith.constant 16 : i32
        %add3A_1135 = vector.broadcast %add3A_1134 : i32 to vector<16xi32>
        %add3A_1136 = arith.addi %get3A_1130, %add3A_1135 : vector<16xi32>
        %select_n3A_1137 = arith.select %lt3A_1133, %add3A_1136, %get3A_1130 : vector<16xi1>, vector<16xi32>
        %broadcast_in_dim3A_1138 = vector.shape_cast %select_n3A_1137 : vector<16xi32> to vector<16x1xi32>
        %gather3A_1139 = vector.shape_cast %broadcast_in_dim3A_1138 : vector<16x1xi32> to vector<16xi32>
        %gather3A_1140 = tpu.dynamic_gather %add3A_71[%gather3A_1139] in [0] : vector<16xf32>, vector<16xi32> -> vector<16xf32>
        %add3A_1141 = arith.constant 0 : i32
        %add3A_1142 = arith.addi %mul3A_356, %add3A_1141 : i32
        %add3A_1143 = arith.constant 160 : i32
        %add3A_1144 = arith.addi %add3A_1142, %add3A_1143 : i32
        %swap3A_1145 = arith.index_cast %add3A_1144 : i32 to index
        %swap3A_1146 = tpu.vector_load %arg8[%swap3A_1145] {strides = array<i32>} : memref<25608xf32, #tpu.memory_space<vmem>>, vector<16xf32>,
        %swap3A_1147 = vector.shape_cast %swap3A_1146 : vector<16xf32> to vector<16xf32>
        %swap3A_1148 = vector.shape_cast %gather3A_1140 : vector<16xf32> to vector<16xf32>
        tpu.vector_store %arg8[%swap3A_1145], %swap3A_1148 {strides = array<i32>} : memref<25608xf32, #tpu.memory_space<vmem>>, vector<16xf32>,
        %lt3A_1149 = arith.constant 0 : i32
        %lt3A_1150 = vector.broadcast %lt3A_1149 : i32 to vector<16xi32>
        %lt3A_1151 = arith.cmpi slt, %get3A_1130, %lt3A_1150 : vector<16xi32>
        %add3A_1152 = arith.constant 16 : i32
        %add3A_1153 = vector.broadcast %add3A_1152 : i32 to vector<16xi32>
        %add3A_1154 = arith.addi %get3A_1130, %add3A_1153 : vector<16xi32>
        %select_n3A_1155 = arith.select %lt3A_1151, %add3A_1154, %get3A_1130 : vector<16xi1>, vector<16xi32>
        %broadcast_in_dim3A_1156 = vector.shape_cast %select_n3A_1155 : vector<16xi32> to vector<16x1xi32>
        %gather3A_1157 = vector.shape_cast %broadcast_in_dim3A_1156 : vector<16x1xi32> to vector<16xi32>
        %gather3A_1158 = tpu.dynamic_gather %add3A_133[%gather3A_1157] in [0] : vector<16xf32>, vector<16xi32> -> vector<16xf32>
        %add3A_1159 = arith.constant 200 : i32
        %add3A_1160 = arith.addi %mul3A_356, %add3A_1159 : i32
        %add3A_1161 = arith.constant 160 : i32
        %add3A_1162 = arith.addi %add3A_1160, %add3A_1161 : i32
        %swap3A_1163 = arith.index_cast %add3A_1162 : i32 to index
        %swap3A_1164 = tpu.vector_load %arg8[%swap3A_1163] {strides = array<i32>} : memref<25608xf32, #tpu.memory_space<vmem>>, vector<16xf32>,
        %swap3A_1165 = vector.shape_cast %swap3A_1164 : vector<16xf32> to vector<16xf32>
        %swap3A_1166 = vector.shape_cast %gather3A_1158 : vector<16xf32> to vector<16xf32>
        tpu.vector_store %arg8[%swap3A_1163], %swap3A_1166 {strides = array<i32>} : memref<25608xf32, #tpu.memory_space<vmem>>, vector<16xf32>,
        %lt3A_1167 = arith.constant 0 : i32
        %lt3A_1168 = vector.broadcast %lt3A_1167 : i32 to vector<16xi32>
        %lt3A_1169 = arith.cmpi slt, %get3A_1130, %lt3A_1168 : vector<16xi32>
        %add3A_1170 = arith.constant 16 : i32
        %add3A_1171 = vector.broadcast %add3A_1170 : i32 to vector<16xi32>
        %add3A_1172 = arith.addi %get3A_1130, %add3A_1171 : vector<16xi32>
        %select_n3A_1173 = arith.select %lt3A_1169, %add3A_1172, %get3A_1130 : vector<16xi1>, vector<16xi32>
        %broadcast_in_dim3A_1174 = vector.shape_cast %select_n3A_1173 : vector<16xi32> to vector<16x1xi32>
        %gather3A_1175 = vector.shape_cast %broadcast_in_dim3A_1174 : vector<16x1xi32> to vector<16xi32>
        %gather3A_1176 = tpu.dynamic_gather %add3A_195[%gather3A_1175] in [0] : vector<16xf32>, vector<16xi32> -> vector<16xf32>
        %add3A_1177 = arith.constant 400 : i32
        %add3A_1178 = arith.addi %mul3A_356, %add3A_1177 : i32
        %add3A_1179 = arith.constant 160 : i32
        %add3A_1180 = arith.addi %add3A_1178, %add3A_1179 : i32
        %swap3A_1181 = arith.index_cast %add3A_1180 : i32 to index
        %swap3A_1182 = tpu.vector_load %arg8[%swap3A_1181] {strides = array<i32>} : memref<25608xf32, #tpu.memory_space<vmem>>, vector<16xf32>,
        %swap3A_1183 = vector.shape_cast %swap3A_1182 : vector<16xf32> to vector<16xf32>
        %swap3A_1184 = vector.shape_cast %gather3A_1176 : vector<16xf32> to vector<16xf32>
        tpu.vector_store %arg8[%swap3A_1181], %swap3A_1184 {strides = array<i32>} : memref<25608xf32, #tpu.memory_space<vmem>>, vector<16xf32>,
        %lt3A_1185 = arith.constant 0 : i32
        %lt3A_1186 = vector.broadcast %lt3A_1185 : i32 to vector<16xi32>
        %lt3A_1187 = arith.cmpi slt, %get3A_1130, %lt3A_1186 : vector<16xi32>
        %add3A_1188 = arith.constant 16 : i32
        %add3A_1189 = vector.broadcast %add3A_1188 : i32 to vector<16xi32>
        %add3A_1190 = arith.addi %get3A_1130, %add3A_1189 : vector<16xi32>
        %select_n3A_1191 = arith.select %lt3A_1187, %add3A_1190, %get3A_1130 : vector<16xi1>, vector<16xi32>
        %broadcast_in_dim3A_1192 = vector.shape_cast %select_n3A_1191 : vector<16xi32> to vector<16x1xi32>
        %gather3A_1193 = vector.shape_cast %broadcast_in_dim3A_1192 : vector<16x1xi32> to vector<16xi32>
        %gather3A_1194 = tpu.dynamic_gather %add3A_257[%gather3A_1193] in [0] : vector<16xf32>, vector<16xi32> -> vector<16xf32>
        %add3A_1195 = arith.constant 600 : i32
        %add3A_1196 = arith.addi %mul3A_356, %add3A_1195 : i32
        %add3A_1197 = arith.constant 160 : i32
        %add3A_1198 = arith.addi %add3A_1196, %add3A_1197 : i32
        %swap3A_1199 = arith.index_cast %add3A_1198 : i32 to index
        %swap3A_1200 = tpu.vector_load %arg8[%swap3A_1199] {strides = array<i32>} : memref<25608xf32, #tpu.memory_space<vmem>>, vector<16xf32>,
        %swap3A_1201 = vector.shape_cast %swap3A_1200 : vector<16xf32> to vector<16xf32>
        %swap3A_1202 = vector.shape_cast %gather3A_1194 : vector<16xf32> to vector<16xf32>
        tpu.vector_store %arg8[%swap3A_1199], %swap3A_1202 {strides = array<i32>} : memref<25608xf32, #tpu.memory_space<vmem>>, vector<16xf32>,
        %add3A_1203 = arith.constant 176 : i32
        %add3A_1204 = arith.addi %mul3A_352, %add3A_1203 : i32
        %get3A_1205 = arith.index_cast %add3A_1204 : i32 to index
        %get3A_1206 = tpu.vector_load %arg6[%get3A_1205] {strides = array<i32>} : memref<6408xi32, #tpu.memory_space<vmem>>, vector<16xi32>,
        %get3A_1207 = vector.shape_cast %get3A_1206 : vector<16xi32> to vector<16xi32>
        %lt3A_1208 = arith.constant 0 : i32
        %lt3A_1209 = vector.broadcast %lt3A_1208 : i32 to vector<16xi32>
        %lt3A_1210 = arith.cmpi slt, %get3A_1207, %lt3A_1209 : vector<16xi32>
        %add3A_1211 = arith.constant 16 : i32
        %add3A_1212 = vector.broadcast %add3A_1211 : i32 to vector<16xi32>
        %add3A_1213 = arith.addi %get3A_1207, %add3A_1212 : vector<16xi32>
        %select_n3A_1214 = arith.select %lt3A_1210, %add3A_1213, %get3A_1207 : vector<16xi1>, vector<16xi32>
        %broadcast_in_dim3A_1215 = vector.shape_cast %select_n3A_1214 : vector<16xi32> to vector<16x1xi32>
        %gather3A_1216 = vector.shape_cast %broadcast_in_dim3A_1215 : vector<16x1xi32> to vector<16xi32>
        %gather3A_1217 = tpu.dynamic_gather %add3A_71[%gather3A_1216] in [0] : vector<16xf32>, vector<16xi32> -> vector<16xf32>
        %add3A_1218 = arith.constant 0 : i32
        %add3A_1219 = arith.addi %mul3A_356, %add3A_1218 : i32
        %add3A_1220 = arith.constant 176 : i32
        %add3A_1221 = arith.addi %add3A_1219, %add3A_1220 : i32
        %swap3A_1222 = arith.index_cast %add3A_1221 : i32 to index
        %swap3A_1223 = tpu.vector_load %arg8[%swap3A_1222] {strides = array<i32>} : memref<25608xf32, #tpu.memory_space<vmem>>, vector<16xf32>,
        %swap3A_1224 = vector.shape_cast %swap3A_1223 : vector<16xf32> to vector<16xf32>
        %swap3A_1225 = vector.shape_cast %gather3A_1217 : vector<16xf32> to vector<16xf32>
        tpu.vector_store %arg8[%swap3A_1222], %swap3A_1225 {strides = array<i32>} : memref<25608xf32, #tpu.memory_space<vmem>>, vector<16xf32>,
        %lt3A_1226 = arith.constant 0 : i32
        %lt3A_1227 = vector.broadcast %lt3A_1226 : i32 to vector<16xi32>
        %lt3A_1228 = arith.cmpi slt, %get3A_1207, %lt3A_1227 : vector<16xi32>
        %add3A_1229 = arith.constant 16 : i32
        %add3A_1230 = vector.broadcast %add3A_1229 : i32 to vector<16xi32>
        %add3A_1231 = arith.addi %get3A_1207, %add3A_1230 : vector<16xi32>
        %select_n3A_1232 = arith.select %lt3A_1228, %add3A_1231, %get3A_1207 : vector<16xi1>, vector<16xi32>
        %broadcast_in_dim3A_1233 = vector.shape_cast %select_n3A_1232 : vector<16xi32> to vector<16x1xi32>
        %gather3A_1234 = vector.shape_cast %broadcast_in_dim3A_1233 : vector<16x1xi32> to vector<16xi32>
        %gather3A_1235 = tpu.dynamic_gather %add3A_133[%gather3A_1234] in [0] : vector<16xf32>, vector<16xi32> -> vector<16xf32>
        %add3A_1236 = arith.constant 200 : i32
        %add3A_1237 = arith.addi %mul3A_356, %add3A_1236 : i32
        %add3A_1238 = arith.constant 176 : i32
        %add3A_1239 = arith.addi %add3A_1237, %add3A_1238 : i32
        %swap3A_1240 = arith.index_cast %add3A_1239 : i32 to index
        %swap3A_1241 = tpu.vector_load %arg8[%swap3A_1240] {strides = array<i32>} : memref<25608xf32, #tpu.memory_space<vmem>>, vector<16xf32>,
        %swap3A_1242 = vector.shape_cast %swap3A_1241 : vector<16xf32> to vector<16xf32>
        %swap3A_1243 = vector.shape_cast %gather3A_1235 : vector<16xf32> to vector<16xf32>
        tpu.vector_store %arg8[%swap3A_1240], %swap3A_1243 {strides = array<i32>} : memref<25608xf32, #tpu.memory_space<vmem>>, vector<16xf32>,
        %lt3A_1244 = arith.constant 0 : i32
        %lt3A_1245 = vector.broadcast %lt3A_1244 : i32 to vector<16xi32>
        %lt3A_1246 = arith.cmpi slt, %get3A_1207, %lt3A_1245 : vector<16xi32>
        %add3A_1247 = arith.constant 16 : i32
        %add3A_1248 = vector.broadcast %add3A_1247 : i32 to vector<16xi32>
        %add3A_1249 = arith.addi %get3A_1207, %add3A_1248 : vector<16xi32>
        %select_n3A_1250 = arith.select %lt3A_1246, %add3A_1249, %get3A_1207 : vector<16xi1>, vector<16xi32>
        %broadcast_in_dim3A_1251 = vector.shape_cast %select_n3A_1250 : vector<16xi32> to vector<16x1xi32>
        %gather3A_1252 = vector.shape_cast %broadcast_in_dim3A_1251 : vector<16x1xi32> to vector<16xi32>
        %gather3A_1253 = tpu.dynamic_gather %add3A_195[%gather3A_1252] in [0] : vector<16xf32>, vector<16xi32> -> vector<16xf32>
        %add3A_1254 = arith.constant 400 : i32
        %add3A_1255 = arith.addi %mul3A_356, %add3A_1254 : i32
        %add3A_1256 = arith.constant 176 : i32
        %add3A_1257 = arith.addi %add3A_1255, %add3A_1256 : i32
        %swap3A_1258 = arith.index_cast %add3A_1257 : i32 to index
        %swap3A_1259 = tpu.vector_load %arg8[%swap3A_1258] {strides = array<i32>} : memref<25608xf32, #tpu.memory_space<vmem>>, vector<16xf32>,
        %swap3A_1260 = vector.shape_cast %swap3A_1259 : vector<16xf32> to vector<16xf32>
        %swap3A_1261 = vector.shape_cast %gather3A_1253 : vector<16xf32> to vector<16xf32>
        tpu.vector_store %arg8[%swap3A_1258], %swap3A_1261 {strides = array<i32>} : memref<25608xf32, #tpu.memory_space<vmem>>, vector<16xf32>,
        %lt3A_1262 = arith.constant 0 : i32
        %lt3A_1263 = vector.broadcast %lt3A_1262 : i32 to vector<16xi32>
        %lt3A_1264 = arith.cmpi slt, %get3A_1207, %lt3A_1263 : vector<16xi32>
        %add3A_1265 = arith.constant 16 : i32
        %add3A_1266 = vector.broadcast %add3A_1265 : i32 to vector<16xi32>
        %add3A_1267 = arith.addi %get3A_1207, %add3A_1266 : vector<16xi32>
        %select_n3A_1268 = arith.select %lt3A_1264, %add3A_1267, %get3A_1207 : vector<16xi1>, vector<16xi32>
        %broadcast_in_dim3A_1269 = vector.shape_cast %select_n3A_1268 : vector<16xi32> to vector<16x1xi32>
        %gather3A_1270 = vector.shape_cast %broadcast_in_dim3A_1269 : vector<16x1xi32> to vector<16xi32>
        %gather3A_1271 = tpu.dynamic_gather %add3A_257[%gather3A_1270] in [0] : vector<16xf32>, vector<16xi32> -> vector<16xf32>
        %add3A_1272 = arith.constant 600 : i32
        %add3A_1273 = arith.addi %mul3A_356, %add3A_1272 : i32
        %add3A_1274 = arith.constant 176 : i32
        %add3A_1275 = arith.addi %add3A_1273, %add3A_1274 : i32
        %swap3A_1276 = arith.index_cast %add3A_1275 : i32 to index
        %swap3A_1277 = tpu.vector_load %arg8[%swap3A_1276] {strides = array<i32>} : memref<25608xf32, #tpu.memory_space<vmem>>, vector<16xf32>,
        %swap3A_1278 = vector.shape_cast %swap3A_1277 : vector<16xf32> to vector<16xf32>
        %swap3A_1279 = vector.shape_cast %gather3A_1271 : vector<16xf32> to vector<16xf32>
        tpu.vector_store %arg8[%swap3A_1276], %swap3A_1279 {strides = array<i32>} : memref<25608xf32, #tpu.memory_space<vmem>>, vector<16xf32>,
        %add3A_1280 = arith.constant 200 : i32
        %add3A_1281 = arith.addi %mul3A_352, %add3A_1280 : i32
        %sub3A = arith.constant 16 : i32
        %sub3A_1282 = arith.subi %add3A_1281, %sub3A : i32
        %get3A_1283 = arith.index_cast %sub3A_1282 : i32 to index
        %get3A_1284 = tpu.vector_load %arg6[%get3A_1283] {strides = array<i32>} : memref<6408xi32, #tpu.memory_space<vmem>>, vector<16xi32>,
        %get3A_1285 = vector.shape_cast %get3A_1284 : vector<16xi32> to vector<16xi32>
        %lt3A_1286 = arith.constant 0 : i32
        %lt3A_1287 = vector.broadcast %lt3A_1286 : i32 to vector<16xi32>
        %lt3A_1288 = arith.cmpi slt, %get3A_1285, %lt3A_1287 : vector<16xi32>
        %add3A_1289 = arith.constant 16 : i32
        %add3A_1290 = vector.broadcast %add3A_1289 : i32 to vector<16xi32>
        %add3A_1291 = arith.addi %get3A_1285, %add3A_1290 : vector<16xi32>
        %select_n3A_1292 = arith.select %lt3A_1288, %add3A_1291, %get3A_1285 : vector<16xi1>, vector<16xi32>
        %broadcast_in_dim3A_1293 = vector.shape_cast %select_n3A_1292 : vector<16xi32> to vector<16x1xi32>
        %gather3A_1294 = vector.shape_cast %broadcast_in_dim3A_1293 : vector<16x1xi32> to vector<16xi32>
        %gather3A_1295 = tpu.dynamic_gather %add3A_71[%gather3A_1294] in [0] : vector<16xf32>, vector<16xi32> -> vector<16xf32>
        %add3A_1296 = arith.constant 0 : i32
        %add3A_1297 = arith.addi %mul3A_356, %add3A_1296 : i32
        %add3A_1298 = arith.constant 200 : i32
        %add3A_1299 = arith.addi %add3A_1297, %add3A_1298 : i32
        %sub3A_1300 = arith.constant 16 : i32
        %sub3A_1301 = arith.subi %add3A_1299, %sub3A_1300 : i32
        %swap3A_1302 = arith.index_cast %sub3A_1301 : i32 to index
        %swap3A_1303 = tpu.vector_load %arg8[%swap3A_1302] {strides = array<i32>} : memref<25608xf32, #tpu.memory_space<vmem>>, vector<16xf32>,
        %swap3A_1304 = vector.shape_cast %swap3A_1303 : vector<16xf32> to vector<16xf32>
        %swap3A_1305 = vector.shape_cast %gather3A_1295 : vector<16xf32> to vector<16xf32>
        tpu.vector_store %arg8[%swap3A_1302], %swap3A_1305 {strides = array<i32>} : memref<25608xf32, #tpu.memory_space<vmem>>, vector<16xf32>,
        %lt3A_1306 = arith.constant 0 : i32
        %lt3A_1307 = vector.broadcast %lt3A_1306 : i32 to vector<16xi32>
        %lt3A_1308 = arith.cmpi slt, %get3A_1285, %lt3A_1307 : vector<16xi32>
        %add3A_1309 = arith.constant 16 : i32
        %add3A_1310 = vector.broadcast %add3A_1309 : i32 to vector<16xi32>
        %add3A_1311 = arith.addi %get3A_1285, %add3A_1310 : vector<16xi32>
        %select_n3A_1312 = arith.select %lt3A_1308, %add3A_1311, %get3A_1285 : vector<16xi1>, vector<16xi32>
        %broadcast_in_dim3A_1313 = vector.shape_cast %select_n3A_1312 : vector<16xi32> to vector<16x1xi32>
        %gather3A_1314 = vector.shape_cast %broadcast_in_dim3A_1313 : vector<16x1xi32> to vector<16xi32>
        %gather3A_1315 = tpu.dynamic_gather %add3A_133[%gather3A_1314] in [0] : vector<16xf32>, vector<16xi32> -> vector<16xf32>
        %add3A_1316 = arith.constant 200 : i32
        %add3A_1317 = arith.addi %mul3A_356, %add3A_1316 : i32
        %add3A_1318 = arith.constant 200 : i32
        %add3A_1319 = arith.addi %add3A_1317, %add3A_1318 : i32
        %sub3A_1320 = arith.constant 16 : i32
        %sub3A_1321 = arith.subi %add3A_1319, %sub3A_1320 : i32
        %swap3A_1322 = arith.index_cast %sub3A_1321 : i32 to index
        %swap3A_1323 = tpu.vector_load %arg8[%swap3A_1322] {strides = array<i32>} : memref<25608xf32, #tpu.memory_space<vmem>>, vector<16xf32>,
        %swap3A_1324 = vector.shape_cast %swap3A_1323 : vector<16xf32> to vector<16xf32>
        %swap3A_1325 = vector.shape_cast %gather3A_1315 : vector<16xf32> to vector<16xf32>
        tpu.vector_store %arg8[%swap3A_1322], %swap3A_1325 {strides = array<i32>} : memref<25608xf32, #tpu.memory_space<vmem>>, vector<16xf32>,
        %lt3A_1326 = arith.constant 0 : i32
        %lt3A_1327 = vector.broadcast %lt3A_1326 : i32 to vector<16xi32>
        %lt3A_1328 = arith.cmpi slt, %get3A_1285, %lt3A_1327 : vector<16xi32>
        %add3A_1329 = arith.constant 16 : i32
        %add3A_1330 = vector.broadcast %add3A_1329 : i32 to vector<16xi32>
        %add3A_1331 = arith.addi %get3A_1285, %add3A_1330 : vector<16xi32>
        %select_n3A_1332 = arith.select %lt3A_1328, %add3A_1331, %get3A_1285 : vector<16xi1>, vector<16xi32>
        %broadcast_in_dim3A_1333 = vector.shape_cast %select_n3A_1332 : vector<16xi32> to vector<16x1xi32>
        %gather3A_1334 = vector.shape_cast %broadcast_in_dim3A_1333 : vector<16x1xi32> to vector<16xi32>
        %gather3A_1335 = tpu.dynamic_gather %add3A_195[%gather3A_1334] in [0] : vector<16xf32>, vector<16xi32> -> vector<16xf32>
        %add3A_1336 = arith.constant 400 : i32
        %add3A_1337 = arith.addi %mul3A_356, %add3A_1336 : i32
        %add3A_1338 = arith.constant 200 : i32
        %add3A_1339 = arith.addi %add3A_1337, %add3A_1338 : i32
        %sub3A_1340 = arith.constant 16 : i32
        %sub3A_1341 = arith.subi %add3A_1339, %sub3A_1340 : i32
        %swap3A_1342 = arith.index_cast %sub3A_1341 : i32 to index
        %swap3A_1343 = tpu.vector_load %arg8[%swap3A_1342] {strides = array<i32>} : memref<25608xf32, #tpu.memory_space<vmem>>, vector<16xf32>,
        %swap3A_1344 = vector.shape_cast %swap3A_1343 : vector<16xf32> to vector<16xf32>
        %swap3A_1345 = vector.shape_cast %gather3A_1335 : vector<16xf32> to vector<16xf32>
        tpu.vector_store %arg8[%swap3A_1342], %swap3A_1345 {strides = array<i32>} : memref<25608xf32, #tpu.memory_space<vmem>>, vector<16xf32>,
        %lt3A_1346 = arith.constant 0 : i32
        %lt3A_1347 = vector.broadcast %lt3A_1346 : i32 to vector<16xi32>
        %lt3A_1348 = arith.cmpi slt, %get3A_1285, %lt3A_1347 : vector<16xi32>
        %add3A_1349 = arith.constant 16 : i32
        %add3A_1350 = vector.broadcast %add3A_1349 : i32 to vector<16xi32>
        %add3A_1351 = arith.addi %get3A_1285, %add3A_1350 : vector<16xi32>
        %select_n3A_1352 = arith.select %lt3A_1348, %add3A_1351, %get3A_1285 : vector<16xi1>, vector<16xi32>
        %broadcast_in_dim3A_1353 = vector.shape_cast %select_n3A_1352 : vector<16xi32> to vector<16x1xi32>
        %gather3A_1354 = vector.shape_cast %broadcast_in_dim3A_1353 : vector<16x1xi32> to vector<16xi32>
        %gather3A_1355 = tpu.dynamic_gather %add3A_257[%gather3A_1354] in [0] : vector<16xf32>, vector<16xi32> -> vector<16xf32>
        %add3A_1356 = arith.constant 600 : i32
        %add3A_1357 = arith.addi %mul3A_356, %add3A_1356 : i32
        %add3A_1358 = arith.constant 200 : i32
        %add3A_1359 = arith.addi %add3A_1357, %add3A_1358 : i32
        %sub3A_1360 = arith.constant 16 : i32
        %sub3A_1361 = arith.subi %add3A_1359, %sub3A_1360 : i32
        %swap3A_1362 = arith.index_cast %sub3A_1361 : i32 to index
        %swap3A_1363 = tpu.vector_load %arg8[%swap3A_1362] {strides = array<i32>} : memref<25608xf32, #tpu.memory_space<vmem>>, vector<16xf32>,
        %swap3A_1364 = vector.shape_cast %swap3A_1363 : vector<16xf32> to vector<16xf32>
        %swap3A_1365 = vector.shape_cast %gather3A_1355 : vector<16xf32> to vector<16xf32>
        tpu.vector_store %arg8[%swap3A_1362], %swap3A_1365 {strides = array<i32>} : memref<25608xf32, #tpu.memory_space<vmem>>, vector<16xf32>,
      }
      %scan3A_303 = arith.constant 32 : i32
      %mul3A_304 = arith.constant 25600 : i32
      %mul3A_305 = arith.muli %mul3A_290, %mul3A_304 : i32
      %add3A_306 = arith.addi %mul3A_267, %mul3A_305 : i32
      %dma_start3A_307 = arith.constant 0 : i32
      %dma_start3A_308 = tpu.memref_slice %arg8[%dma_start3A_307] : memref<25608xf32, #tpu.memory_space<vmem>> -> memref<25600xf32, #tpu.memory_space<vmem>>
      %dma_start3A_309 = tpu.memref_slice %arg4[%add3A_306] : memref<13107200xf32, #tpu.memory_space<hbm>> -> memref<25600xf32, #tpu.memory_space<hbm>>
      %dma_start3A_310 = tpu.memref_slice %arg4[%add3A_306] : memref<13107200xf32, #tpu.memory_space<hbm>> -> memref<25600xf32, #tpu.memory_space<hbm>>
      %dma_start3A_311 = arith.constant 0 : i32
      %dma_start3A_312 = tpu.memref_slice %arg8[%dma_start3A_311] : memref<25608xf32, #tpu.memory_space<vmem>> -> memref<25600xf32, #tpu.memory_space<vmem>>
      tpu.enqueue_dma source(%dma_start3A_312 : memref<25600xf32, #tpu.memory_space<vmem>>) target(%dma_start3A_310 : memref<25600xf32, #tpu.memory_space<hbm>>) target_semaphore(%arg12 : memref<!tpu.dma_semaphore, #tpu.memory_space<semaphore_mem>>)
      %add3A_313 = arith.constant 1 : i32
      %add3A_314 = arith.addi %scan3A_288, %add3A_313 : i32
      %lt3A_315 = arith.constant 8 : i32
      %lt3A_316 = arith.cmpi slt, %add3A_314, %lt3A_315 : i32
      %convert_element_type3A = arith.extui %lt3A_316 : i1 to i32
      %cond3A = arith.constant 0 : i32
      %cond3A_317 = arith.cmpi ne, %convert_element_type3A, %cond3A : i32
      scf.if %cond3A_317 {
        %add3A_350 = arith.constant 2 : i32
        %add3A_351 = arith.addi %mul3A_290, %add3A_350 : i32
        %mul3A_352 = arith.constant 6400 : i32
        %mul3A_353 = arith.muli %add3A_351, %mul3A_352 : i32
        %add3A_354 = arith.addi %mul3A_261, %mul3A_353 : i32
        %dma_start3A_355 = arith.constant 0 : i32
        %dma_start3A_356 = tpu.memref_slice %arg6[%dma_start3A_355] : memref<6408xi32, #tpu.memory_space<vmem>> -> memref<6400xi32, #tpu.memory_space<vmem>>
        %dma_start3A_357 = tpu.memref_slice %arg2[%add3A_354] : memref<3276800xi32, #tpu.memory_space<hbm>> -> memref<6400xi32, #tpu.memory_space<hbm>>
        %dma_start3A_358 = arith.constant 0 : i32
        %dma_start3A_359 = tpu.memref_slice %arg6[%dma_start3A_358] : memref<6408xi32, #tpu.memory_space<vmem>> -> memref<6400xi32, #tpu.memory_space<vmem>>
        %dma_start3A_360 = tpu.memref_slice %arg2[%add3A_354] : memref<3276800xi32, #tpu.memory_space<hbm>> -> memref<6400xi32, #tpu.memory_space<hbm>>
        tpu.enqueue_dma source(%dma_start3A_360 : memref<6400xi32, #tpu.memory_space<hbm>>) target(%dma_start3A_359 : memref<6400xi32, #tpu.memory_space<vmem>>) target_semaphore(%arg10 : memref<!tpu.dma_semaphore, #tpu.memory_space<semaphore_mem>>)
      } else {
      }
      %dma_wait3A_318 = arith.constant 0 : i32
      %dma_wait3A_319 = tpu.memref_slice %arg7[%dma_wait3A_318] : memref<6408xi32, #tpu.memory_space<vmem>> -> memref<6400xi32, #tpu.memory_space<vmem>>
      %dma_wait3A_320 = arith.constant 0 : i32
      %dma_wait3A_321 = tpu.memref_slice %arg2[%dma_wait3A_320] : memref<3276800xi32, #tpu.memory_space<hbm>> -> memref<6400xi32, #tpu.memory_space<hbm>>
      %dma_wait3A_322 = arith.constant 0 : i32
      %dma_wait3A_323 = tpu.memref_slice %arg7[%dma_wait3A_322] : memref<6408xi32, #tpu.memory_space<vmem>> -> memref<6400xi32, #tpu.memory_space<vmem>>
      %dma_wait3A_324 = arith.constant 0 : i32
      %dma_wait3A_325 = tpu.memref_slice %arg2[%dma_wait3A_324] : memref<3276800xi32, #tpu.memory_space<hbm>> -> memref<6400xi32, #tpu.memory_space<hbm>>
      tpu.wait_dma2 semaphore(%arg11 : memref<!tpu.dma_semaphore, #tpu.memory_space<semaphore_mem>>) src(%dma_wait3A_325 : memref<6400xi32, #tpu.memory_space<hbm>>) dst(%dma_wait3A_323 : memref<6400xi32, #tpu.memory_space<vmem>>)
      %scan3A_326 = arith.constant 0 : i32
      %scan3A_327 = arith.constant 0 : i32
      %scan3A_328 = arith.constant 32 : i32
      %scan3A_329 = arith.addi %scan3A_327, %scan3A_328 : i32
      %scan3A_330 = arith.constant 1 : i32
      scf.for %scan3A_350 = %scan3A_327 to %scan3A_329 step %scan3A_330  : i32 {
        %mul3A_351 = arith.constant 200 : i32
        %mul3A_352 = arith.muli %scan3A_350, %mul3A_351 : i32
        %mul3A_353 = arith.constant 200 : i32
        %mul3A_354 = arith.muli %scan3A_350, %mul3A_353 : i32
        %mul3A_355 = arith.constant 4 : i32
        %mul3A_356 = arith.muli %mul3A_354, %mul3A_355 : i32
        %add3A_357 = arith.constant 0 : i32
        %add3A_358 = arith.addi %mul3A_352, %add3A_357 : i32
        %get3A_359 = arith.index_cast %add3A_358 : i32 to index
        %get3A_360 = tpu.vector_load %arg7[%get3A_359] {strides = array<i32>} : memref<6408xi32, #tpu.memory_space<vmem>>, vector<16xi32>,
        %get3A_361 = vector.shape_cast %get3A_360 : vector<16xi32> to vector<16xi32>
        %lt3A_362 = arith.constant 0 : i32
        %lt3A_363 = vector.broadcast %lt3A_362 : i32 to vector<16xi32>
        %lt3A_364 = arith.cmpi slt, %get3A_361, %lt3A_363 : vector<16xi32>
        %add3A_365 = arith.constant 16 : i32
        %add3A_366 = vector.broadcast %add3A_365 : i32 to vector<16xi32>
        %add3A_367 = arith.addi %get3A_361, %add3A_366 : vector<16xi32>
        %select_n3A_368 = arith.select %lt3A_364, %add3A_367, %get3A_361 : vector<16xi1>, vector<16xi32>
        %broadcast_in_dim3A_369 = vector.shape_cast %select_n3A_368 : vector<16xi32> to vector<16x1xi32>
        %gather3A_370 = vector.shape_cast %broadcast_in_dim3A_369 : vector<16x1xi32> to vector<16xi32>
        %gather3A_371 = tpu.dynamic_gather %add3A_71[%gather3A_370] in [0] : vector<16xf32>, vector<16xi32> -> vector<16xf32>
        %add3A_372 = arith.constant 0 : i32
        %add3A_373 = arith.addi %mul3A_356, %add3A_372 : i32
        %add3A_374 = arith.constant 0 : i32
        %add3A_375 = arith.addi %add3A_373, %add3A_374 : i32
        %swap3A = arith.index_cast %add3A_375 : i32 to index
        %swap3A_376 = tpu.vector_load %arg9[%swap3A] {strides = array<i32>} : memref<25608xf32, #tpu.memory_space<vmem>>, vector<16xf32>,
        %swap3A_377 = vector.shape_cast %swap3A_376 : vector<16xf32> to vector<16xf32>
        %swap3A_378 = vector.shape_cast %gather3A_371 : vector<16xf32> to vector<16xf32>
        tpu.vector_store %arg9[%swap3A], %swap3A_378 {strides = array<i32>} : memref<25608xf32, #tpu.memory_space<vmem>>, vector<16xf32>,
        %lt3A_379 = arith.constant 0 : i32
        %lt3A_380 = vector.broadcast %lt3A_379 : i32 to vector<16xi32>
        %lt3A_381 = arith.cmpi slt, %get3A_361, %lt3A_380 : vector<16xi32>
        %add3A_382 = arith.constant 16 : i32
        %add3A_383 = vector.broadcast %add3A_382 : i32 to vector<16xi32>
        %add3A_384 = arith.addi %get3A_361, %add3A_383 : vector<16xi32>
        %select_n3A_385 = arith.select %lt3A_381, %add3A_384, %get3A_361 : vector<16xi1>, vector<16xi32>
        %broadcast_in_dim3A_386 = vector.shape_cast %select_n3A_385 : vector<16xi32> to vector<16x1xi32>
        %gather3A_387 = vector.shape_cast %broadcast_in_dim3A_386 : vector<16x1xi32> to vector<16xi32>
        %gather3A_388 = tpu.dynamic_gather %add3A_133[%gather3A_387] in [0] : vector<16xf32>, vector<16xi32> -> vector<16xf32>
        %add3A_389 = arith.constant 200 : i32
        %add3A_390 = arith.addi %mul3A_356, %add3A_389 : i32
        %add3A_391 = arith.constant 0 : i32
        %add3A_392 = arith.addi %add3A_390, %add3A_391 : i32
        %swap3A_393 = arith.index_cast %add3A_392 : i32 to index
        %swap3A_394 = tpu.vector_load %arg9[%swap3A_393] {strides = array<i32>} : memref<25608xf32, #tpu.memory_space<vmem>>, vector<16xf32>,
        %swap3A_395 = vector.shape_cast %swap3A_394 : vector<16xf32> to vector<16xf32>
        %swap3A_396 = vector.shape_cast %gather3A_388 : vector<16xf32> to vector<16xf32>
        tpu.vector_store %arg9[%swap3A_393], %swap3A_396 {strides = array<i32>} : memref<25608xf32, #tpu.memory_space<vmem>>, vector<16xf32>,
        %lt3A_397 = arith.constant 0 : i32
        %lt3A_398 = vector.broadcast %lt3A_397 : i32 to vector<16xi32>
        %lt3A_399 = arith.cmpi slt, %get3A_361, %lt3A_398 : vector<16xi32>
        %add3A_400 = arith.constant 16 : i32
        %add3A_401 = vector.broadcast %add3A_400 : i32 to vector<16xi32>
        %add3A_402 = arith.addi %get3A_361, %add3A_401 : vector<16xi32>
        %select_n3A_403 = arith.select %lt3A_399, %add3A_402, %get3A_361 : vector<16xi1>, vector<16xi32>
        %broadcast_in_dim3A_404 = vector.shape_cast %select_n3A_403 : vector<16xi32> to vector<16x1xi32>
        %gather3A_405 = vector.shape_cast %broadcast_in_dim3A_404 : vector<16x1xi32> to vector<16xi32>
        %gather3A_406 = tpu.dynamic_gather %add3A_195[%gather3A_405] in [0] : vector<16xf32>, vector<16xi32> -> vector<16xf32>
        %add3A_407 = arith.constant 400 : i32
        %add3A_408 = arith.addi %mul3A_356, %add3A_407 : i32
        %add3A_409 = arith.constant 0 : i32
        %add3A_410 = arith.addi %add3A_408, %add3A_409 : i32
        %swap3A_411 = arith.index_cast %add3A_410 : i32 to index
        %swap3A_412 = tpu.vector_load %arg9[%swap3A_411] {strides = array<i32>} : memref<25608xf32, #tpu.memory_space<vmem>>, vector<16xf32>,
        %swap3A_413 = vector.shape_cast %swap3A_412 : vector<16xf32> to vector<16xf32>
        %swap3A_414 = vector.shape_cast %gather3A_406 : vector<16xf32> to vector<16xf32>
        tpu.vector_store %arg9[%swap3A_411], %swap3A_414 {strides = array<i32>} : memref<25608xf32, #tpu.memory_space<vmem>>, vector<16xf32>,
        %lt3A_415 = arith.constant 0 : i32
        %lt3A_416 = vector.broadcast %lt3A_415 : i32 to vector<16xi32>
        %lt3A_417 = arith.cmpi slt, %get3A_361, %lt3A_416 : vector<16xi32>
        %add3A_418 = arith.constant 16 : i32
        %add3A_419 = vector.broadcast %add3A_418 : i32 to vector<16xi32>
        %add3A_420 = arith.addi %get3A_361, %add3A_419 : vector<16xi32>
        %select_n3A_421 = arith.select %lt3A_417, %add3A_420, %get3A_361 : vector<16xi1>, vector<16xi32>
        %broadcast_in_dim3A_422 = vector.shape_cast %select_n3A_421 : vector<16xi32> to vector<16x1xi32>
        %gather3A_423 = vector.shape_cast %broadcast_in_dim3A_422 : vector<16x1xi32> to vector<16xi32>
        %gather3A_424 = tpu.dynamic_gather %add3A_257[%gather3A_423] in [0] : vector<16xf32>, vector<16xi32> -> vector<16xf32>
        %add3A_425 = arith.constant 600 : i32
        %add3A_426 = arith.addi %mul3A_356, %add3A_425 : i32
        %add3A_427 = arith.constant 0 : i32
        %add3A_428 = arith.addi %add3A_426, %add3A_427 : i32
        %swap3A_429 = arith.index_cast %add3A_428 : i32 to index
        %swap3A_430 = tpu.vector_load %arg9[%swap3A_429] {strides = array<i32>} : memref<25608xf32, #tpu.memory_space<vmem>>, vector<16xf32>,
        %swap3A_431 = vector.shape_cast %swap3A_430 : vector<16xf32> to vector<16xf32>
        %swap3A_432 = vector.shape_cast %gather3A_424 : vector<16xf32> to vector<16xf32>
        tpu.vector_store %arg9[%swap3A_429], %swap3A_432 {strides = array<i32>} : memref<25608xf32, #tpu.memory_space<vmem>>, vector<16xf32>,
        %add3A_433 = arith.constant 16 : i32
        %add3A_434 = arith.addi %mul3A_352, %add3A_433 : i32
        %get3A_435 = arith.index_cast %add3A_434 : i32 to index
        %get3A_436 = tpu.vector_load %arg7[%get3A_435] {strides = array<i32>} : memref<6408xi32, #tpu.memory_space<vmem>>, vector<16xi32>,
        %get3A_437 = vector.shape_cast %get3A_436 : vector<16xi32> to vector<16xi32>
        %lt3A_438 = arith.constant 0 : i32
        %lt3A_439 = vector.broadcast %lt3A_438 : i32 to vector<16xi32>
        %lt3A_440 = arith.cmpi slt, %get3A_437, %lt3A_439 : vector<16xi32>
        %add3A_441 = arith.constant 16 : i32
        %add3A_442 = vector.broadcast %add3A_441 : i32 to vector<16xi32>
        %add3A_443 = arith.addi %get3A_437, %add3A_442 : vector<16xi32>
        %select_n3A_444 = arith.select %lt3A_440, %add3A_443, %get3A_437 : vector<16xi1>, vector<16xi32>
        %broadcast_in_dim3A_445 = vector.shape_cast %select_n3A_444 : vector<16xi32> to vector<16x1xi32>
        %gather3A_446 = vector.shape_cast %broadcast_in_dim3A_445 : vector<16x1xi32> to vector<16xi32>
        %gather3A_447 = tpu.dynamic_gather %add3A_71[%gather3A_446] in [0] : vector<16xf32>, vector<16xi32> -> vector<16xf32>
        %add3A_448 = arith.constant 0 : i32
        %add3A_449 = arith.addi %mul3A_356, %add3A_448 : i32
        %add3A_450 = arith.constant 16 : i32
        %add3A_451 = arith.addi %add3A_449, %add3A_450 : i32
        %swap3A_452 = arith.index_cast %add3A_451 : i32 to index
        %swap3A_453 = tpu.vector_load %arg9[%swap3A_452] {strides = array<i32>} : memref<25608xf32, #tpu.memory_space<vmem>>, vector<16xf32>,
        %swap3A_454 = vector.shape_cast %swap3A_453 : vector<16xf32> to vector<16xf32>
        %swap3A_455 = vector.shape_cast %gather3A_447 : vector<16xf32> to vector<16xf32>
        tpu.vector_store %arg9[%swap3A_452], %swap3A_455 {strides = array<i32>} : memref<25608xf32, #tpu.memory_space<vmem>>, vector<16xf32>,
        %lt3A_456 = arith.constant 0 : i32
        %lt3A_457 = vector.broadcast %lt3A_456 : i32 to vector<16xi32>
        %lt3A_458 = arith.cmpi slt, %get3A_437, %lt3A_457 : vector<16xi32>
        %add3A_459 = arith.constant 16 : i32
        %add3A_460 = vector.broadcast %add3A_459 : i32 to vector<16xi32>
        %add3A_461 = arith.addi %get3A_437, %add3A_460 : vector<16xi32>
        %select_n3A_462 = arith.select %lt3A_458, %add3A_461, %get3A_437 : vector<16xi1>, vector<16xi32>
        %broadcast_in_dim3A_463 = vector.shape_cast %select_n3A_462 : vector<16xi32> to vector<16x1xi32>
        %gather3A_464 = vector.shape_cast %broadcast_in_dim3A_463 : vector<16x1xi32> to vector<16xi32>
        %gather3A_465 = tpu.dynamic_gather %add3A_133[%gather3A_464] in [0] : vector<16xf32>, vector<16xi32> -> vector<16xf32>
        %add3A_466 = arith.constant 200 : i32
        %add3A_467 = arith.addi %mul3A_356, %add3A_466 : i32
        %add3A_468 = arith.constant 16 : i32
        %add3A_469 = arith.addi %add3A_467, %add3A_468 : i32
        %swap3A_470 = arith.index_cast %add3A_469 : i32 to index
        %swap3A_471 = tpu.vector_load %arg9[%swap3A_470] {strides = array<i32>} : memref<25608xf32, #tpu.memory_space<vmem>>, vector<16xf32>,
        %swap3A_472 = vector.shape_cast %swap3A_471 : vector<16xf32> to vector<16xf32>
        %swap3A_473 = vector.shape_cast %gather3A_465 : vector<16xf32> to vector<16xf32>
        tpu.vector_store %arg9[%swap3A_470], %swap3A_473 {strides = array<i32>} : memref<25608xf32, #tpu.memory_space<vmem>>, vector<16xf32>,
        %lt3A_474 = arith.constant 0 : i32
        %lt3A_475 = vector.broadcast %lt3A_474 : i32 to vector<16xi32>
        %lt3A_476 = arith.cmpi slt, %get3A_437, %lt3A_475 : vector<16xi32>
        %add3A_477 = arith.constant 16 : i32
        %add3A_478 = vector.broadcast %add3A_477 : i32 to vector<16xi32>
        %add3A_479 = arith.addi %get3A_437, %add3A_478 : vector<16xi32>
        %select_n3A_480 = arith.select %lt3A_476, %add3A_479, %get3A_437 : vector<16xi1>, vector<16xi32>
        %broadcast_in_dim3A_481 = vector.shape_cast %select_n3A_480 : vector<16xi32> to vector<16x1xi32>
        %gather3A_482 = vector.shape_cast %broadcast_in_dim3A_481 : vector<16x1xi32> to vector<16xi32>
        %gather3A_483 = tpu.dynamic_gather %add3A_195[%gather3A_482] in [0] : vector<16xf32>, vector<16xi32> -> vector<16xf32>
        %add3A_484 = arith.constant 400 : i32
        %add3A_485 = arith.addi %mul3A_356, %add3A_484 : i32
        %add3A_486 = arith.constant 16 : i32
        %add3A_487 = arith.addi %add3A_485, %add3A_486 : i32
        %swap3A_488 = arith.index_cast %add3A_487 : i32 to index
        %swap3A_489 = tpu.vector_load %arg9[%swap3A_488] {strides = array<i32>} : memref<25608xf32, #tpu.memory_space<vmem>>, vector<16xf32>,
        %swap3A_490 = vector.shape_cast %swap3A_489 : vector<16xf32> to vector<16xf32>
        %swap3A_491 = vector.shape_cast %gather3A_483 : vector<16xf32> to vector<16xf32>
        tpu.vector_store %arg9[%swap3A_488], %swap3A_491 {strides = array<i32>} : memref<25608xf32, #tpu.memory_space<vmem>>, vector<16xf32>,
        %lt3A_492 = arith.constant 0 : i32
        %lt3A_493 = vector.broadcast %lt3A_492 : i32 to vector<16xi32>
        %lt3A_494 = arith.cmpi slt, %get3A_437, %lt3A_493 : vector<16xi32>
        %add3A_495 = arith.constant 16 : i32
        %add3A_496 = vector.broadcast %add3A_495 : i32 to vector<16xi32>
        %add3A_497 = arith.addi %get3A_437, %add3A_496 : vector<16xi32>
        %select_n3A_498 = arith.select %lt3A_494, %add3A_497, %get3A_437 : vector<16xi1>, vector<16xi32>
        %broadcast_in_dim3A_499 = vector.shape_cast %select_n3A_498 : vector<16xi32> to vector<16x1xi32>
        %gather3A_500 = vector.shape_cast %broadcast_in_dim3A_499 : vector<16x1xi32> to vector<16xi32>
        %gather3A_501 = tpu.dynamic_gather %add3A_257[%gather3A_500] in [0] : vector<16xf32>, vector<16xi32> -> vector<16xf32>
        %add3A_502 = arith.constant 600 : i32
        %add3A_503 = arith.addi %mul3A_356, %add3A_502 : i32
        %add3A_504 = arith.constant 16 : i32
        %add3A_505 = arith.addi %add3A_503, %add3A_504 : i32
        %swap3A_506 = arith.index_cast %add3A_505 : i32 to index
        %swap3A_507 = tpu.vector_load %arg9[%swap3A_506] {strides = array<i32>} : memref<25608xf32, #tpu.memory_space<vmem>>, vector<16xf32>,
        %swap3A_508 = vector.shape_cast %swap3A_507 : vector<16xf32> to vector<16xf32>
        %swap3A_509 = vector.shape_cast %gather3A_501 : vector<16xf32> to vector<16xf32>
        tpu.vector_store %arg9[%swap3A_506], %swap3A_509 {strides = array<i32>} : memref<25608xf32, #tpu.memory_space<vmem>>, vector<16xf32>,
        %add3A_510 = arith.constant 32 : i32
        %add3A_511 = arith.addi %mul3A_352, %add3A_510 : i32
        %get3A_512 = arith.index_cast %add3A_511 : i32 to index
        %get3A_513 = tpu.vector_load %arg7[%get3A_512] {strides = array<i32>} : memref<6408xi32, #tpu.memory_space<vmem>>, vector<16xi32>,
        %get3A_514 = vector.shape_cast %get3A_513 : vector<16xi32> to vector<16xi32>
        %lt3A_515 = arith.constant 0 : i32
        %lt3A_516 = vector.broadcast %lt3A_515 : i32 to vector<16xi32>
        %lt3A_517 = arith.cmpi slt, %get3A_514, %lt3A_516 : vector<16xi32>
        %add3A_518 = arith.constant 16 : i32
        %add3A_519 = vector.broadcast %add3A_518 : i32 to vector<16xi32>
        %add3A_520 = arith.addi %get3A_514, %add3A_519 : vector<16xi32>
        %select_n3A_521 = arith.select %lt3A_517, %add3A_520, %get3A_514 : vector<16xi1>, vector<16xi32>
        %broadcast_in_dim3A_522 = vector.shape_cast %select_n3A_521 : vector<16xi32> to vector<16x1xi32>
        %gather3A_523 = vector.shape_cast %broadcast_in_dim3A_522 : vector<16x1xi32> to vector<16xi32>
        %gather3A_524 = tpu.dynamic_gather %add3A_71[%gather3A_523] in [0] : vector<16xf32>, vector<16xi32> -> vector<16xf32>
        %add3A_525 = arith.constant 0 : i32
        %add3A_526 = arith.addi %mul3A_356, %add3A_525 : i32
        %add3A_527 = arith.constant 32 : i32
        %add3A_528 = arith.addi %add3A_526, %add3A_527 : i32
        %swap3A_529 = arith.index_cast %add3A_528 : i32 to index
        %swap3A_530 = tpu.vector_load %arg9[%swap3A_529] {strides = array<i32>} : memref<25608xf32, #tpu.memory_space<vmem>>, vector<16xf32>,
        %swap3A_531 = vector.shape_cast %swap3A_530 : vector<16xf32> to vector<16xf32>
        %swap3A_532 = vector.shape_cast %gather3A_524 : vector<16xf32> to vector<16xf32>
        tpu.vector_store %arg9[%swap3A_529], %swap3A_532 {strides = array<i32>} : memref<25608xf32, #tpu.memory_space<vmem>>, vector<16xf32>,
        %lt3A_533 = arith.constant 0 : i32
        %lt3A_534 = vector.broadcast %lt3A_533 : i32 to vector<16xi32>
        %lt3A_535 = arith.cmpi slt, %get3A_514, %lt3A_534 : vector<16xi32>
        %add3A_536 = arith.constant 16 : i32
        %add3A_537 = vector.broadcast %add3A_536 : i32 to vector<16xi32>
        %add3A_538 = arith.addi %get3A_514, %add3A_537 : vector<16xi32>
        %select_n3A_539 = arith.select %lt3A_535, %add3A_538, %get3A_514 : vector<16xi1>, vector<16xi32>
        %broadcast_in_dim3A_540 = vector.shape_cast %select_n3A_539 : vector<16xi32> to vector<16x1xi32>
        %gather3A_541 = vector.shape_cast %broadcast_in_dim3A_540 : vector<16x1xi32> to vector<16xi32>
        %gather3A_542 = tpu.dynamic_gather %add3A_133[%gather3A_541] in [0] : vector<16xf32>, vector<16xi32> -> vector<16xf32>
        %add3A_543 = arith.constant 200 : i32
        %add3A_544 = arith.addi %mul3A_356, %add3A_543 : i32
        %add3A_545 = arith.constant 32 : i32
        %add3A_546 = arith.addi %add3A_544, %add3A_545 : i32
        %swap3A_547 = arith.index_cast %add3A_546 : i32 to index
        %swap3A_548 = tpu.vector_load %arg9[%swap3A_547] {strides = array<i32>} : memref<25608xf32, #tpu.memory_space<vmem>>, vector<16xf32>,
        %swap3A_549 = vector.shape_cast %swap3A_548 : vector<16xf32> to vector<16xf32>
        %swap3A_550 = vector.shape_cast %gather3A_542 : vector<16xf32> to vector<16xf32>
        tpu.vector_store %arg9[%swap3A_547], %swap3A_550 {strides = array<i32>} : memref<25608xf32, #tpu.memory_space<vmem>>, vector<16xf32>,
        %lt3A_551 = arith.constant 0 : i32
        %lt3A_552 = vector.broadcast %lt3A_551 : i32 to vector<16xi32>
        %lt3A_553 = arith.cmpi slt, %get3A_514, %lt3A_552 : vector<16xi32>
        %add3A_554 = arith.constant 16 : i32
        %add3A_555 = vector.broadcast %add3A_554 : i32 to vector<16xi32>
        %add3A_556 = arith.addi %get3A_514, %add3A_555 : vector<16xi32>
        %select_n3A_557 = arith.select %lt3A_553, %add3A_556, %get3A_514 : vector<16xi1>, vector<16xi32>
        %broadcast_in_dim3A_558 = vector.shape_cast %select_n3A_557 : vector<16xi32> to vector<16x1xi32>
        %gather3A_559 = vector.shape_cast %broadcast_in_dim3A_558 : vector<16x1xi32> to vector<16xi32>
        %gather3A_560 = tpu.dynamic_gather %add3A_195[%gather3A_559] in [0] : vector<16xf32>, vector<16xi32> -> vector<16xf32>
        %add3A_561 = arith.constant 400 : i32
        %add3A_562 = arith.addi %mul3A_356, %add3A_561 : i32
        %add3A_563 = arith.constant 32 : i32
        %add3A_564 = arith.addi %add3A_562, %add3A_563 : i32
        %swap3A_565 = arith.index_cast %add3A_564 : i32 to index
        %swap3A_566 = tpu.vector_load %arg9[%swap3A_565] {strides = array<i32>} : memref<25608xf32, #tpu.memory_space<vmem>>, vector<16xf32>,
        %swap3A_567 = vector.shape_cast %swap3A_566 : vector<16xf32> to vector<16xf32>
        %swap3A_568 = vector.shape_cast %gather3A_560 : vector<16xf32> to vector<16xf32>
        tpu.vector_store %arg9[%swap3A_565], %swap3A_568 {strides = array<i32>} : memref<25608xf32, #tpu.memory_space<vmem>>, vector<16xf32>,
        %lt3A_569 = arith.constant 0 : i32
        %lt3A_570 = vector.broadcast %lt3A_569 : i32 to vector<16xi32>
        %lt3A_571 = arith.cmpi slt, %get3A_514, %lt3A_570 : vector<16xi32>
        %add3A_572 = arith.constant 16 : i32
        %add3A_573 = vector.broadcast %add3A_572 : i32 to vector<16xi32>
        %add3A_574 = arith.addi %get3A_514, %add3A_573 : vector<16xi32>
        %select_n3A_575 = arith.select %lt3A_571, %add3A_574, %get3A_514 : vector<16xi1>, vector<16xi32>
        %broadcast_in_dim3A_576 = vector.shape_cast %select_n3A_575 : vector<16xi32> to vector<16x1xi32>
        %gather3A_577 = vector.shape_cast %broadcast_in_dim3A_576 : vector<16x1xi32> to vector<16xi32>
        %gather3A_578 = tpu.dynamic_gather %add3A_257[%gather3A_577] in [0] : vector<16xf32>, vector<16xi32> -> vector<16xf32>
        %add3A_579 = arith.constant 600 : i32
        %add3A_580 = arith.addi %mul3A_356, %add3A_579 : i32
        %add3A_581 = arith.constant 32 : i32
        %add3A_582 = arith.addi %add3A_580, %add3A_581 : i32
        %swap3A_583 = arith.index_cast %add3A_582 : i32 to index
        %swap3A_584 = tpu.vector_load %arg9[%swap3A_583] {strides = array<i32>} : memref<25608xf32, #tpu.memory_space<vmem>>, vector<16xf32>,
        %swap3A_585 = vector.shape_cast %swap3A_584 : vector<16xf32> to vector<16xf32>
        %swap3A_586 = vector.shape_cast %gather3A_578 : vector<16xf32> to vector<16xf32>
        tpu.vector_store %arg9[%swap3A_583], %swap3A_586 {strides = array<i32>} : memref<25608xf32, #tpu.memory_space<vmem>>, vector<16xf32>,
        %add3A_587 = arith.constant 48 : i32
        %add3A_588 = arith.addi %mul3A_352, %add3A_587 : i32
        %get3A_589 = arith.index_cast %add3A_588 : i32 to index
        %get3A_590 = tpu.vector_load %arg7[%get3A_589] {strides = array<i32>} : memref<6408xi32, #tpu.memory_space<vmem>>, vector<16xi32>,
        %get3A_591 = vector.shape_cast %get3A_590 : vector<16xi32> to vector<16xi32>
        %lt3A_592 = arith.constant 0 : i32
        %lt3A_593 = vector.broadcast %lt3A_592 : i32 to vector<16xi32>
        %lt3A_594 = arith.cmpi slt, %get3A_591, %lt3A_593 : vector<16xi32>
        %add3A_595 = arith.constant 16 : i32
        %add3A_596 = vector.broadcast %add3A_595 : i32 to vector<16xi32>
        %add3A_597 = arith.addi %get3A_591, %add3A_596 : vector<16xi32>
        %select_n3A_598 = arith.select %lt3A_594, %add3A_597, %get3A_591 : vector<16xi1>, vector<16xi32>
        %broadcast_in_dim3A_599 = vector.shape_cast %select_n3A_598 : vector<16xi32> to vector<16x1xi32>
        %gather3A_600 = vector.shape_cast %broadcast_in_dim3A_599 : vector<16x1xi32> to vector<16xi32>
        %gather3A_601 = tpu.dynamic_gather %add3A_71[%gather3A_600] in [0] : vector<16xf32>, vector<16xi32> -> vector<16xf32>
        %add3A_602 = arith.constant 0 : i32
        %add3A_603 = arith.addi %mul3A_356, %add3A_602 : i32
        %add3A_604 = arith.constant 48 : i32
        %add3A_605 = arith.addi %add3A_603, %add3A_604 : i32
        %swap3A_606 = arith.index_cast %add3A_605 : i32 to index
        %swap3A_607 = tpu.vector_load %arg9[%swap3A_606] {strides = array<i32>} : memref<25608xf32, #tpu.memory_space<vmem>>, vector<16xf32>,
        %swap3A_608 = vector.shape_cast %swap3A_607 : vector<16xf32> to vector<16xf32>
        %swap3A_609 = vector.shape_cast %gather3A_601 : vector<16xf32> to vector<16xf32>
        tpu.vector_store %arg9[%swap3A_606], %swap3A_609 {strides = array<i32>} : memref<25608xf32, #tpu.memory_space<vmem>>, vector<16xf32>,
        %lt3A_610 = arith.constant 0 : i32
        %lt3A_611 = vector.broadcast %lt3A_610 : i32 to vector<16xi32>
        %lt3A_612 = arith.cmpi slt, %get3A_591, %lt3A_611 : vector<16xi32>
        %add3A_613 = arith.constant 16 : i32
        %add3A_614 = vector.broadcast %add3A_613 : i32 to vector<16xi32>
        %add3A_615 = arith.addi %get3A_591, %add3A_614 : vector<16xi32>
        %select_n3A_616 = arith.select %lt3A_612, %add3A_615, %get3A_591 : vector<16xi1>, vector<16xi32>
        %broadcast_in_dim3A_617 = vector.shape_cast %select_n3A_616 : vector<16xi32> to vector<16x1xi32>
        %gather3A_618 = vector.shape_cast %broadcast_in_dim3A_617 : vector<16x1xi32> to vector<16xi32>
        %gather3A_619 = tpu.dynamic_gather %add3A_133[%gather3A_618] in [0] : vector<16xf32>, vector<16xi32> -> vector<16xf32>
        %add3A_620 = arith.constant 200 : i32
        %add3A_621 = arith.addi %mul3A_356, %add3A_620 : i32
        %add3A_622 = arith.constant 48 : i32
        %add3A_623 = arith.addi %add3A_621, %add3A_622 : i32
        %swap3A_624 = arith.index_cast %add3A_623 : i32 to index
        %swap3A_625 = tpu.vector_load %arg9[%swap3A_624] {strides = array<i32>} : memref<25608xf32, #tpu.memory_space<vmem>>, vector<16xf32>,
        %swap3A_626 = vector.shape_cast %swap3A_625 : vector<16xf32> to vector<16xf32>
        %swap3A_627 = vector.shape_cast %gather3A_619 : vector<16xf32> to vector<16xf32>
        tpu.vector_store %arg9[%swap3A_624], %swap3A_627 {strides = array<i32>} : memref<25608xf32, #tpu.memory_space<vmem>>, vector<16xf32>,
        %lt3A_628 = arith.constant 0 : i32
        %lt3A_629 = vector.broadcast %lt3A_628 : i32 to vector<16xi32>
        %lt3A_630 = arith.cmpi slt, %get3A_591, %lt3A_629 : vector<16xi32>
        %add3A_631 = arith.constant 16 : i32
        %add3A_632 = vector.broadcast %add3A_631 : i32 to vector<16xi32>
        %add3A_633 = arith.addi %get3A_591, %add3A_632 : vector<16xi32>
        %select_n3A_634 = arith.select %lt3A_630, %add3A_633, %get3A_591 : vector<16xi1>, vector<16xi32>
        %broadcast_in_dim3A_635 = vector.shape_cast %select_n3A_634 : vector<16xi32> to vector<16x1xi32>
        %gather3A_636 = vector.shape_cast %broadcast_in_dim3A_635 : vector<16x1xi32> to vector<16xi32>
        %gather3A_637 = tpu.dynamic_gather %add3A_195[%gather3A_636] in [0] : vector<16xf32>, vector<16xi32> -> vector<16xf32>
        %add3A_638 = arith.constant 400 : i32
        %add3A_639 = arith.addi %mul3A_356, %add3A_638 : i32
        %add3A_640 = arith.constant 48 : i32
        %add3A_641 = arith.addi %add3A_639, %add3A_640 : i32
        %swap3A_642 = arith.index_cast %add3A_641 : i32 to index
        %swap3A_643 = tpu.vector_load %arg9[%swap3A_642] {strides = array<i32>} : memref<25608xf32, #tpu.memory_space<vmem>>, vector<16xf32>,
        %swap3A_644 = vector.shape_cast %swap3A_643 : vector<16xf32> to vector<16xf32>
        %swap3A_645 = vector.shape_cast %gather3A_637 : vector<16xf32> to vector<16xf32>
        tpu.vector_store %arg9[%swap3A_642], %swap3A_645 {strides = array<i32>} : memref<25608xf32, #tpu.memory_space<vmem>>, vector<16xf32>,
        %lt3A_646 = arith.constant 0 : i32
        %lt3A_647 = vector.broadcast %lt3A_646 : i32 to vector<16xi32>
        %lt3A_648 = arith.cmpi slt, %get3A_591, %lt3A_647 : vector<16xi32>
        %add3A_649 = arith.constant 16 : i32
        %add3A_650 = vector.broadcast %add3A_649 : i32 to vector<16xi32>
        %add3A_651 = arith.addi %get3A_591, %add3A_650 : vector<16xi32>
        %select_n3A_652 = arith.select %lt3A_648, %add3A_651, %get3A_591 : vector<16xi1>, vector<16xi32>
        %broadcast_in_dim3A_653 = vector.shape_cast %select_n3A_652 : vector<16xi32> to vector<16x1xi32>
        %gather3A_654 = vector.shape_cast %broadcast_in_dim3A_653 : vector<16x1xi32> to vector<16xi32>
        %gather3A_655 = tpu.dynamic_gather %add3A_257[%gather3A_654] in [0] : vector<16xf32>, vector<16xi32> -> vector<16xf32>
        %add3A_656 = arith.constant 600 : i32
        %add3A_657 = arith.addi %mul3A_356, %add3A_656 : i32
        %add3A_658 = arith.constant 48 : i32
        %add3A_659 = arith.addi %add3A_657, %add3A_658 : i32
        %swap3A_660 = arith.index_cast %add3A_659 : i32 to index
        %swap3A_661 = tpu.vector_load %arg9[%swap3A_660] {strides = array<i32>} : memref<25608xf32, #tpu.memory_space<vmem>>, vector<16xf32>,
        %swap3A_662 = vector.shape_cast %swap3A_661 : vector<16xf32> to vector<16xf32>
        %swap3A_663 = vector.shape_cast %gather3A_655 : vector<16xf32> to vector<16xf32>
        tpu.vector_store %arg9[%swap3A_660], %swap3A_663 {strides = array<i32>} : memref<25608xf32, #tpu.memory_space<vmem>>, vector<16xf32>,
        %add3A_664 = arith.constant 64 : i32
        %add3A_665 = arith.addi %mul3A_352, %add3A_664 : i32
        %get3A_666 = arith.index_cast %add3A_665 : i32 to index
        %get3A_667 = tpu.vector_load %arg7[%get3A_666] {strides = array<i32>} : memref<6408xi32, #tpu.memory_space<vmem>>, vector<16xi32>,
        %get3A_668 = vector.shape_cast %get3A_667 : vector<16xi32> to vector<16xi32>
        %lt3A_669 = arith.constant 0 : i32
        %lt3A_670 = vector.broadcast %lt3A_669 : i32 to vector<16xi32>
        %lt3A_671 = arith.cmpi slt, %get3A_668, %lt3A_670 : vector<16xi32>
        %add3A_672 = arith.constant 16 : i32
        %add3A_673 = vector.broadcast %add3A_672 : i32 to vector<16xi32>
        %add3A_674 = arith.addi %get3A_668, %add3A_673 : vector<16xi32>
        %select_n3A_675 = arith.select %lt3A_671, %add3A_674, %get3A_668 : vector<16xi1>, vector<16xi32>
        %broadcast_in_dim3A_676 = vector.shape_cast %select_n3A_675 : vector<16xi32> to vector<16x1xi32>
        %gather3A_677 = vector.shape_cast %broadcast_in_dim3A_676 : vector<16x1xi32> to vector<16xi32>
        %gather3A_678 = tpu.dynamic_gather %add3A_71[%gather3A_677] in [0] : vector<16xf32>, vector<16xi32> -> vector<16xf32>
        %add3A_679 = arith.constant 0 : i32
        %add3A_680 = arith.addi %mul3A_356, %add3A_679 : i32
        %add3A_681 = arith.constant 64 : i32
        %add3A_682 = arith.addi %add3A_680, %add3A_681 : i32
        %swap3A_683 = arith.index_cast %add3A_682 : i32 to index
        %swap3A_684 = tpu.vector_load %arg9[%swap3A_683] {strides = array<i32>} : memref<25608xf32, #tpu.memory_space<vmem>>, vector<16xf32>,
        %swap3A_685 = vector.shape_cast %swap3A_684 : vector<16xf32> to vector<16xf32>
        %swap3A_686 = vector.shape_cast %gather3A_678 : vector<16xf32> to vector<16xf32>
        tpu.vector_store %arg9[%swap3A_683], %swap3A_686 {strides = array<i32>} : memref<25608xf32, #tpu.memory_space<vmem>>, vector<16xf32>,
        %lt3A_687 = arith.constant 0 : i32
        %lt3A_688 = vector.broadcast %lt3A_687 : i32 to vector<16xi32>
        %lt3A_689 = arith.cmpi slt, %get3A_668, %lt3A_688 : vector<16xi32>
        %add3A_690 = arith.constant 16 : i32
        %add3A_691 = vector.broadcast %add3A_690 : i32 to vector<16xi32>
        %add3A_692 = arith.addi %get3A_668, %add3A_691 : vector<16xi32>
        %select_n3A_693 = arith.select %lt3A_689, %add3A_692, %get3A_668 : vector<16xi1>, vector<16xi32>
        %broadcast_in_dim3A_694 = vector.shape_cast %select_n3A_693 : vector<16xi32> to vector<16x1xi32>
        %gather3A_695 = vector.shape_cast %broadcast_in_dim3A_694 : vector<16x1xi32> to vector<16xi32>
        %gather3A_696 = tpu.dynamic_gather %add3A_133[%gather3A_695] in [0] : vector<16xf32>, vector<16xi32> -> vector<16xf32>
        %add3A_697 = arith.constant 200 : i32
        %add3A_698 = arith.addi %mul3A_356, %add3A_697 : i32
        %add3A_699 = arith.constant 64 : i32
        %add3A_700 = arith.addi %add3A_698, %add3A_699 : i32
        %swap3A_701 = arith.index_cast %add3A_700 : i32 to index
        %swap3A_702 = tpu.vector_load %arg9[%swap3A_701] {strides = array<i32>} : memref<25608xf32, #tpu.memory_space<vmem>>, vector<16xf32>,
        %swap3A_703 = vector.shape_cast %swap3A_702 : vector<16xf32> to vector<16xf32>
        %swap3A_704 = vector.shape_cast %gather3A_696 : vector<16xf32> to vector<16xf32>
        tpu.vector_store %arg9[%swap3A_701], %swap3A_704 {strides = array<i32>} : memref<25608xf32, #tpu.memory_space<vmem>>, vector<16xf32>,
        %lt3A_705 = arith.constant 0 : i32
        %lt3A_706 = vector.broadcast %lt3A_705 : i32 to vector<16xi32>
        %lt3A_707 = arith.cmpi slt, %get3A_668, %lt3A_706 : vector<16xi32>
        %add3A_708 = arith.constant 16 : i32
        %add3A_709 = vector.broadcast %add3A_708 : i32 to vector<16xi32>
        %add3A_710 = arith.addi %get3A_668, %add3A_709 : vector<16xi32>
        %select_n3A_711 = arith.select %lt3A_707, %add3A_710, %get3A_668 : vector<16xi1>, vector<16xi32>
        %broadcast_in_dim3A_712 = vector.shape_cast %select_n3A_711 : vector<16xi32> to vector<16x1xi32>
        %gather3A_713 = vector.shape_cast %broadcast_in_dim3A_712 : vector<16x1xi32> to vector<16xi32>
        %gather3A_714 = tpu.dynamic_gather %add3A_195[%gather3A_713] in [0] : vector<16xf32>, vector<16xi32> -> vector<16xf32>
        %add3A_715 = arith.constant 400 : i32
        %add3A_716 = arith.addi %mul3A_356, %add3A_715 : i32
        %add3A_717 = arith.constant 64 : i32
        %add3A_718 = arith.addi %add3A_716, %add3A_717 : i32
        %swap3A_719 = arith.index_cast %add3A_718 : i32 to index
        %swap3A_720 = tpu.vector_load %arg9[%swap3A_719] {strides = array<i32>} : memref<25608xf32, #tpu.memory_space<vmem>>, vector<16xf32>,
        %swap3A_721 = vector.shape_cast %swap3A_720 : vector<16xf32> to vector<16xf32>
        %swap3A_722 = vector.shape_cast %gather3A_714 : vector<16xf32> to vector<16xf32>
        tpu.vector_store %arg9[%swap3A_719], %swap3A_722 {strides = array<i32>} : memref<25608xf32, #tpu.memory_space<vmem>>, vector<16xf32>,
        %lt3A_723 = arith.constant 0 : i32
        %lt3A_724 = vector.broadcast %lt3A_723 : i32 to vector<16xi32>
        %lt3A_725 = arith.cmpi slt, %get3A_668, %lt3A_724 : vector<16xi32>
        %add3A_726 = arith.constant 16 : i32
        %add3A_727 = vector.broadcast %add3A_726 : i32 to vector<16xi32>
        %add3A_728 = arith.addi %get3A_668, %add3A_727 : vector<16xi32>
        %select_n3A_729 = arith.select %lt3A_725, %add3A_728, %get3A_668 : vector<16xi1>, vector<16xi32>
        %broadcast_in_dim3A_730 = vector.shape_cast %select_n3A_729 : vector<16xi32> to vector<16x1xi32>
        %gather3A_731 = vector.shape_cast %broadcast_in_dim3A_730 : vector<16x1xi32> to vector<16xi32>
        %gather3A_732 = tpu.dynamic_gather %add3A_257[%gather3A_731] in [0] : vector<16xf32>, vector<16xi32> -> vector<16xf32>
        %add3A_733 = arith.constant 600 : i32
        %add3A_734 = arith.addi %mul3A_356, %add3A_733 : i32
        %add3A_735 = arith.constant 64 : i32
        %add3A_736 = arith.addi %add3A_734, %add3A_735 : i32
        %swap3A_737 = arith.index_cast %add3A_736 : i32 to index
        %swap3A_738 = tpu.vector_load %arg9[%swap3A_737] {strides = array<i32>} : memref<25608xf32, #tpu.memory_space<vmem>>, vector<16xf32>,
        %swap3A_739 = vector.shape_cast %swap3A_738 : vector<16xf32> to vector<16xf32>
        %swap3A_740 = vector.shape_cast %gather3A_732 : vector<16xf32> to vector<16xf32>
        tpu.vector_store %arg9[%swap3A_737], %swap3A_740 {strides = array<i32>} : memref<25608xf32, #tpu.memory_space<vmem>>, vector<16xf32>,
        %add3A_741 = arith.constant 80 : i32
        %add3A_742 = arith.addi %mul3A_352, %add3A_741 : i32
        %get3A_743 = arith.index_cast %add3A_742 : i32 to index
        %get3A_744 = tpu.vector_load %arg7[%get3A_743] {strides = array<i32>} : memref<6408xi32, #tpu.memory_space<vmem>>, vector<16xi32>,
        %get3A_745 = vector.shape_cast %get3A_744 : vector<16xi32> to vector<16xi32>
        %lt3A_746 = arith.constant 0 : i32
        %lt3A_747 = vector.broadcast %lt3A_746 : i32 to vector<16xi32>
        %lt3A_748 = arith.cmpi slt, %get3A_745, %lt3A_747 : vector<16xi32>
        %add3A_749 = arith.constant 16 : i32
        %add3A_750 = vector.broadcast %add3A_749 : i32 to vector<16xi32>
        %add3A_751 = arith.addi %get3A_745, %add3A_750 : vector<16xi32>
        %select_n3A_752 = arith.select %lt3A_748, %add3A_751, %get3A_745 : vector<16xi1>, vector<16xi32>
        %broadcast_in_dim3A_753 = vector.shape_cast %select_n3A_752 : vector<16xi32> to vector<16x1xi32>
        %gather3A_754 = vector.shape_cast %broadcast_in_dim3A_753 : vector<16x1xi32> to vector<16xi32>
        %gather3A_755 = tpu.dynamic_gather %add3A_71[%gather3A_754] in [0] : vector<16xf32>, vector<16xi32> -> vector<16xf32>
        %add3A_756 = arith.constant 0 : i32
        %add3A_757 = arith.addi %mul3A_356, %add3A_756 : i32
        %add3A_758 = arith.constant 80 : i32
        %add3A_759 = arith.addi %add3A_757, %add3A_758 : i32
        %swap3A_760 = arith.index_cast %add3A_759 : i32 to index
        %swap3A_761 = tpu.vector_load %arg9[%swap3A_760] {strides = array<i32>} : memref<25608xf32, #tpu.memory_space<vmem>>, vector<16xf32>,
        %swap3A_762 = vector.shape_cast %swap3A_761 : vector<16xf32> to vector<16xf32>
        %swap3A_763 = vector.shape_cast %gather3A_755 : vector<16xf32> to vector<16xf32>
        tpu.vector_store %arg9[%swap3A_760], %swap3A_763 {strides = array<i32>} : memref<25608xf32, #tpu.memory_space<vmem>>, vector<16xf32>,
        %lt3A_764 = arith.constant 0 : i32
        %lt3A_765 = vector.broadcast %lt3A_764 : i32 to vector<16xi32>
        %lt3A_766 = arith.cmpi slt, %get3A_745, %lt3A_765 : vector<16xi32>
        %add3A_767 = arith.constant 16 : i32
        %add3A_768 = vector.broadcast %add3A_767 : i32 to vector<16xi32>
        %add3A_769 = arith.addi %get3A_745, %add3A_768 : vector<16xi32>
        %select_n3A_770 = arith.select %lt3A_766, %add3A_769, %get3A_745 : vector<16xi1>, vector<16xi32>
        %broadcast_in_dim3A_771 = vector.shape_cast %select_n3A_770 : vector<16xi32> to vector<16x1xi32>
        %gather3A_772 = vector.shape_cast %broadcast_in_dim3A_771 : vector<16x1xi32> to vector<16xi32>
        %gather3A_773 = tpu.dynamic_gather %add3A_133[%gather3A_772] in [0] : vector<16xf32>, vector<16xi32> -> vector<16xf32>
        %add3A_774 = arith.constant 200 : i32
        %add3A_775 = arith.addi %mul3A_356, %add3A_774 : i32
        %add3A_776 = arith.constant 80 : i32
        %add3A_777 = arith.addi %add3A_775, %add3A_776 : i32
        %swap3A_778 = arith.index_cast %add3A_777 : i32 to index
        %swap3A_779 = tpu.vector_load %arg9[%swap3A_778] {strides = array<i32>} : memref<25608xf32, #tpu.memory_space<vmem>>, vector<16xf32>,
        %swap3A_780 = vector.shape_cast %swap3A_779 : vector<16xf32> to vector<16xf32>
        %swap3A_781 = vector.shape_cast %gather3A_773 : vector<16xf32> to vector<16xf32>
        tpu.vector_store %arg9[%swap3A_778], %swap3A_781 {strides = array<i32>} : memref<25608xf32, #tpu.memory_space<vmem>>, vector<16xf32>,
        %lt3A_782 = arith.constant 0 : i32
        %lt3A_783 = vector.broadcast %lt3A_782 : i32 to vector<16xi32>
        %lt3A_784 = arith.cmpi slt, %get3A_745, %lt3A_783 : vector<16xi32>
        %add3A_785 = arith.constant 16 : i32
        %add3A_786 = vector.broadcast %add3A_785 : i32 to vector<16xi32>
        %add3A_787 = arith.addi %get3A_745, %add3A_786 : vector<16xi32>
        %select_n3A_788 = arith.select %lt3A_784, %add3A_787, %get3A_745 : vector<16xi1>, vector<16xi32>
        %broadcast_in_dim3A_789 = vector.shape_cast %select_n3A_788 : vector<16xi32> to vector<16x1xi32>
        %gather3A_790 = vector.shape_cast %broadcast_in_dim3A_789 : vector<16x1xi32> to vector<16xi32>
        %gather3A_791 = tpu.dynamic_gather %add3A_195[%gather3A_790] in [0] : vector<16xf32>, vector<16xi32> -> vector<16xf32>
        %add3A_792 = arith.constant 400 : i32
        %add3A_793 = arith.addi %mul3A_356, %add3A_792 : i32
        %add3A_794 = arith.constant 80 : i32
        %add3A_795 = arith.addi %add3A_793, %add3A_794 : i32
        %swap3A_796 = arith.index_cast %add3A_795 : i32 to index
        %swap3A_797 = tpu.vector_load %arg9[%swap3A_796] {strides = array<i32>} : memref<25608xf32, #tpu.memory_space<vmem>>, vector<16xf32>,
        %swap3A_798 = vector.shape_cast %swap3A_797 : vector<16xf32> to vector<16xf32>
        %swap3A_799 = vector.shape_cast %gather3A_791 : vector<16xf32> to vector<16xf32>
        tpu.vector_store %arg9[%swap3A_796], %swap3A_799 {strides = array<i32>} : memref<25608xf32, #tpu.memory_space<vmem>>, vector<16xf32>,
        %lt3A_800 = arith.constant 0 : i32
        %lt3A_801 = vector.broadcast %lt3A_800 : i32 to vector<16xi32>
        %lt3A_802 = arith.cmpi slt, %get3A_745, %lt3A_801 : vector<16xi32>
        %add3A_803 = arith.constant 16 : i32
        %add3A_804 = vector.broadcast %add3A_803 : i32 to vector<16xi32>
        %add3A_805 = arith.addi %get3A_745, %add3A_804 : vector<16xi32>
        %select_n3A_806 = arith.select %lt3A_802, %add3A_805, %get3A_745 : vector<16xi1>, vector<16xi32>
        %broadcast_in_dim3A_807 = vector.shape_cast %select_n3A_806 : vector<16xi32> to vector<16x1xi32>
        %gather3A_808 = vector.shape_cast %broadcast_in_dim3A_807 : vector<16x1xi32> to vector<16xi32>
        %gather3A_809 = tpu.dynamic_gather %add3A_257[%gather3A_808] in [0] : vector<16xf32>, vector<16xi32> -> vector<16xf32>
        %add3A_810 = arith.constant 600 : i32
        %add3A_811 = arith.addi %mul3A_356, %add3A_810 : i32
        %add3A_812 = arith.constant 80 : i32
        %add3A_813 = arith.addi %add3A_811, %add3A_812 : i32
        %swap3A_814 = arith.index_cast %add3A_813 : i32 to index
        %swap3A_815 = tpu.vector_load %arg9[%swap3A_814] {strides = array<i32>} : memref<25608xf32, #tpu.memory_space<vmem>>, vector<16xf32>,
        %swap3A_816 = vector.shape_cast %swap3A_815 : vector<16xf32> to vector<16xf32>
        %swap3A_817 = vector.shape_cast %gather3A_809 : vector<16xf32> to vector<16xf32>
        tpu.vector_store %arg9[%swap3A_814], %swap3A_817 {strides = array<i32>} : memref<25608xf32, #tpu.memory_space<vmem>>, vector<16xf32>,
        %add3A_818 = arith.constant 96 : i32
        %add3A_819 = arith.addi %mul3A_352, %add3A_818 : i32
        %get3A_820 = arith.index_cast %add3A_819 : i32 to index
        %get3A_821 = tpu.vector_load %arg7[%get3A_820] {strides = array<i32>} : memref<6408xi32, #tpu.memory_space<vmem>>, vector<16xi32>,
        %get3A_822 = vector.shape_cast %get3A_821 : vector<16xi32> to vector<16xi32>
        %lt3A_823 = arith.constant 0 : i32
        %lt3A_824 = vector.broadcast %lt3A_823 : i32 to vector<16xi32>
        %lt3A_825 = arith.cmpi slt, %get3A_822, %lt3A_824 : vector<16xi32>
        %add3A_826 = arith.constant 16 : i32
        %add3A_827 = vector.broadcast %add3A_826 : i32 to vector<16xi32>
        %add3A_828 = arith.addi %get3A_822, %add3A_827 : vector<16xi32>
        %select_n3A_829 = arith.select %lt3A_825, %add3A_828, %get3A_822 : vector<16xi1>, vector<16xi32>
        %broadcast_in_dim3A_830 = vector.shape_cast %select_n3A_829 : vector<16xi32> to vector<16x1xi32>
        %gather3A_831 = vector.shape_cast %broadcast_in_dim3A_830 : vector<16x1xi32> to vector<16xi32>
        %gather3A_832 = tpu.dynamic_gather %add3A_71[%gather3A_831] in [0] : vector<16xf32>, vector<16xi32> -> vector<16xf32>
        %add3A_833 = arith.constant 0 : i32
        %add3A_834 = arith.addi %mul3A_356, %add3A_833 : i32
        %add3A_835 = arith.constant 96 : i32
        %add3A_836 = arith.addi %add3A_834, %add3A_835 : i32
        %swap3A_837 = arith.index_cast %add3A_836 : i32 to index
        %swap3A_838 = tpu.vector_load %arg9[%swap3A_837] {strides = array<i32>} : memref<25608xf32, #tpu.memory_space<vmem>>, vector<16xf32>,
        %swap3A_839 = vector.shape_cast %swap3A_838 : vector<16xf32> to vector<16xf32>
        %swap3A_840 = vector.shape_cast %gather3A_832 : vector<16xf32> to vector<16xf32>
        tpu.vector_store %arg9[%swap3A_837], %swap3A_840 {strides = array<i32>} : memref<25608xf32, #tpu.memory_space<vmem>>, vector<16xf32>,
        %lt3A_841 = arith.constant 0 : i32
        %lt3A_842 = vector.broadcast %lt3A_841 : i32 to vector<16xi32>
        %lt3A_843 = arith.cmpi slt, %get3A_822, %lt3A_842 : vector<16xi32>
        %add3A_844 = arith.constant 16 : i32
        %add3A_845 = vector.broadcast %add3A_844 : i32 to vector<16xi32>
        %add3A_846 = arith.addi %get3A_822, %add3A_845 : vector<16xi32>
        %select_n3A_847 = arith.select %lt3A_843, %add3A_846, %get3A_822 : vector<16xi1>, vector<16xi32>
        %broadcast_in_dim3A_848 = vector.shape_cast %select_n3A_847 : vector<16xi32> to vector<16x1xi32>
        %gather3A_849 = vector.shape_cast %broadcast_in_dim3A_848 : vector<16x1xi32> to vector<16xi32>
        %gather3A_850 = tpu.dynamic_gather %add3A_133[%gather3A_849] in [0] : vector<16xf32>, vector<16xi32> -> vector<16xf32>
        %add3A_851 = arith.constant 200 : i32
        %add3A_852 = arith.addi %mul3A_356, %add3A_851 : i32
        %add3A_853 = arith.constant 96 : i32
        %add3A_854 = arith.addi %add3A_852, %add3A_853 : i32
        %swap3A_855 = arith.index_cast %add3A_854 : i32 to index
        %swap3A_856 = tpu.vector_load %arg9[%swap3A_855] {strides = array<i32>} : memref<25608xf32, #tpu.memory_space<vmem>>, vector<16xf32>,
        %swap3A_857 = vector.shape_cast %swap3A_856 : vector<16xf32> to vector<16xf32>
        %swap3A_858 = vector.shape_cast %gather3A_850 : vector<16xf32> to vector<16xf32>
        tpu.vector_store %arg9[%swap3A_855], %swap3A_858 {strides = array<i32>} : memref<25608xf32, #tpu.memory_space<vmem>>, vector<16xf32>,
        %lt3A_859 = arith.constant 0 : i32
        %lt3A_860 = vector.broadcast %lt3A_859 : i32 to vector<16xi32>
        %lt3A_861 = arith.cmpi slt, %get3A_822, %lt3A_860 : vector<16xi32>
        %add3A_862 = arith.constant 16 : i32
        %add3A_863 = vector.broadcast %add3A_862 : i32 to vector<16xi32>
        %add3A_864 = arith.addi %get3A_822, %add3A_863 : vector<16xi32>
        %select_n3A_865 = arith.select %lt3A_861, %add3A_864, %get3A_822 : vector<16xi1>, vector<16xi32>
        %broadcast_in_dim3A_866 = vector.shape_cast %select_n3A_865 : vector<16xi32> to vector<16x1xi32>
        %gather3A_867 = vector.shape_cast %broadcast_in_dim3A_866 : vector<16x1xi32> to vector<16xi32>
        %gather3A_868 = tpu.dynamic_gather %add3A_195[%gather3A_867] in [0] : vector<16xf32>, vector<16xi32> -> vector<16xf32>
        %add3A_869 = arith.constant 400 : i32
        %add3A_870 = arith.addi %mul3A_356, %add3A_869 : i32
        %add3A_871 = arith.constant 96 : i32
        %add3A_872 = arith.addi %add3A_870, %add3A_871 : i32
        %swap3A_873 = arith.index_cast %add3A_872 : i32 to index
        %swap3A_874 = tpu.vector_load %arg9[%swap3A_873] {strides = array<i32>} : memref<25608xf32, #tpu.memory_space<vmem>>, vector<16xf32>,
        %swap3A_875 = vector.shape_cast %swap3A_874 : vector<16xf32> to vector<16xf32>
        %swap3A_876 = vector.shape_cast %gather3A_868 : vector<16xf32> to vector<16xf32>
        tpu.vector_store %arg9[%swap3A_873], %swap3A_876 {strides = array<i32>} : memref<25608xf32, #tpu.memory_space<vmem>>, vector<16xf32>,
        %lt3A_877 = arith.constant 0 : i32
        %lt3A_878 = vector.broadcast %lt3A_877 : i32 to vector<16xi32>
        %lt3A_879 = arith.cmpi slt, %get3A_822, %lt3A_878 : vector<16xi32>
        %add3A_880 = arith.constant 16 : i32
        %add3A_881 = vector.broadcast %add3A_880 : i32 to vector<16xi32>
        %add3A_882 = arith.addi %get3A_822, %add3A_881 : vector<16xi32>
        %select_n3A_883 = arith.select %lt3A_879, %add3A_882, %get3A_822 : vector<16xi1>, vector<16xi32>
        %broadcast_in_dim3A_884 = vector.shape_cast %select_n3A_883 : vector<16xi32> to vector<16x1xi32>
        %gather3A_885 = vector.shape_cast %broadcast_in_dim3A_884 : vector<16x1xi32> to vector<16xi32>
        %gather3A_886 = tpu.dynamic_gather %add3A_257[%gather3A_885] in [0] : vector<16xf32>, vector<16xi32> -> vector<16xf32>
        %add3A_887 = arith.constant 600 : i32
        %add3A_888 = arith.addi %mul3A_356, %add3A_887 : i32
        %add3A_889 = arith.constant 96 : i32
        %add3A_890 = arith.addi %add3A_888, %add3A_889 : i32
        %swap3A_891 = arith.index_cast %add3A_890 : i32 to index
        %swap3A_892 = tpu.vector_load %arg9[%swap3A_891] {strides = array<i32>} : memref<25608xf32, #tpu.memory_space<vmem>>, vector<16xf32>,
        %swap3A_893 = vector.shape_cast %swap3A_892 : vector<16xf32> to vector<16xf32>
        %swap3A_894 = vector.shape_cast %gather3A_886 : vector<16xf32> to vector<16xf32>
        tpu.vector_store %arg9[%swap3A_891], %swap3A_894 {strides = array<i32>} : memref<25608xf32, #tpu.memory_space<vmem>>, vector<16xf32>,
        %add3A_895 = arith.constant 112 : i32
        %add3A_896 = arith.addi %mul3A_352, %add3A_895 : i32
        %get3A_897 = arith.index_cast %add3A_896 : i32 to index
        %get3A_898 = tpu.vector_load %arg7[%get3A_897] {strides = array<i32>} : memref<6408xi32, #tpu.memory_space<vmem>>, vector<16xi32>,
        %get3A_899 = vector.shape_cast %get3A_898 : vector<16xi32> to vector<16xi32>
        %lt3A_900 = arith.constant 0 : i32
        %lt3A_901 = vector.broadcast %lt3A_900 : i32 to vector<16xi32>
        %lt3A_902 = arith.cmpi slt, %get3A_899, %lt3A_901 : vector<16xi32>
        %add3A_903 = arith.constant 16 : i32
        %add3A_904 = vector.broadcast %add3A_903 : i32 to vector<16xi32>
        %add3A_905 = arith.addi %get3A_899, %add3A_904 : vector<16xi32>
        %select_n3A_906 = arith.select %lt3A_902, %add3A_905, %get3A_899 : vector<16xi1>, vector<16xi32>
        %broadcast_in_dim3A_907 = vector.shape_cast %select_n3A_906 : vector<16xi32> to vector<16x1xi32>
        %gather3A_908 = vector.shape_cast %broadcast_in_dim3A_907 : vector<16x1xi32> to vector<16xi32>
        %gather3A_909 = tpu.dynamic_gather %add3A_71[%gather3A_908] in [0] : vector<16xf32>, vector<16xi32> -> vector<16xf32>
        %add3A_910 = arith.constant 0 : i32
        %add3A_911 = arith.addi %mul3A_356, %add3A_910 : i32
        %add3A_912 = arith.constant 112 : i32
        %add3A_913 = arith.addi %add3A_911, %add3A_912 : i32
        %swap3A_914 = arith.index_cast %add3A_913 : i32 to index
        %swap3A_915 = tpu.vector_load %arg9[%swap3A_914] {strides = array<i32>} : memref<25608xf32, #tpu.memory_space<vmem>>, vector<16xf32>,
        %swap3A_916 = vector.shape_cast %swap3A_915 : vector<16xf32> to vector<16xf32>
        %swap3A_917 = vector.shape_cast %gather3A_909 : vector<16xf32> to vector<16xf32>
        tpu.vector_store %arg9[%swap3A_914], %swap3A_917 {strides = array<i32>} : memref<25608xf32, #tpu.memory_space<vmem>>, vector<16xf32>,
        %lt3A_918 = arith.constant 0 : i32
        %lt3A_919 = vector.broadcast %lt3A_918 : i32 to vector<16xi32>
        %lt3A_920 = arith.cmpi slt, %get3A_899, %lt3A_919 : vector<16xi32>
        %add3A_921 = arith.constant 16 : i32
        %add3A_922 = vector.broadcast %add3A_921 : i32 to vector<16xi32>
        %add3A_923 = arith.addi %get3A_899, %add3A_922 : vector<16xi32>
        %select_n3A_924 = arith.select %lt3A_920, %add3A_923, %get3A_899 : vector<16xi1>, vector<16xi32>
        %broadcast_in_dim3A_925 = vector.shape_cast %select_n3A_924 : vector<16xi32> to vector<16x1xi32>
        %gather3A_926 = vector.shape_cast %broadcast_in_dim3A_925 : vector<16x1xi32> to vector<16xi32>
        %gather3A_927 = tpu.dynamic_gather %add3A_133[%gather3A_926] in [0] : vector<16xf32>, vector<16xi32> -> vector<16xf32>
        %add3A_928 = arith.constant 200 : i32
        %add3A_929 = arith.addi %mul3A_356, %add3A_928 : i32
        %add3A_930 = arith.constant 112 : i32
        %add3A_931 = arith.addi %add3A_929, %add3A_930 : i32
        %swap3A_932 = arith.index_cast %add3A_931 : i32 to index
        %swap3A_933 = tpu.vector_load %arg9[%swap3A_932] {strides = array<i32>} : memref<25608xf32, #tpu.memory_space<vmem>>, vector<16xf32>,
        %swap3A_934 = vector.shape_cast %swap3A_933 : vector<16xf32> to vector<16xf32>
        %swap3A_935 = vector.shape_cast %gather3A_927 : vector<16xf32> to vector<16xf32>
        tpu.vector_store %arg9[%swap3A_932], %swap3A_935 {strides = array<i32>} : memref<25608xf32, #tpu.memory_space<vmem>>, vector<16xf32>,
        %lt3A_936 = arith.constant 0 : i32
        %lt3A_937 = vector.broadcast %lt3A_936 : i32 to vector<16xi32>
        %lt3A_938 = arith.cmpi slt, %get3A_899, %lt3A_937 : vector<16xi32>
        %add3A_939 = arith.constant 16 : i32
        %add3A_940 = vector.broadcast %add3A_939 : i32 to vector<16xi32>
        %add3A_941 = arith.addi %get3A_899, %add3A_940 : vector<16xi32>
        %select_n3A_942 = arith.select %lt3A_938, %add3A_941, %get3A_899 : vector<16xi1>, vector<16xi32>
        %broadcast_in_dim3A_943 = vector.shape_cast %select_n3A_942 : vector<16xi32> to vector<16x1xi32>
        %gather3A_944 = vector.shape_cast %broadcast_in_dim3A_943 : vector<16x1xi32> to vector<16xi32>
        %gather3A_945 = tpu.dynamic_gather %add3A_195[%gather3A_944] in [0] : vector<16xf32>, vector<16xi32> -> vector<16xf32>
        %add3A_946 = arith.constant 400 : i32
        %add3A_947 = arith.addi %mul3A_356, %add3A_946 : i32
        %add3A_948 = arith.constant 112 : i32
        %add3A_949 = arith.addi %add3A_947, %add3A_948 : i32
        %swap3A_950 = arith.index_cast %add3A_949 : i32 to index
        %swap3A_951 = tpu.vector_load %arg9[%swap3A_950] {strides = array<i32>} : memref<25608xf32, #tpu.memory_space<vmem>>, vector<16xf32>,
        %swap3A_952 = vector.shape_cast %swap3A_951 : vector<16xf32> to vector<16xf32>
        %swap3A_953 = vector.shape_cast %gather3A_945 : vector<16xf32> to vector<16xf32>
        tpu.vector_store %arg9[%swap3A_950], %swap3A_953 {strides = array<i32>} : memref<25608xf32, #tpu.memory_space<vmem>>, vector<16xf32>,
        %lt3A_954 = arith.constant 0 : i32
        %lt3A_955 = vector.broadcast %lt3A_954 : i32 to vector<16xi32>
        %lt3A_956 = arith.cmpi slt, %get3A_899, %lt3A_955 : vector<16xi32>
        %add3A_957 = arith.constant 16 : i32
        %add3A_958 = vector.broadcast %add3A_957 : i32 to vector<16xi32>
        %add3A_959 = arith.addi %get3A_899, %add3A_958 : vector<16xi32>
        %select_n3A_960 = arith.select %lt3A_956, %add3A_959, %get3A_899 : vector<16xi1>, vector<16xi32>
        %broadcast_in_dim3A_961 = vector.shape_cast %select_n3A_960 : vector<16xi32> to vector<16x1xi32>
        %gather3A_962 = vector.shape_cast %broadcast_in_dim3A_961 : vector<16x1xi32> to vector<16xi32>
        %gather3A_963 = tpu.dynamic_gather %add3A_257[%gather3A_962] in [0] : vector<16xf32>, vector<16xi32> -> vector<16xf32>
        %add3A_964 = arith.constant 600 : i32
        %add3A_965 = arith.addi %mul3A_356, %add3A_964 : i32
        %add3A_966 = arith.constant 112 : i32
        %add3A_967 = arith.addi %add3A_965, %add3A_966 : i32
        %swap3A_968 = arith.index_cast %add3A_967 : i32 to index
        %swap3A_969 = tpu.vector_load %arg9[%swap3A_968] {strides = array<i32>} : memref<25608xf32, #tpu.memory_space<vmem>>, vector<16xf32>,
        %swap3A_970 = vector.shape_cast %swap3A_969 : vector<16xf32> to vector<16xf32>
        %swap3A_971 = vector.shape_cast %gather3A_963 : vector<16xf32> to vector<16xf32>
        tpu.vector_store %arg9[%swap3A_968], %swap3A_971 {strides = array<i32>} : memref<25608xf32, #tpu.memory_space<vmem>>, vector<16xf32>,
        %add3A_972 = arith.constant 128 : i32
        %add3A_973 = arith.addi %mul3A_352, %add3A_972 : i32
        %get3A_974 = arith.index_cast %add3A_973 : i32 to index
        %get3A_975 = tpu.vector_load %arg7[%get3A_974] {strides = array<i32>} : memref<6408xi32, #tpu.memory_space<vmem>>, vector<16xi32>,
        %get3A_976 = vector.shape_cast %get3A_975 : vector<16xi32> to vector<16xi32>
        %lt3A_977 = arith.constant 0 : i32
        %lt3A_978 = vector.broadcast %lt3A_977 : i32 to vector<16xi32>
        %lt3A_979 = arith.cmpi slt, %get3A_976, %lt3A_978 : vector<16xi32>
        %add3A_980 = arith.constant 16 : i32
        %add3A_981 = vector.broadcast %add3A_980 : i32 to vector<16xi32>
        %add3A_982 = arith.addi %get3A_976, %add3A_981 : vector<16xi32>
        %select_n3A_983 = arith.select %lt3A_979, %add3A_982, %get3A_976 : vector<16xi1>, vector<16xi32>
        %broadcast_in_dim3A_984 = vector.shape_cast %select_n3A_983 : vector<16xi32> to vector<16x1xi32>
        %gather3A_985 = vector.shape_cast %broadcast_in_dim3A_984 : vector<16x1xi32> to vector<16xi32>
        %gather3A_986 = tpu.dynamic_gather %add3A_71[%gather3A_985] in [0] : vector<16xf32>, vector<16xi32> -> vector<16xf32>
        %add3A_987 = arith.constant 0 : i32
        %add3A_988 = arith.addi %mul3A_356, %add3A_987 : i32
        %add3A_989 = arith.constant 128 : i32
        %add3A_990 = arith.addi %add3A_988, %add3A_989 : i32
        %swap3A_991 = arith.index_cast %add3A_990 : i32 to index
        %swap3A_992 = tpu.vector_load %arg9[%swap3A_991] {strides = array<i32>} : memref<25608xf32, #tpu.memory_space<vmem>>, vector<16xf32>,
        %swap3A_993 = vector.shape_cast %swap3A_992 : vector<16xf32> to vector<16xf32>
        %swap3A_994 = vector.shape_cast %gather3A_986 : vector<16xf32> to vector<16xf32>
        tpu.vector_store %arg9[%swap3A_991], %swap3A_994 {strides = array<i32>} : memref<25608xf32, #tpu.memory_space<vmem>>, vector<16xf32>,
        %lt3A_995 = arith.constant 0 : i32
        %lt3A_996 = vector.broadcast %lt3A_995 : i32 to vector<16xi32>
        %lt3A_997 = arith.cmpi slt, %get3A_976, %lt3A_996 : vector<16xi32>
        %add3A_998 = arith.constant 16 : i32
        %add3A_999 = vector.broadcast %add3A_998 : i32 to vector<16xi32>
        %add3A_1000 = arith.addi %get3A_976, %add3A_999 : vector<16xi32>
        %select_n3A_1001 = arith.select %lt3A_997, %add3A_1000, %get3A_976 : vector<16xi1>, vector<16xi32>
        %broadcast_in_dim3A_1002 = vector.shape_cast %select_n3A_1001 : vector<16xi32> to vector<16x1xi32>
        %gather3A_1003 = vector.shape_cast %broadcast_in_dim3A_1002 : vector<16x1xi32> to vector<16xi32>
        %gather3A_1004 = tpu.dynamic_gather %add3A_133[%gather3A_1003] in [0] : vector<16xf32>, vector<16xi32> -> vector<16xf32>
        %add3A_1005 = arith.constant 200 : i32
        %add3A_1006 = arith.addi %mul3A_356, %add3A_1005 : i32
        %add3A_1007 = arith.constant 128 : i32
        %add3A_1008 = arith.addi %add3A_1006, %add3A_1007 : i32
        %swap3A_1009 = arith.index_cast %add3A_1008 : i32 to index
        %swap3A_1010 = tpu.vector_load %arg9[%swap3A_1009] {strides = array<i32>} : memref<25608xf32, #tpu.memory_space<vmem>>, vector<16xf32>,
        %swap3A_1011 = vector.shape_cast %swap3A_1010 : vector<16xf32> to vector<16xf32>
        %swap3A_1012 = vector.shape_cast %gather3A_1004 : vector<16xf32> to vector<16xf32>
        tpu.vector_store %arg9[%swap3A_1009], %swap3A_1012 {strides = array<i32>} : memref<25608xf32, #tpu.memory_space<vmem>>, vector<16xf32>,
        %lt3A_1013 = arith.constant 0 : i32
        %lt3A_1014 = vector.broadcast %lt3A_1013 : i32 to vector<16xi32>
        %lt3A_1015 = arith.cmpi slt, %get3A_976, %lt3A_1014 : vector<16xi32>
        %add3A_1016 = arith.constant 16 : i32
        %add3A_1017 = vector.broadcast %add3A_1016 : i32 to vector<16xi32>
        %add3A_1018 = arith.addi %get3A_976, %add3A_1017 : vector<16xi32>
        %select_n3A_1019 = arith.select %lt3A_1015, %add3A_1018, %get3A_976 : vector<16xi1>, vector<16xi32>
        %broadcast_in_dim3A_1020 = vector.shape_cast %select_n3A_1019 : vector<16xi32> to vector<16x1xi32>
        %gather3A_1021 = vector.shape_cast %broadcast_in_dim3A_1020 : vector<16x1xi32> to vector<16xi32>
        %gather3A_1022 = tpu.dynamic_gather %add3A_195[%gather3A_1021] in [0] : vector<16xf32>, vector<16xi32> -> vector<16xf32>
        %add3A_1023 = arith.constant 400 : i32
        %add3A_1024 = arith.addi %mul3A_356, %add3A_1023 : i32
        %add3A_1025 = arith.constant 128 : i32
        %add3A_1026 = arith.addi %add3A_1024, %add3A_1025 : i32
        %swap3A_1027 = arith.index_cast %add3A_1026 : i32 to index
        %swap3A_1028 = tpu.vector_load %arg9[%swap3A_1027] {strides = array<i32>} : memref<25608xf32, #tpu.memory_space<vmem>>, vector<16xf32>,
        %swap3A_1029 = vector.shape_cast %swap3A_1028 : vector<16xf32> to vector<16xf32>
        %swap3A_1030 = vector.shape_cast %gather3A_1022 : vector<16xf32> to vector<16xf32>
        tpu.vector_store %arg9[%swap3A_1027], %swap3A_1030 {strides = array<i32>} : memref<25608xf32, #tpu.memory_space<vmem>>, vector<16xf32>,
        %lt3A_1031 = arith.constant 0 : i32
        %lt3A_1032 = vector.broadcast %lt3A_1031 : i32 to vector<16xi32>
        %lt3A_1033 = arith.cmpi slt, %get3A_976, %lt3A_1032 : vector<16xi32>
        %add3A_1034 = arith.constant 16 : i32
        %add3A_1035 = vector.broadcast %add3A_1034 : i32 to vector<16xi32>
        %add3A_1036 = arith.addi %get3A_976, %add3A_1035 : vector<16xi32>
        %select_n3A_1037 = arith.select %lt3A_1033, %add3A_1036, %get3A_976 : vector<16xi1>, vector<16xi32>
        %broadcast_in_dim3A_1038 = vector.shape_cast %select_n3A_1037 : vector<16xi32> to vector<16x1xi32>
        %gather3A_1039 = vector.shape_cast %broadcast_in_dim3A_1038 : vector<16x1xi32> to vector<16xi32>
        %gather3A_1040 = tpu.dynamic_gather %add3A_257[%gather3A_1039] in [0] : vector<16xf32>, vector<16xi32> -> vector<16xf32>
        %add3A_1041 = arith.constant 600 : i32
        %add3A_1042 = arith.addi %mul3A_356, %add3A_1041 : i32
        %add3A_1043 = arith.constant 128 : i32
        %add3A_1044 = arith.addi %add3A_1042, %add3A_1043 : i32
        %swap3A_1045 = arith.index_cast %add3A_1044 : i32 to index
        %swap3A_1046 = tpu.vector_load %arg9[%swap3A_1045] {strides = array<i32>} : memref<25608xf32, #tpu.memory_space<vmem>>, vector<16xf32>,
        %swap3A_1047 = vector.shape_cast %swap3A_1046 : vector<16xf32> to vector<16xf32>
        %swap3A_1048 = vector.shape_cast %gather3A_1040 : vector<16xf32> to vector<16xf32>
        tpu.vector_store %arg9[%swap3A_1045], %swap3A_1048 {strides = array<i32>} : memref<25608xf32, #tpu.memory_space<vmem>>, vector<16xf32>,
        %add3A_1049 = arith.constant 144 : i32
        %add3A_1050 = arith.addi %mul3A_352, %add3A_1049 : i32
        %get3A_1051 = arith.index_cast %add3A_1050 : i32 to index
        %get3A_1052 = tpu.vector_load %arg7[%get3A_1051] {strides = array<i32>} : memref<6408xi32, #tpu.memory_space<vmem>>, vector<16xi32>,
        %get3A_1053 = vector.shape_cast %get3A_1052 : vector<16xi32> to vector<16xi32>
        %lt3A_1054 = arith.constant 0 : i32
        %lt3A_1055 = vector.broadcast %lt3A_1054 : i32 to vector<16xi32>
        %lt3A_1056 = arith.cmpi slt, %get3A_1053, %lt3A_1055 : vector<16xi32>
        %add3A_1057 = arith.constant 16 : i32
        %add3A_1058 = vector.broadcast %add3A_1057 : i32 to vector<16xi32>
        %add3A_1059 = arith.addi %get3A_1053, %add3A_1058 : vector<16xi32>
        %select_n3A_1060 = arith.select %lt3A_1056, %add3A_1059, %get3A_1053 : vector<16xi1>, vector<16xi32>
        %broadcast_in_dim3A_1061 = vector.shape_cast %select_n3A_1060 : vector<16xi32> to vector<16x1xi32>
        %gather3A_1062 = vector.shape_cast %broadcast_in_dim3A_1061 : vector<16x1xi32> to vector<16xi32>
        %gather3A_1063 = tpu.dynamic_gather %add3A_71[%gather3A_1062] in [0] : vector<16xf32>, vector<16xi32> -> vector<16xf32>
        %add3A_1064 = arith.constant 0 : i32
        %add3A_1065 = arith.addi %mul3A_356, %add3A_1064 : i32
        %add3A_1066 = arith.constant 144 : i32
        %add3A_1067 = arith.addi %add3A_1065, %add3A_1066 : i32
        %swap3A_1068 = arith.index_cast %add3A_1067 : i32 to index
        %swap3A_1069 = tpu.vector_load %arg9[%swap3A_1068] {strides = array<i32>} : memref<25608xf32, #tpu.memory_space<vmem>>, vector<16xf32>,
        %swap3A_1070 = vector.shape_cast %swap3A_1069 : vector<16xf32> to vector<16xf32>
        %swap3A_1071 = vector.shape_cast %gather3A_1063 : vector<16xf32> to vector<16xf32>
        tpu.vector_store %arg9[%swap3A_1068], %swap3A_1071 {strides = array<i32>} : memref<25608xf32, #tpu.memory_space<vmem>>, vector<16xf32>,
        %lt3A_1072 = arith.constant 0 : i32
        %lt3A_1073 = vector.broadcast %lt3A_1072 : i32 to vector<16xi32>
        %lt3A_1074 = arith.cmpi slt, %get3A_1053, %lt3A_1073 : vector<16xi32>
        %add3A_1075 = arith.constant 16 : i32
        %add3A_1076 = vector.broadcast %add3A_1075 : i32 to vector<16xi32>
        %add3A_1077 = arith.addi %get3A_1053, %add3A_1076 : vector<16xi32>
        %select_n3A_1078 = arith.select %lt3A_1074, %add3A_1077, %get3A_1053 : vector<16xi1>, vector<16xi32>
        %broadcast_in_dim3A_1079 = vector.shape_cast %select_n3A_1078 : vector<16xi32> to vector<16x1xi32>
        %gather3A_1080 = vector.shape_cast %broadcast_in_dim3A_1079 : vector<16x1xi32> to vector<16xi32>
        %gather3A_1081 = tpu.dynamic_gather %add3A_133[%gather3A_1080] in [0] : vector<16xf32>, vector<16xi32> -> vector<16xf32>
        %add3A_1082 = arith.constant 200 : i32
        %add3A_1083 = arith.addi %mul3A_356, %add3A_1082 : i32
        %add3A_1084 = arith.constant 144 : i32
        %add3A_1085 = arith.addi %add3A_1083, %add3A_1084 : i32
        %swap3A_1086 = arith.index_cast %add3A_1085 : i32 to index
        %swap3A_1087 = tpu.vector_load %arg9[%swap3A_1086] {strides = array<i32>} : memref<25608xf32, #tpu.memory_space<vmem>>, vector<16xf32>,
        %swap3A_1088 = vector.shape_cast %swap3A_1087 : vector<16xf32> to vector<16xf32>
        %swap3A_1089 = vector.shape_cast %gather3A_1081 : vector<16xf32> to vector<16xf32>
        tpu.vector_store %arg9[%swap3A_1086], %swap3A_1089 {strides = array<i32>} : memref<25608xf32, #tpu.memory_space<vmem>>, vector<16xf32>,
        %lt3A_1090 = arith.constant 0 : i32
        %lt3A_1091 = vector.broadcast %lt3A_1090 : i32 to vector<16xi32>
        %lt3A_1092 = arith.cmpi slt, %get3A_1053, %lt3A_1091 : vector<16xi32>
        %add3A_1093 = arith.constant 16 : i32
        %add3A_1094 = vector.broadcast %add3A_1093 : i32 to vector<16xi32>
        %add3A_1095 = arith.addi %get3A_1053, %add3A_1094 : vector<16xi32>
        %select_n3A_1096 = arith.select %lt3A_1092, %add3A_1095, %get3A_1053 : vector<16xi1>, vector<16xi32>
        %broadcast_in_dim3A_1097 = vector.shape_cast %select_n3A_1096 : vector<16xi32> to vector<16x1xi32>
        %gather3A_1098 = vector.shape_cast %broadcast_in_dim3A_1097 : vector<16x1xi32> to vector<16xi32>
        %gather3A_1099 = tpu.dynamic_gather %add3A_195[%gather3A_1098] in [0] : vector<16xf32>, vector<16xi32> -> vector<16xf32>
        %add3A_1100 = arith.constant 400 : i32
        %add3A_1101 = arith.addi %mul3A_356, %add3A_1100 : i32
        %add3A_1102 = arith.constant 144 : i32
        %add3A_1103 = arith.addi %add3A_1101, %add3A_1102 : i32
        %swap3A_1104 = arith.index_cast %add3A_1103 : i32 to index
        %swap3A_1105 = tpu.vector_load %arg9[%swap3A_1104] {strides = array<i32>} : memref<25608xf32, #tpu.memory_space<vmem>>, vector<16xf32>,
        %swap3A_1106 = vector.shape_cast %swap3A_1105 : vector<16xf32> to vector<16xf32>
        %swap3A_1107 = vector.shape_cast %gather3A_1099 : vector<16xf32> to vector<16xf32>
        tpu.vector_store %arg9[%swap3A_1104], %swap3A_1107 {strides = array<i32>} : memref<25608xf32, #tpu.memory_space<vmem>>, vector<16xf32>,
        %lt3A_1108 = arith.constant 0 : i32
        %lt3A_1109 = vector.broadcast %lt3A_1108 : i32 to vector<16xi32>
        %lt3A_1110 = arith.cmpi slt, %get3A_1053, %lt3A_1109 : vector<16xi32>
        %add3A_1111 = arith.constant 16 : i32
        %add3A_1112 = vector.broadcast %add3A_1111 : i32 to vector<16xi32>
        %add3A_1113 = arith.addi %get3A_1053, %add3A_1112 : vector<16xi32>
        %select_n3A_1114 = arith.select %lt3A_1110, %add3A_1113, %get3A_1053 : vector<16xi1>, vector<16xi32>
        %broadcast_in_dim3A_1115 = vector.shape_cast %select_n3A_1114 : vector<16xi32> to vector<16x1xi32>
        %gather3A_1116 = vector.shape_cast %broadcast_in_dim3A_1115 : vector<16x1xi32> to vector<16xi32>
        %gather3A_1117 = tpu.dynamic_gather %add3A_257[%gather3A_1116] in [0] : vector<16xf32>, vector<16xi32> -> vector<16xf32>
        %add3A_1118 = arith.constant 600 : i32
        %add3A_1119 = arith.addi %mul3A_356, %add3A_1118 : i32
        %add3A_1120 = arith.constant 144 : i32
        %add3A_1121 = arith.addi %add3A_1119, %add3A_1120 : i32
        %swap3A_1122 = arith.index_cast %add3A_1121 : i32 to index
        %swap3A_1123 = tpu.vector_load %arg9[%swap3A_1122] {strides = array<i32>} : memref<25608xf32, #tpu.memory_space<vmem>>, vector<16xf32>,
        %swap3A_1124 = vector.shape_cast %swap3A_1123 : vector<16xf32> to vector<16xf32>
        %swap3A_1125 = vector.shape_cast %gather3A_1117 : vector<16xf32> to vector<16xf32>
        tpu.vector_store %arg9[%swap3A_1122], %swap3A_1125 {strides = array<i32>} : memref<25608xf32, #tpu.memory_space<vmem>>, vector<16xf32>,
        %add3A_1126 = arith.constant 160 : i32
        %add3A_1127 = arith.addi %mul3A_352, %add3A_1126 : i32
        %get3A_1128 = arith.index_cast %add3A_1127 : i32 to index
        %get3A_1129 = tpu.vector_load %arg7[%get3A_1128] {strides = array<i32>} : memref<6408xi32, #tpu.memory_space<vmem>>, vector<16xi32>,
        %get3A_1130 = vector.shape_cast %get3A_1129 : vector<16xi32> to vector<16xi32>
        %lt3A_1131 = arith.constant 0 : i32
        %lt3A_1132 = vector.broadcast %lt3A_1131 : i32 to vector<16xi32>
        %lt3A_1133 = arith.cmpi slt, %get3A_1130, %lt3A_1132 : vector<16xi32>
        %add3A_1134 = arith.constant 16 : i32
        %add3A_1135 = vector.broadcast %add3A_1134 : i32 to vector<16xi32>
        %add3A_1136 = arith.addi %get3A_1130, %add3A_1135 : vector<16xi32>
        %select_n3A_1137 = arith.select %lt3A_1133, %add3A_1136, %get3A_1130 : vector<16xi1>, vector<16xi32>
        %broadcast_in_dim3A_1138 = vector.shape_cast %select_n3A_1137 : vector<16xi32> to vector<16x1xi32>
        %gather3A_1139 = vector.shape_cast %broadcast_in_dim3A_1138 : vector<16x1xi32> to vector<16xi32>
        %gather3A_1140 = tpu.dynamic_gather %add3A_71[%gather3A_1139] in [0] : vector<16xf32>, vector<16xi32> -> vector<16xf32>
        %add3A_1141 = arith.constant 0 : i32
        %add3A_1142 = arith.addi %mul3A_356, %add3A_1141 : i32
        %add3A_1143 = arith.constant 160 : i32
        %add3A_1144 = arith.addi %add3A_1142, %add3A_1143 : i32
        %swap3A_1145 = arith.index_cast %add3A_1144 : i32 to index
        %swap3A_1146 = tpu.vector_load %arg9[%swap3A_1145] {strides = array<i32>} : memref<25608xf32, #tpu.memory_space<vmem>>, vector<16xf32>,
        %swap3A_1147 = vector.shape_cast %swap3A_1146 : vector<16xf32> to vector<16xf32>
        %swap3A_1148 = vector.shape_cast %gather3A_1140 : vector<16xf32> to vector<16xf32>
        tpu.vector_store %arg9[%swap3A_1145], %swap3A_1148 {strides = array<i32>} : memref<25608xf32, #tpu.memory_space<vmem>>, vector<16xf32>,
        %lt3A_1149 = arith.constant 0 : i32
        %lt3A_1150 = vector.broadcast %lt3A_1149 : i32 to vector<16xi32>
        %lt3A_1151 = arith.cmpi slt, %get3A_1130, %lt3A_1150 : vector<16xi32>
        %add3A_1152 = arith.constant 16 : i32
        %add3A_1153 = vector.broadcast %add3A_1152 : i32 to vector<16xi32>
        %add3A_1154 = arith.addi %get3A_1130, %add3A_1153 : vector<16xi32>
        %select_n3A_1155 = arith.select %lt3A_1151, %add3A_1154, %get3A_1130 : vector<16xi1>, vector<16xi32>
        %broadcast_in_dim3A_1156 = vector.shape_cast %select_n3A_1155 : vector<16xi32> to vector<16x1xi32>
        %gather3A_1157 = vector.shape_cast %broadcast_in_dim3A_1156 : vector<16x1xi32> to vector<16xi32>
        %gather3A_1158 = tpu.dynamic_gather %add3A_133[%gather3A_1157] in [0] : vector<16xf32>, vector<16xi32> -> vector<16xf32>
        %add3A_1159 = arith.constant 200 : i32
        %add3A_1160 = arith.addi %mul3A_356, %add3A_1159 : i32
        %add3A_1161 = arith.constant 160 : i32
        %add3A_1162 = arith.addi %add3A_1160, %add3A_1161 : i32
        %swap3A_1163 = arith.index_cast %add3A_1162 : i32 to index
        %swap3A_1164 = tpu.vector_load %arg9[%swap3A_1163] {strides = array<i32>} : memref<25608xf32, #tpu.memory_space<vmem>>, vector<16xf32>,
        %swap3A_1165 = vector.shape_cast %swap3A_1164 : vector<16xf32> to vector<16xf32>
        %swap3A_1166 = vector.shape_cast %gather3A_1158 : vector<16xf32> to vector<16xf32>
        tpu.vector_store %arg9[%swap3A_1163], %swap3A_1166 {strides = array<i32>} : memref<25608xf32, #tpu.memory_space<vmem>>, vector<16xf32>,
        %lt3A_1167 = arith.constant 0 : i32
        %lt3A_1168 = vector.broadcast %lt3A_1167 : i32 to vector<16xi32>
        %lt3A_1169 = arith.cmpi slt, %get3A_1130, %lt3A_1168 : vector<16xi32>
        %add3A_1170 = arith.constant 16 : i32
        %add3A_1171 = vector.broadcast %add3A_1170 : i32 to vector<16xi32>
        %add3A_1172 = arith.addi %get3A_1130, %add3A_1171 : vector<16xi32>
        %select_n3A_1173 = arith.select %lt3A_1169, %add3A_1172, %get3A_1130 : vector<16xi1>, vector<16xi32>
        %broadcast_in_dim3A_1174 = vector.shape_cast %select_n3A_1173 : vector<16xi32> to vector<16x1xi32>
        %gather3A_1175 = vector.shape_cast %broadcast_in_dim3A_1174 : vector<16x1xi32> to vector<16xi32>
        %gather3A_1176 = tpu.dynamic_gather %add3A_195[%gather3A_1175] in [0] : vector<16xf32>, vector<16xi32> -> vector<16xf32>
        %add3A_1177 = arith.constant 400 : i32
        %add3A_1178 = arith.addi %mul3A_356, %add3A_1177 : i32
        %add3A_1179 = arith.constant 160 : i32
        %add3A_1180 = arith.addi %add3A_1178, %add3A_1179 : i32
        %swap3A_1181 = arith.index_cast %add3A_1180 : i32 to index
        %swap3A_1182 = tpu.vector_load %arg9[%swap3A_1181] {strides = array<i32>} : memref<25608xf32, #tpu.memory_space<vmem>>, vector<16xf32>,
        %swap3A_1183 = vector.shape_cast %swap3A_1182 : vector<16xf32> to vector<16xf32>
        %swap3A_1184 = vector.shape_cast %gather3A_1176 : vector<16xf32> to vector<16xf32>
        tpu.vector_store %arg9[%swap3A_1181], %swap3A_1184 {strides = array<i32>} : memref<25608xf32, #tpu.memory_space<vmem>>, vector<16xf32>,
        %lt3A_1185 = arith.constant 0 : i32
        %lt3A_1186 = vector.broadcast %lt3A_1185 : i32 to vector<16xi32>
        %lt3A_1187 = arith.cmpi slt, %get3A_1130, %lt3A_1186 : vector<16xi32>
        %add3A_1188 = arith.constant 16 : i32
        %add3A_1189 = vector.broadcast %add3A_1188 : i32 to vector<16xi32>
        %add3A_1190 = arith.addi %get3A_1130, %add3A_1189 : vector<16xi32>
        %select_n3A_1191 = arith.select %lt3A_1187, %add3A_1190, %get3A_1130 : vector<16xi1>, vector<16xi32>
        %broadcast_in_dim3A_1192 = vector.shape_cast %select_n3A_1191 : vector<16xi32> to vector<16x1xi32>
        %gather3A_1193 = vector.shape_cast %broadcast_in_dim3A_1192 : vector<16x1xi32> to vector<16xi32>
        %gather3A_1194 = tpu.dynamic_gather %add3A_257[%gather3A_1193] in [0] : vector<16xf32>, vector<16xi32> -> vector<16xf32>
        %add3A_1195 = arith.constant 600 : i32
        %add3A_1196 = arith.addi %mul3A_356, %add3A_1195 : i32
        %add3A_1197 = arith.constant 160 : i32
        %add3A_1198 = arith.addi %add3A_1196, %add3A_1197 : i32
        %swap3A_1199 = arith.index_cast %add3A_1198 : i32 to index
        %swap3A_1200 = tpu.vector_load %arg9[%swap3A_1199] {strides = array<i32>} : memref<25608xf32, #tpu.memory_space<vmem>>, vector<16xf32>,
        %swap3A_1201 = vector.shape_cast %swap3A_1200 : vector<16xf32> to vector<16xf32>
        %swap3A_1202 = vector.shape_cast %gather3A_1194 : vector<16xf32> to vector<16xf32>
        tpu.vector_store %arg9[%swap3A_1199], %swap3A_1202 {strides = array<i32>} : memref<25608xf32, #tpu.memory_space<vmem>>, vector<16xf32>,
        %add3A_1203 = arith.constant 176 : i32
        %add3A_1204 = arith.addi %mul3A_352, %add3A_1203 : i32
        %get3A_1205 = arith.index_cast %add3A_1204 : i32 to index
        %get3A_1206 = tpu.vector_load %arg7[%get3A_1205] {strides = array<i32>} : memref<6408xi32, #tpu.memory_space<vmem>>, vector<16xi32>,
        %get3A_1207 = vector.shape_cast %get3A_1206 : vector<16xi32> to vector<16xi32>
        %lt3A_1208 = arith.constant 0 : i32
        %lt3A_1209 = vector.broadcast %lt3A_1208 : i32 to vector<16xi32>
        %lt3A_1210 = arith.cmpi slt, %get3A_1207, %lt3A_1209 : vector<16xi32>
        %add3A_1211 = arith.constant 16 : i32
        %add3A_1212 = vector.broadcast %add3A_1211 : i32 to vector<16xi32>
        %add3A_1213 = arith.addi %get3A_1207, %add3A_1212 : vector<16xi32>
        %select_n3A_1214 = arith.select %lt3A_1210, %add3A_1213, %get3A_1207 : vector<16xi1>, vector<16xi32>
        %broadcast_in_dim3A_1215 = vector.shape_cast %select_n3A_1214 : vector<16xi32> to vector<16x1xi32>
        %gather3A_1216 = vector.shape_cast %broadcast_in_dim3A_1215 : vector<16x1xi32> to vector<16xi32>
        %gather3A_1217 = tpu.dynamic_gather %add3A_71[%gather3A_1216] in [0] : vector<16xf32>, vector<16xi32> -> vector<16xf32>
        %add3A_1218 = arith.constant 0 : i32
        %add3A_1219 = arith.addi %mul3A_356, %add3A_1218 : i32
        %add3A_1220 = arith.constant 176 : i32
        %add3A_1221 = arith.addi %add3A_1219, %add3A_1220 : i32
        %swap3A_1222 = arith.index_cast %add3A_1221 : i32 to index
        %swap3A_1223 = tpu.vector_load %arg9[%swap3A_1222] {strides = array<i32>} : memref<25608xf32, #tpu.memory_space<vmem>>, vector<16xf32>,
        %swap3A_1224 = vector.shape_cast %swap3A_1223 : vector<16xf32> to vector<16xf32>
        %swap3A_1225 = vector.shape_cast %gather3A_1217 : vector<16xf32> to vector<16xf32>
        tpu.vector_store %arg9[%swap3A_1222], %swap3A_1225 {strides = array<i32>} : memref<25608xf32, #tpu.memory_space<vmem>>, vector<16xf32>,
        %lt3A_1226 = arith.constant 0 : i32
        %lt3A_1227 = vector.broadcast %lt3A_1226 : i32 to vector<16xi32>
        %lt3A_1228 = arith.cmpi slt, %get3A_1207, %lt3A_1227 : vector<16xi32>
        %add3A_1229 = arith.constant 16 : i32
        %add3A_1230 = vector.broadcast %add3A_1229 : i32 to vector<16xi32>
        %add3A_1231 = arith.addi %get3A_1207, %add3A_1230 : vector<16xi32>
        %select_n3A_1232 = arith.select %lt3A_1228, %add3A_1231, %get3A_1207 : vector<16xi1>, vector<16xi32>
        %broadcast_in_dim3A_1233 = vector.shape_cast %select_n3A_1232 : vector<16xi32> to vector<16x1xi32>
        %gather3A_1234 = vector.shape_cast %broadcast_in_dim3A_1233 : vector<16x1xi32> to vector<16xi32>
        %gather3A_1235 = tpu.dynamic_gather %add3A_133[%gather3A_1234] in [0] : vector<16xf32>, vector<16xi32> -> vector<16xf32>
        %add3A_1236 = arith.constant 200 : i32
        %add3A_1237 = arith.addi %mul3A_356, %add3A_1236 : i32
        %add3A_1238 = arith.constant 176 : i32
        %add3A_1239 = arith.addi %add3A_1237, %add3A_1238 : i32
        %swap3A_1240 = arith.index_cast %add3A_1239 : i32 to index
        %swap3A_1241 = tpu.vector_load %arg9[%swap3A_1240] {strides = array<i32>} : memref<25608xf32, #tpu.memory_space<vmem>>, vector<16xf32>,
        %swap3A_1242 = vector.shape_cast %swap3A_1241 : vector<16xf32> to vector<16xf32>
        %swap3A_1243 = vector.shape_cast %gather3A_1235 : vector<16xf32> to vector<16xf32>
        tpu.vector_store %arg9[%swap3A_1240], %swap3A_1243 {strides = array<i32>} : memref<25608xf32, #tpu.memory_space<vmem>>, vector<16xf32>,
        %lt3A_1244 = arith.constant 0 : i32
        %lt3A_1245 = vector.broadcast %lt3A_1244 : i32 to vector<16xi32>
        %lt3A_1246 = arith.cmpi slt, %get3A_1207, %lt3A_1245 : vector<16xi32>
        %add3A_1247 = arith.constant 16 : i32
        %add3A_1248 = vector.broadcast %add3A_1247 : i32 to vector<16xi32>
        %add3A_1249 = arith.addi %get3A_1207, %add3A_1248 : vector<16xi32>
        %select_n3A_1250 = arith.select %lt3A_1246, %add3A_1249, %get3A_1207 : vector<16xi1>, vector<16xi32>
        %broadcast_in_dim3A_1251 = vector.shape_cast %select_n3A_1250 : vector<16xi32> to vector<16x1xi32>
        %gather3A_1252 = vector.shape_cast %broadcast_in_dim3A_1251 : vector<16x1xi32> to vector<16xi32>
        %gather3A_1253 = tpu.dynamic_gather %add3A_195[%gather3A_1252] in [0] : vector<16xf32>, vector<16xi32> -> vector<16xf32>
        %add3A_1254 = arith.constant 400 : i32
        %add3A_1255 = arith.addi %mul3A_356, %add3A_1254 : i32
        %add3A_1256 = arith.constant 176 : i32
        %add3A_1257 = arith.addi %add3A_1255, %add3A_1256 : i32
        %swap3A_1258 = arith.index_cast %add3A_1257 : i32 to index
        %swap3A_1259 = tpu.vector_load %arg9[%swap3A_1258] {strides = array<i32>} : memref<25608xf32, #tpu.memory_space<vmem>>, vector<16xf32>,
        %swap3A_1260 = vector.shape_cast %swap3A_1259 : vector<16xf32> to vector<16xf32>
        %swap3A_1261 = vector.shape_cast %gather3A_1253 : vector<16xf32> to vector<16xf32>
        tpu.vector_store %arg9[%swap3A_1258], %swap3A_1261 {strides = array<i32>} : memref<25608xf32, #tpu.memory_space<vmem>>, vector<16xf32>,
        %lt3A_1262 = arith.constant 0 : i32
        %lt3A_1263 = vector.broadcast %lt3A_1262 : i32 to vector<16xi32>
        %lt3A_1264 = arith.cmpi slt, %get3A_1207, %lt3A_1263 : vector<16xi32>
        %add3A_1265 = arith.constant 16 : i32
        %add3A_1266 = vector.broadcast %add3A_1265 : i32 to vector<16xi32>
        %add3A_1267 = arith.addi %get3A_1207, %add3A_1266 : vector<16xi32>
        %select_n3A_1268 = arith.select %lt3A_1264, %add3A_1267, %get3A_1207 : vector<16xi1>, vector<16xi32>
        %broadcast_in_dim3A_1269 = vector.shape_cast %select_n3A_1268 : vector<16xi32> to vector<16x1xi32>
        %gather3A_1270 = vector.shape_cast %broadcast_in_dim3A_1269 : vector<16x1xi32> to vector<16xi32>
        %gather3A_1271 = tpu.dynamic_gather %add3A_257[%gather3A_1270] in [0] : vector<16xf32>, vector<16xi32> -> vector<16xf32>
        %add3A_1272 = arith.constant 600 : i32
        %add3A_1273 = arith.addi %mul3A_356, %add3A_1272 : i32
        %add3A_1274 = arith.constant 176 : i32
        %add3A_1275 = arith.addi %add3A_1273, %add3A_1274 : i32
        %swap3A_1276 = arith.index_cast %add3A_1275 : i32 to index
        %swap3A_1277 = tpu.vector_load %arg9[%swap3A_1276] {strides = array<i32>} : memref<25608xf32, #tpu.memory_space<vmem>>, vector<16xf32>,
        %swap3A_1278 = vector.shape_cast %swap3A_1277 : vector<16xf32> to vector<16xf32>
        %swap3A_1279 = vector.shape_cast %gather3A_1271 : vector<16xf32> to vector<16xf32>
        tpu.vector_store %arg9[%swap3A_1276], %swap3A_1279 {strides = array<i32>} : memref<25608xf32, #tpu.memory_space<vmem>>, vector<16xf32>,
        %add3A_1280 = arith.constant 200 : i32
        %add3A_1281 = arith.addi %mul3A_352, %add3A_1280 : i32
        %sub3A = arith.constant 16 : i32
        %sub3A_1282 = arith.subi %add3A_1281, %sub3A : i32
        %get3A_1283 = arith.index_cast %sub3A_1282 : i32 to index
        %get3A_1284 = tpu.vector_load %arg7[%get3A_1283] {strides = array<i32>} : memref<6408xi32, #tpu.memory_space<vmem>>, vector<16xi32>,
        %get3A_1285 = vector.shape_cast %get3A_1284 : vector<16xi32> to vector<16xi32>
        %lt3A_1286 = arith.constant 0 : i32
        %lt3A_1287 = vector.broadcast %lt3A_1286 : i32 to vector<16xi32>
        %lt3A_1288 = arith.cmpi slt, %get3A_1285, %lt3A_1287 : vector<16xi32>
        %add3A_1289 = arith.constant 16 : i32
        %add3A_1290 = vector.broadcast %add3A_1289 : i32 to vector<16xi32>
        %add3A_1291 = arith.addi %get3A_1285, %add3A_1290 : vector<16xi32>
        %select_n3A_1292 = arith.select %lt3A_1288, %add3A_1291, %get3A_1285 : vector<16xi1>, vector<16xi32>
        %broadcast_in_dim3A_1293 = vector.shape_cast %select_n3A_1292 : vector<16xi32> to vector<16x1xi32>
        %gather3A_1294 = vector.shape_cast %broadcast_in_dim3A_1293 : vector<16x1xi32> to vector<16xi32>
        %gather3A_1295 = tpu.dynamic_gather %add3A_71[%gather3A_1294] in [0] : vector<16xf32>, vector<16xi32> -> vector<16xf32>
        %add3A_1296 = arith.constant 0 : i32
        %add3A_1297 = arith.addi %mul3A_356, %add3A_1296 : i32
        %add3A_1298 = arith.constant 200 : i32
        %add3A_1299 = arith.addi %add3A_1297, %add3A_1298 : i32
        %sub3A_1300 = arith.constant 16 : i32
        %sub3A_1301 = arith.subi %add3A_1299, %sub3A_1300 : i32
        %swap3A_1302 = arith.index_cast %sub3A_1301 : i32 to index
        %swap3A_1303 = tpu.vector_load %arg9[%swap3A_1302] {strides = array<i32>} : memref<25608xf32, #tpu.memory_space<vmem>>, vector<16xf32>,
        %swap3A_1304 = vector.shape_cast %swap3A_1303 : vector<16xf32> to vector<16xf32>
        %swap3A_1305 = vector.shape_cast %gather3A_1295 : vector<16xf32> to vector<16xf32>
        tpu.vector_store %arg9[%swap3A_1302], %swap3A_1305 {strides = array<i32>} : memref<25608xf32, #tpu.memory_space<vmem>>, vector<16xf32>,
        %lt3A_1306 = arith.constant 0 : i32
        %lt3A_1307 = vector.broadcast %lt3A_1306 : i32 to vector<16xi32>
        %lt3A_1308 = arith.cmpi slt, %get3A_1285, %lt3A_1307 : vector<16xi32>
        %add3A_1309 = arith.constant 16 : i32
        %add3A_1310 = vector.broadcast %add3A_1309 : i32 to vector<16xi32>
        %add3A_1311 = arith.addi %get3A_1285, %add3A_1310 : vector<16xi32>
        %select_n3A_1312 = arith.select %lt3A_1308, %add3A_1311, %get3A_1285 : vector<16xi1>, vector<16xi32>
        %broadcast_in_dim3A_1313 = vector.shape_cast %select_n3A_1312 : vector<16xi32> to vector<16x1xi32>
        %gather3A_1314 = vector.shape_cast %broadcast_in_dim3A_1313 : vector<16x1xi32> to vector<16xi32>
        %gather3A_1315 = tpu.dynamic_gather %add3A_133[%gather3A_1314] in [0] : vector<16xf32>, vector<16xi32> -> vector<16xf32>
        %add3A_1316 = arith.constant 200 : i32
        %add3A_1317 = arith.addi %mul3A_356, %add3A_1316 : i32
        %add3A_1318 = arith.constant 200 : i32
        %add3A_1319 = arith.addi %add3A_1317, %add3A_1318 : i32
        %sub3A_1320 = arith.constant 16 : i32
        %sub3A_1321 = arith.subi %add3A_1319, %sub3A_1320 : i32
        %swap3A_1322 = arith.index_cast %sub3A_1321 : i32 to index
        %swap3A_1323 = tpu.vector_load %arg9[%swap3A_1322] {strides = array<i32>} : memref<25608xf32, #tpu.memory_space<vmem>>, vector<16xf32>,
        %swap3A_1324 = vector.shape_cast %swap3A_1323 : vector<16xf32> to vector<16xf32>
        %swap3A_1325 = vector.shape_cast %gather3A_1315 : vector<16xf32> to vector<16xf32>
        tpu.vector_store %arg9[%swap3A_1322], %swap3A_1325 {strides = array<i32>} : memref<25608xf32, #tpu.memory_space<vmem>>, vector<16xf32>,
        %lt3A_1326 = arith.constant 0 : i32
        %lt3A_1327 = vector.broadcast %lt3A_1326 : i32 to vector<16xi32>
        %lt3A_1328 = arith.cmpi slt, %get3A_1285, %lt3A_1327 : vector<16xi32>
        %add3A_1329 = arith.constant 16 : i32
        %add3A_1330 = vector.broadcast %add3A_1329 : i32 to vector<16xi32>
        %add3A_1331 = arith.addi %get3A_1285, %add3A_1330 : vector<16xi32>
        %select_n3A_1332 = arith.select %lt3A_1328, %add3A_1331, %get3A_1285 : vector<16xi1>, vector<16xi32>
        %broadcast_in_dim3A_1333 = vector.shape_cast %select_n3A_1332 : vector<16xi32> to vector<16x1xi32>
        %gather3A_1334 = vector.shape_cast %broadcast_in_dim3A_1333 : vector<16x1xi32> to vector<16xi32>
        %gather3A_1335 = tpu.dynamic_gather %add3A_195[%gather3A_1334] in [0] : vector<16xf32>, vector<16xi32> -> vector<16xf32>
        %add3A_1336 = arith.constant 400 : i32
        %add3A_1337 = arith.addi %mul3A_356, %add3A_1336 : i32
        %add3A_1338 = arith.constant 200 : i32
        %add3A_1339 = arith.addi %add3A_1337, %add3A_1338 : i32
        %sub3A_1340 = arith.constant 16 : i32
        %sub3A_1341 = arith.subi %add3A_1339, %sub3A_1340 : i32
        %swap3A_1342 = arith.index_cast %sub3A_1341 : i32 to index
        %swap3A_1343 = tpu.vector_load %arg9[%swap3A_1342] {strides = array<i32>} : memref<25608xf32, #tpu.memory_space<vmem>>, vector<16xf32>,
        %swap3A_1344 = vector.shape_cast %swap3A_1343 : vector<16xf32> to vector<16xf32>
        %swap3A_1345 = vector.shape_cast %gather3A_1335 : vector<16xf32> to vector<16xf32>
        tpu.vector_store %arg9[%swap3A_1342], %swap3A_1345 {strides = array<i32>} : memref<25608xf32, #tpu.memory_space<vmem>>, vector<16xf32>,
        %lt3A_1346 = arith.constant 0 : i32
        %lt3A_1347 = vector.broadcast %lt3A_1346 : i32 to vector<16xi32>
        %lt3A_1348 = arith.cmpi slt, %get3A_1285, %lt3A_1347 : vector<16xi32>
        %add3A_1349 = arith.constant 16 : i32
        %add3A_1350 = vector.broadcast %add3A_1349 : i32 to vector<16xi32>
        %add3A_1351 = arith.addi %get3A_1285, %add3A_1350 : vector<16xi32>
        %select_n3A_1352 = arith.select %lt3A_1348, %add3A_1351, %get3A_1285 : vector<16xi1>, vector<16xi32>
        %broadcast_in_dim3A_1353 = vector.shape_cast %select_n3A_1352 : vector<16xi32> to vector<16x1xi32>
        %gather3A_1354 = vector.shape_cast %broadcast_in_dim3A_1353 : vector<16x1xi32> to vector<16xi32>
        %gather3A_1355 = tpu.dynamic_gather %add3A_257[%gather3A_1354] in [0] : vector<16xf32>, vector<16xi32> -> vector<16xf32>
        %add3A_1356 = arith.constant 600 : i32
        %add3A_1357 = arith.addi %mul3A_356, %add3A_1356 : i32
        %add3A_1358 = arith.constant 200 : i32
        %add3A_1359 = arith.addi %add3A_1357, %add3A_1358 : i32
        %sub3A_1360 = arith.constant 16 : i32
        %sub3A_1361 = arith.subi %add3A_1359, %sub3A_1360 : i32
        %swap3A_1362 = arith.index_cast %sub3A_1361 : i32 to index
        %swap3A_1363 = tpu.vector_load %arg9[%swap3A_1362] {strides = array<i32>} : memref<25608xf32, #tpu.memory_space<vmem>>, vector<16xf32>,
        %swap3A_1364 = vector.shape_cast %swap3A_1363 : vector<16xf32> to vector<16xf32>
        %swap3A_1365 = vector.shape_cast %gather3A_1355 : vector<16xf32> to vector<16xf32>
        tpu.vector_store %arg9[%swap3A_1362], %swap3A_1365 {strides = array<i32>} : memref<25608xf32, #tpu.memory_space<vmem>>, vector<16xf32>,
      }
      %scan3A_331 = arith.constant 32 : i32
      %add3A_332 = arith.constant 1 : i32
      %add3A_333 = arith.addi %mul3A_290, %add3A_332 : i32
      %mul3A_334 = arith.constant 25600 : i32
      %mul3A_335 = arith.muli %add3A_333, %mul3A_334 : i32
      %add3A_336 = arith.addi %mul3A_267, %mul3A_335 : i32
      %dma_start3A_337 = arith.constant 0 : i32
      %dma_start3A_338 = tpu.memref_slice %arg9[%dma_start3A_337] : memref<25608xf32, #tpu.memory_space<vmem>> -> memref<25600xf32, #tpu.memory_space<vmem>>
      %dma_start3A_339 = tpu.memref_slice %arg4[%add3A_336] : memref<13107200xf32, #tpu.memory_space<hbm>> -> memref<25600xf32, #tpu.memory_space<hbm>>
      %dma_start3A_340 = tpu.memref_slice %arg4[%add3A_336] : memref<13107200xf32, #tpu.memory_space<hbm>> -> memref<25600xf32, #tpu.memory_space<hbm>>
      %dma_start3A_341 = arith.constant 0 : i32
      %dma_start3A_342 = tpu.memref_slice %arg9[%dma_start3A_341] : memref<25608xf32, #tpu.memory_space<vmem>> -> memref<25600xf32, #tpu.memory_space<vmem>>
      tpu.enqueue_dma source(%dma_start3A_342 : memref<25600xf32, #tpu.memory_space<vmem>>) target(%dma_start3A_340 : memref<25600xf32, #tpu.memory_space<hbm>>) target_semaphore(%arg13 : memref<!tpu.dma_semaphore, #tpu.memory_space<semaphore_mem>>)
      %add3A_343 = arith.constant 1 : i32
      %add3A_344 = arith.addi %scan3A_288, %add3A_343 : i32
      %lt3A_345 = arith.constant 8 : i32
      %lt3A_346 = arith.cmpi slt, %add3A_344, %lt3A_345 : i32
      %convert_element_type3A_347 = arith.extui %lt3A_346 : i1 to i32
      %cond3A_348 = arith.constant 0 : i32
      %cond3A_349 = arith.cmpi ne, %convert_element_type3A_347, %cond3A_348 : i32
      scf.if %cond3A_349 {
        %add3A_350 = arith.constant 3 : i32
        %add3A_351 = arith.addi %mul3A_290, %add3A_350 : i32
        %mul3A_352 = arith.constant 6400 : i32
        %mul3A_353 = arith.muli %add3A_351, %mul3A_352 : i32
        %add3A_354 = arith.addi %mul3A_261, %mul3A_353 : i32
        %dma_start3A_355 = arith.constant 0 : i32
        %dma_start3A_356 = tpu.memref_slice %arg7[%dma_start3A_355] : memref<6408xi32, #tpu.memory_space<vmem>> -> memref<6400xi32, #tpu.memory_space<vmem>>
        %dma_start3A_357 = tpu.memref_slice %arg2[%add3A_354] : memref<3276800xi32, #tpu.memory_space<hbm>> -> memref<6400xi32, #tpu.memory_space<hbm>>
        %dma_start3A_358 = arith.constant 0 : i32
        %dma_start3A_359 = tpu.memref_slice %arg7[%dma_start3A_358] : memref<6408xi32, #tpu.memory_space<vmem>> -> memref<6400xi32, #tpu.memory_space<vmem>>
        %dma_start3A_360 = tpu.memref_slice %arg2[%add3A_354] : memref<3276800xi32, #tpu.memory_space<hbm>> -> memref<6400xi32, #tpu.memory_space<hbm>>
        tpu.enqueue_dma source(%dma_start3A_360 : memref<6400xi32, #tpu.memory_space<hbm>>) target(%dma_start3A_359 : memref<6400xi32, #tpu.memory_space<vmem>>) target_semaphore(%arg11 : memref<!tpu.dma_semaphore, #tpu.memory_space<semaphore_mem>>)
      } else {
      }
    }
    %scan3A_287 = arith.constant 8 : i32
    return
  }
}

</mosaic_0001>

<sc_bundles>
// kernel: kernel.3.cloned.1.call-start
scs
__scs_entry_jumppad:
0x0: {  	(pc) =	sbr.rel $0x88, $3  }
0x1: {  	(tag) =	ssettag $0x0;
	lr =	simm.s32 $0x1  }
0x2: {  	[smem:$0x3F9D] =	sst lr;
	_ =	strace $0xD0000000  }
0x3: {  	_ = 	snop  }
0x4: {  	_ = 	snop  }
0x5: {  	_ = 	snop  }
0x6: {  	_ = 	snop  }
0x7: {  	_ = 	snop  }
__scs_overlays_trampoline_lowered:
0x8: {  	[smem:$0x3FAC] =	sst s0  }
0x9: {  	[smem:$0x3FAD] =	sst s1  }
0xa: {  	[smem:$0x3FAE] =	sst s2  }
0xb: {  	[smem:$0x3FAF] =	sst s3  }
0xc: {  	[smem:$0x3FB0] =	sst s4  }
0xd: {  	[smem:$0x3FB1] =	sst s5  }
0xe: {  	[smem:$0x3FB2] =	sst s6  }
0xf: {  	[smem:$0x3FB3] =	sst s7  }
0x10: {  	[smem:$0x3FB4] =	sst s8  }
0x11: {  	[smem:$0x3FB5] =	sst s9;
	s0 =	simm.s32 @!p0 $0x0  }
0x12: {  	s1 =	sld [smem:$0x3F9B];
	s0 =	simm.s32 @p0 $0x1  }
0x13: {  	[smem:$0x3FB6] =	sst s0;
	s0 =	simm.s32 @!p1 $0x0  }
0x14: {  	s2 =	sld [smem:$0x3F9A];
	s0 =	simm.s32 @p1 $0x1  }
0x15: {  	[smem:$0x3FB7] =	sst s0;
	s0 =	simm.s32 @!p2 $0x0  }
0x16: {  	s3 =	sld [smem:$0x3FDB];
	s0 =	simm.s32 @p2 $0x1  }
0x17: {  	s4 =	simm.s32 $0x1BF5;
	[smem:$0x3FB9] =	sst s0  }
0x18: {  	s0 =	sld [smem:$0x3F9C];
	_ =	swait.ge [sflag:s4], $0x0  }
0x19: {  	s7 =	sld [smem:$0x3F9D]  }
0x1a: {  	s8 =	sadd.s32 $0xFFFFE003, lr  }
0x1b: {  	s9 =	sadd.s32 $0xFFFFFEF7, lr;
	s5 =	simm.s32 $0xFFFFFFFF;
	p2 =	slt.u32 s8, $0xFFFFF086  }
0x1c: {  	p1 =	slt.u32 s9, $0xF7A;
	s5 =	simm.s32 @!p2 $0x0  }
0x1d: {  	s5 =	simm.s32 @p1 $0x1;
	p0 =	seq.s32 s7, s2  }
0x1e: {  	s7 =	smul.u32 @!p0 $0xF7A, s2;
	p2 =	seq.s32 @!p0 s5, $0x0  }
0x1f: {  	s9 =	smul.u32 $0xF7A, s1;
	s8 =	simm.s32 @!p0 $0x1BF5;
	p2 =	por !p2, p0  }
0x20: {  	[sflag:s8] =	ssyncset.s32 @!p0 $0xFFFFF086;
	s6 =	sadd.s32 @!p0 s3, s7;
	s7 =	simm.s32 @!p0 $0x108  }
0x21: {  	s3 =	sadd.s32 s3, s9;
	s6 =	sadd.s32 @!p0 $0x88, s6;
	s7 =	simm.s32 @p2 $0x1082  }
0x22: {  	[simem:s7], [sflag:s8] =	dma.local @!p0 [hbm:s6], $0xF7A  }
0x23: {  	s9 =	sor.u32 $0xD0000000, s2;
	s6 =	simm.s32 $0x108;
	_ =	swait.ge @!p0 [sflag:s8], $0x0  }
0x24: {  	s3 =	sadd.s32 $0x88, s3;
	s6 =	simm.s32 @!p1 $0x1082;
	[sflag:s4] =	ssyncset.s32 $0xFFFFF086  }
0x25: {  	[simem:s6], [sflag:s4] =	dma.local [hbm:s3], $0xF7A  }
0x26: {  	[smem:$0x3F9D] =	sst s1;
	(tag) =	ssettag s2;
	_ =	strace s9  }
0x27: {  	s1 =	sld [smem:$0x3FAD]  }
0x28: {  	s2 =	sld [smem:$0x3FAE]  }
0x29: {  	s4 =	sld [smem:$0x3FB0]  }
0x2a: {  	p0 =	seq.s32 s5, $0x0;
	s5 =	sld [smem:$0x3FB1]  }
0x2b: {  	s6 =	sld [smem:$0x3FB2]  }
0x2c: {  	s7 =	sld [smem:$0x3FB3]  }
0x2d: {  	s3 =	simm.s32 $0x108;
	s8 =	sld [smem:$0x3FB4]  }
0x2e: {  	s3 =	simm.s32 @!p0 $0x1082;
	s9 =	sld [smem:$0x3FB5]  }
0x2f: {  	lr =	sadd.s32 s0, s3;
	s0 =	sld [smem:$0x3FAC]  }
0x30: {  	s3 =	sld [smem:$0x3FAF]  }
0x31: {  	[smem:$0x3FB8] =	sst s10  }
0x32: {  	s10 =	sld [smem:$0x3FB6];
	_ =	sdelay $0x3  }
0x33: {  	p0 =	seq.s32 s10, $0x1;
	s10 =	sld [smem:$0x3FB8];
	_ =	sdelay $0x3  }
0x34: {  	[smem:$0x3FB8] =	sst s10  }
0x35: {  	s10 =	sld [smem:$0x3FB7];
	_ =	sdelay $0x3  }
0x36: {  	p1 =	seq.s32 s10, $0x1;
	s10 =	sld [smem:$0x3FB8];
	_ =	sdelay $0x3  }
0x37: {  	[smem:$0x3FB8] =	sst s10  }
0x38: {  	s10 =	sld [smem:$0x3FB9]  }
0x39: {  	_ = 	snop;
	(pc) =	sbr.ind lr, $3  }
0x3a: {  	_ = 	snop  }
0x3b: {  	_ = 	snop  }
0x3c: {  	p2 =	seq.s32 s10, $0x1;
	s10 =	sld [smem:$0x3FB8]  }
0x3d: {  	_ =	shalt  }
0x3e: {  	_ =	shalt  }
0x3f: {  	_ =	shalt  }
0x40: {  	_ =	shalt  }
0x41: {  	_ =	shalt  }
0x42: {  	_ =	shalt  }
0x43: {  	_ =	shalt  }
0x44: {  	_ =	shalt  }
0x45: {  	_ =	shalt  }
0x46: {  	_ =	shalt  }
0x47: {  	_ =	shalt  }
0x48: {  	_ =	shalt  }
0x49: {  	_ =	shalt  }
0x4a: {  	_ =	shalt  }
0x4b: {  	_ =	shalt  }
0x4c: {  	_ =	shalt  }
0x4d: {  	_ =	shalt  }
0x4e: {  	_ =	shalt  }
0x4f: {  	_ =	shalt  }
0x50: {  	_ =	shalt  }
0x51: {  	_ =	shalt  }
0x52: {  	_ =	shalt  }
0x53: {  	_ =	shalt  }
0x54: {  	_ =	shalt  }
0x55: {  	_ =	shalt  }
0x56: {  	_ =	shalt  }
0x57: {  	_ =	shalt  }
0x58: {  	_ =	shalt  }
0x59: {  	_ =	shalt  }
0x5a: {  	_ =	shalt  }
0x5b: {  	_ =	shalt  }
0x5c: {  	_ =	shalt  }
0x5d: {  	_ =	shalt  }
0x5e: {  	_ =	shalt  }
0x5f: {  	_ =	shalt  }
0x60: {  	_ =	shalt  }
0x61: {  	_ =	shalt  }
0x62: {  	_ =	shalt  }
0x63: {  	_ =	shalt  }
0x64: {  	_ =	shalt  }
0x65: {  	_ =	shalt  }
0x66: {  	_ =	shalt  }
0x67: {  	_ =	shalt  }
0x68: {  	_ =	shalt  }
0x69: {  	_ =	shalt  }
0x6a: {  	_ =	shalt  }
0x6b: {  	_ =	shalt  }
0x6c: {  	_ =	shalt  }
0x6d: {  	_ =	shalt  }
0x6e: {  	_ =	shalt  }
0x6f: {  	_ =	shalt  }
0x70: {  	_ =	shalt  }
0x71: {  	_ =	shalt  }
0x72: {  	_ =	shalt  }
0x73: {  	_ =	shalt  }
0x74: {  	_ =	shalt  }
0x75: {  	_ =	shalt  }
0x76: {  	_ =	shalt  }
0x77: {  	_ =	shalt  }
0x78: {  	_ =	shalt  }
0x79: {  	_ =	shalt  }
0x7a: {  	_ =	shalt  }
0x7b: {  	_ =	shalt  }
0x7c: {  	_ =	shalt  }
0x7d: {  	_ =	shalt  }
0x7e: {  	_ =	shalt  }
0x7f: {  	_ =	shalt  }
0x80: {  	_ =	shalt  }
0x81: {  	_ =	shalt  }
0x82: {  	_ =	shalt  }
0x83: {  	_ =	shalt  }
0x84: {  	_ =	shalt  }
0x85: {  	_ =	shalt  }
0x86: {  	_ =	shalt  }
0x87: {  	_ =	shalt  }
.Lfunc_end0:
.L_simem_size_0:
called_computation.1_lowered:
.L_overlay_start_0:
0x88: {  	s2 =	sld [smem:$0x3FD9]  }
0x89: {  	s3 =	sld [smem:$0x3FFE];
	_ =	sdelay $0x1  }
0x8a: {  	s1 =	srdreg.scid  }
0x8b: {  	s0 =	sand.u32 $0x1, s1  }
0x8c: {  	s17 =	sshll.u32 s0, $0xA;
	s2 =	sadd.s32 s3, s2  }
0x8d: {  	s2 =	sadd.s32 s2, s17  }
0x8e: {  	[smem:$0x3FC4] =	sst s2  }
0x8f: {  	_ = 	snop  }
0x90: {  	s2 =	sld [smem:$0x3FD0];
	(tm) =	ssettm $0x1  }
0x91: {  	s18 =	sld [smem:$0x3FFB];
	_ =	sdelay $0x3  }
0x92: {  	_ =	strace s18  }
0x93: {  	s3 =	sld [smem:$0x3FFC];
	_ =	sdelay $0x3  }
0x94: {  	_ =	strace s3  }
0x95: {  	s3 =	sld [smem:$0x3FFD];
	_ =	sdelay $0x3  }
0x96: {  	_ =	strace s3  }
0x97: {  	_ =	strace $0x8FFFFFFF  }
0x98: {  	s19 =	sld [smem:$0x3FDB];
	_ =	sdelay $0x1  }
0x99: {  	s4 =	simm.s32 $_scs_section_size  }
0x9a: {  	s5 =	simm.s32 $_size__tile_overlayer_lowered;
	s6 =	simm.s32 $_tile_overlayer_lowered  }
0x9b: {  	s22 =	simm.s32 $0x1BFF;
	s21 =	sshll.u32 s6, $0x1;
	s3 =	sadd.s32 s4, s19  }
0x9c: {  	s7 =	simm.s32 $0x0;
	s20 =	sshll.u32 s5, $0x1;
	s5 =	sadd.s32 s21, s3  }
0x9d: {  	[timem:s7], [sflag:s22] =	dma.local [hbm:s5], s20  }
0x9e: {  	_ =	swait.ge [sflag:s22], s20  }
0x9f: {  	s4 =	ssub.s32 $0x0, s20;
	[sflag:s22] =	ssyncset.done $0x0  }
0xa0: {  	[sflag:s22] =	ssyncadd.s32 s4;
	_ =	sdelay $0x1  }
0xa1: {  	s23 =	simm.s32 $0x1B8B  }
0xa2: {  	_ =	swait.ge [sflag:s23], $0x1  }
0xa3: {  	[sflag:s23] =	ssyncset.done $0x0  }
0xa4: {  	s25 =	simm.s32 $0x1B8E;
	s24 =	sld [smem:$0x3FFE];
	[sflag:s23] =	ssyncadd.s32 $0xFFFFFFFF  }
0xa5: {  	s26 =	simm.s32 $execute0_lowered;
	[smem:$0x3FD2] =	sst s25  }
0xa6: {  	s5 =	sshll.u32 s26, $0x1;
	_ =	strace $0x80000046;
	[dreg:$0x1] =	wrdreg $0xFFFFFFFF  }
0xa7: {  	s28 =	simm.s32 $_size_execute0_lowered;
	s3 =	sadd.s32 s3, s5;
	[dreg:$0x0] =	wrdreg $0x0  }
0xa8: {  	s5 =	sshll.u32 s28, $0x1;
	[dreg:$0x2] =	wrdreg s3  }
0xa9: {  	[dreg:$0x3] =	wrdreg s5  }
0xaa: {  	[dreg:$0x4] =	wrdreg $0xC0  }
0xab: {  	_ =	task [dreg:s7], $0x5FFFF  }
0xac: {  	[dreg:$0x1] =	wrdreg $0xFFFFFFFF  }
0xad: {  	[dreg:$0x0] =	wrdreg $0x60  }
0xae: {  	[dreg:$0x2] =	wrdreg s24  }
0xaf: {  	[dreg:$0x3] =	wrdreg s2  }
0xb0: {  	[dreg:$0x4] =	wrdreg $0x9  }
0xb1: {  	_ =	task.clear_ibuf [dreg:s7], $0x5FFFF;
	_ =	strace $0x90000046  }
0xb2: {  	s29 =	simm.s32 $0x9;
	_ =	strace $0x80000048  }
0xb3: {  	_ =	swait.ge [sflag:s29], $0x1  }
0xb4: {  	[sflag:s29] =	ssyncadd.s32 $0xFFFFFFFF  }
0xb5: {  	_ =	strace $0x90000048  }
0xb6: {  	_ =	sfence  }
0xb7: {  	s30 =	sld [smem:$0x0];
	_ =	sdelay $0x2  }
0xb8: {  	s31 =	sshll.u32 s1, $0xD;
	s1 =	sshrl.u32 s1, $0x2  }
0xb9: {  	s3 =	sand.u32 $0x4000, s31;
	s1 =	sadd.s32 s1, s30  }
0xba: {  	s0 =	sor.u32 s3, s0;
	s1 =	sshll.u32 s1, $0x11  }
0xbb: {  	s0 =	sor.u32 s1, s0  }
0xbc: {  	s0 =	sadd.s32 $0x8F2B, s0  }
0xbd: {  	[sflag:s0] =	ssyncadd.remote.s32 $0x1  }
0xbe: {  	_ =	sfence.sel $0xFFFF  }
0xbf: {  	[dreg:$0x0] =	wrdreg $0xFFFFFFFF;
	(pc) =	sbr.abs _section_cstart, $3  }
0xc0: {  	[dreg:$0x1] =	wrdreg $0xFFFFFFFF  }
0xc1: {  	_ =	task.clear_ibuf [dreg:s7], $0x2FFFF;
	_ =	strace $0x9FFFFFFF  }
0xc2: {  	(tm) =	ssettm $0x7FFFFFFF  }
0xc3: {  	_ =	shalt  }
tec
execute0_lowered:
.L_overlay_start_1:
0x0: {  	(tag) =	ssettag $0x1  }
0x1: {  	s7 =	rddreg [dreg:$0x0]  }
0x2: {  	s1 =	srdreg.scid;
	s0 =	stileid.u32  }
0x3: {  	s2 =	rddreg [dreg:$0x1];
	s3 =	simm.s32 $0x0;
	s13 =	simm.s32 $0x5  }
0x4: {  	s14 =	simm.s32 $0x80;
	s15 =	simm.s32 $0x1A00;
	s16 =	simm.s32 $0x1  }
0x5: {  	s17 =	simm.s32 $0x3380;
	s18 =	simm.s32 $0x2;
	s19 =	simm.s32 $0x9800  }
0x6: {  	s5 =	sand.u32 $0x1, s1;
	s4 =	sshll.u32 s0, $0x1;
	s1 =	rddreg [dreg:$0x2]  }
0x7: {  	v0 =	vimm.s32 $0xECA86420;
	v1 =	vimm.s32 $0xFDB97531;
	s20 =	simm.s32 $0x0;
	[smem:$0x7FF] =	sst s3;
	s6 =	sor.u32 s5, s4  }
0x8: {  	vm0 =	vcmask $0x1F00;
	v0 =	vunpack.c.l.s4.s8 v0;
	v1 =	vunpack.c.l.s4.s8 v1;
	_ =	strace $0x80000047;
	s8 =	ssub.s32 $0x2, s5;
	s11 =	smul.u32 $0x19000, s6  }
0x9: {  	v3 =	vimm.s32 $0x4;
	v4 =	vimm.s32 $0x1;
	v5 =	vimm.s32 $0x5;
	s4 =	sadd.s32 $0xC00, s7;
	s10 =	sshrl.u32 s8, $0x1;
	s5 =	smul.u32 $0x64000, s6  }
0xa: {  	v6 =	vimm.s32 $0x2;
	s7 =	sadd.s32 $0x64C00, s7;
	v0 =	vunpack.c.0.s8.s32 v0;
	v2 =	vunpack.c.0.s8.s32 v1;
	s12 =	ssub.s32 s8, s10;
	s9 =	sshrl.u32 s11, $0x3  }
0xb: {  	v7 =	vimm.s32 $0x6;
	v8 =	vimm.s32 $0x3;
	v9 =	vimm.s32 $0x7;
	s10 =	sadd.s32 $0x6400, s5;
	s12 =	smax.u32 s12, $0x1;
	s6 =	sadd.s32 s4, s9  }
0xc: {  	v1 =	vimm.s32 $0x0;
	v0 =	vnsel vm0, $0xE, v0;
	v2 =	vnsel vm0, $0xF, v2;
	s9 =	sadd.s32 $0x3200, s11;
	s11 =	sadd.s32 $0x4B00, s11;
	s8 =	sadd.s32 $0x320, s6  }
.LBB2_1:
0xd: {  	[tilespmem:s3], [sflag:$0x5] =	stream.linear.gather [hbm4b:s7+s3], $0x80, $0x38;
	[tilespmem:$0xFC80] =	vst v63  }
0xe: {  	_ =	swait.ge [sflag:s13], $0x80  }
0xf: {  	[sflag:s13] =	ssyncset.done $0x0  }
0x10: {  	[sflag:s13] =	ssyncadd.s32 $0xFFFFFF80  }
0x11: {  	v10 =	vld [tilespmem:$0x0]  }
0x12: {  	v11 =	vld [tilespmem:$0x10];
	_ =	sdelay $0x3  }
0x13: {  	v17 =	vld [tilespmem:$0x20];
	v12 =	vperm.xlane v10, v0  }
0x14: {  	v13 =	vperm.xlane v11, v1;
	v10 =	vperm.xlane v10, v2  }
0x15: {  	v14 =	vperm.xlane v11, v3;
	v15 =	vperm.xlane v11, v4  }
0x16: {  	v16 =	vperm.xlane v11, v5;
	v18 =	vperm.xlane v11, v6  }
0x17: {  	v19 =	vperm.xlane v11, v7;
	v20 =	vperm.xlane v11, v8  }
0x18: {  	v11 =	vperm.xlane v11, v9;
	v62 =	vperm.xlane v17, v4  }
0x19: {  	v13 =	vmul.f32 v13, v12;
	v14 =	vmul.f32 v14, v10  }
0x1a: {  	v15 =	vmul.f32 v15, v12;
	v16 =	vmul.f32 v16, v10  }
0x1b: {  	v61 =	vmul.f32 v19, v10;
	v13 =	vadd.f32 v14, v13;
	v14 =	vmul.f32 v18, v12  }
0x1c: {  	v10 =	vmul.f32 v11, v10;
	v12 =	vmul.f32 v20, v12  }
0x1d: {  	v11 =	vperm.xlane v17, v1;
	v15 =	vadd.f32 v16, v15;
	v14 =	vadd.f32 v61, v14  }
0x1e: {  	[tilespmem:s14], [sflag:$0x1] =	stream.linear.gather [hbm4b:s6+s3], $0x1900, $0x38;
	v63 =	vadd.f32 v10, v12;
	v12 =	vperm.xlane v17, v6;
	v17 =	vperm.xlane v17, v8;
	[tilespmem:$0xFC80] =	vst v63  }
0x1f: {  	s21 =	simm.s32 $0x0;
	v10 =	vadd.f32 v13, v11;
	v11 =	vadd.f32 v15, v62  }
0x20: {  	[tilespmem:s15], [sflag:$0x2] =	stream.linear.gather [hbm4b:s8+s3], $0x1900, $0x38;
	v12 =	vadd.f32 v14, v12;
	v13 =	vadd.f32 v63, v17;
	[tilespmem:$0xFC80] =	vst v63  }
.LBB2_2:
0x21: {  	_ =	swait.ge [sflag:s16], $0x1900  }
0x22: {  	[sflag:s16] =	ssyncset.done $0x0  }
0x23: {  	s22 =	simm.s32 $0x0;
	[sflag:s16] =	ssyncadd.s32 $0xFFFFE700  }
0x24: {  	v14 =	vld [tilespmem:s22+$0x80];
	_ =	sdelay $0x4  }
0x25: {  	v14 =	vand.u32 $0xF, v14  }
0x26: {  	v15 =	vperm.xlane v13, v14  }
0x27: {  	s23 =	simm.s32 $0x3510;
	v16 =	vperm.xlane v10, v14  }
0x28: {  	v17 =	vperm.xlane v11, v14;
	[tilespmem:s23+$0xC8] =	vst v15  }
0x29: {  	v14 =	vperm.xlane v12, v14;
	[tilespmem:s23+$0xFFFFFE70] =	vst v16  }
0x2a: {  	[tilespmem:s23+$0xFFFFFF38] =	vst v17  }
0x2b: {  	[tilespmem:s23+$0x0] =	vst v14  }
0x2c: {  	v14 =	vld [tilespmem:s22+$0x90];
	_ =	sdelay $0x4  }
0x2d: {  	v14 =	vand.u32 $0xF, v14  }
0x2e: {  	v15 =	vperm.xlane v10, v14  }
0x2f: {  	v47 =	vperm.xlane v13, v14  }
0x30: {  	v48 =	vperm.xlane v11, v14;
	[tilespmem:s23+$0xFFFFFE80] =	vst v15  }
0x31: {  	v14 =	vperm.xlane v12, v14;
	[tilespmem:s23+$0xD8] =	vst v47  }
0x32: {  	[tilespmem:s23+$0xFFFFFF48] =	vst v48  }
0x33: {  	[tilespmem:s23+$0x10] =	vst v14  }
0x34: {  	v14 =	vld [tilespmem:s22+$0xA0];
	_ =	sdelay $0x4  }
0x35: {  	v14 =	vand.u32 $0xF, v14  }
0x36: {  	v15 =	vperm.xlane v10, v14  }
0x37: {  	v49 =	vperm.xlane v13, v14  }
0x38: {  	v50 =	vperm.xlane v12, v14;
	[tilespmem:s23+$0xFFFFFE90] =	vst v15  }
0x39: {  	v14 =	vperm.xlane v11, v14;
	[tilespmem:s23+$0xE8] =	vst v49  }
0x3a: {  	[tilespmem:s23+$0x20] =	vst v50  }
0x3b: {  	[tilespmem:s23+$0xFFFFFF58] =	vst v14  }
0x3c: {  	v14 =	vld [tilespmem:s22+$0xB0];
	_ =	sdelay $0x4  }
0x3d: {  	v14 =	vand.u32 $0xF, v14  }
0x3e: {  	v15 =	vperm.xlane v10, v14  }
0x3f: {  	v51 =	vperm.xlane v13, v14  }
0x40: {  	v52 =	vperm.xlane v12, v14;
	[tilespmem:s23+$0xFFFFFEA0] =	vst v15  }
0x41: {  	v14 =	vperm.xlane v11, v14;
	[tilespmem:s23+$0xF8] =	vst v51  }
0x42: {  	[tilespmem:s23+$0x30] =	vst v52  }
0x43: {  	[tilespmem:s23+$0xFFFFFF68] =	vst v14  }
0x44: {  	v14 =	vld [tilespmem:s22+$0xC0];
	_ =	sdelay $0x4  }
0x45: {  	v14 =	vand.u32 $0xF, v14  }
0x46: {  	v15 =	vperm.xlane v10, v14  }
0x47: {  	v53 =	vperm.xlane v13, v14  }
0x48: {  	v54 =	vperm.xlane v12, v14;
	[tilespmem:s23+$0xFFFFFEB0] =	vst v15  }
0x49: {  	v14 =	vperm.xlane v11, v14;
	[tilespmem:s23+$0x108] =	vst v53  }
0x4a: {  	[tilespmem:s23+$0x40] =	vst v54  }
0x4b: {  	[tilespmem:s23+$0xFFFFFF78] =	vst v14  }
0x4c: {  	v14 =	vld [tilespmem:s22+$0xD0];
	_ =	sdelay $0x4  }
0x4d: {  	v14 =	vand.u32 $0xF, v14  }
0x4e: {  	v15 =	vperm.xlane v10, v14  }
0x4f: {  	v55 =	vperm.xlane v13, v14  }
0x50: {  	v56 =	vperm.xlane v12, v14;
	[tilespmem:s23+$0xFFFFFEC0] =	vst v15  }
0x51: {  	v14 =	vperm.xlane v11, v14;
	[tilespmem:s23+$0x118] =	vst v55  }
0x52: {  	[tilespmem:s23+$0x50] =	vst v56  }
0x53: {  	[tilespmem:s23+$0xFFFFFF88] =	vst v14  }
0x54: {  	v14 =	vld [tilespmem:s22+$0xE0];
	_ =	sdelay $0x4  }
0x55: {  	v14 =	vand.u32 $0xF, v14  }
0x56: {  	v15 =	vperm.xlane v10, v14  }
0x57: {  	v57 =	vperm.xlane v13, v14  }
0x58: {  	v58 =	vperm.xlane v12, v14;
	[tilespmem:s23+$0xFFFFFED0] =	vst v15  }
0x59: {  	v14 =	vperm.xlane v11, v14;
	[tilespmem:s23+$0x128] =	vst v57  }
0x5a: {  	[tilespmem:s23+$0x60] =	vst v58  }
0x5b: {  	[tilespmem:s23+$0xFFFFFF98] =	vst v14  }
0x5c: {  	v14 =	vld [tilespmem:s22+$0xF0];
	_ =	sdelay $0x4  }
0x5d: {  	v14 =	vand.u32 $0xF, v14  }
0x5e: {  	v15 =	vperm.xlane v10, v14  }
0x5f: {  	v59 =	vperm.xlane v11, v14  }
0x60: {  	s25 =	simm.s32 $0x0;
	[tilespmem:s23+$0xFFFFFEE0] =	vst v15;
	v15 =	vperm.xlane v12, v14  }
0x61: {  	s29 =	sand.u32 $0x7FE0, s25;
	[tilespmem:s23+$0xFFFFFFA8] =	vst v59;
	v14 =	vperm.xlane v13, v14  }
0x62: {  	[tilespmem:s29+$0x3580] =	vst v15  }
0x63: {  	s24 =	sand.u32 $0x1FF8, s25;
	[tilespmem:s23+$0x138] =	vst v14  }
0x64: {  	v14 =	vld [tilespmem:s24+$0x100];
	_ =	sdelay $0x4  }
0x65: {  	v14 =	vand.u32 $0xF, v14  }
0x66: {  	v15 =	vperm.xlane v10, v14  }
0x67: {  	v60 =	vperm.xlane v12, v14  }
0x68: {  	v61 =	vperm.xlane v11, v14;
	[tilespmem:s29+$0x3400] =	vst v15  }
0x69: {  	v14 =	vperm.xlane v13, v14;
	[tilespmem:s23+$0x80] =	vst v60  }
0x6a: {  	[tilespmem:s23+$0xFFFFFFB8] =	vst v61  }
0x6b: {  	[tilespmem:s23+$0x148] =	vst v14  }
0x6c: {  	v14 =	vld [tilespmem:s22+$0x110];
	_ =	sdelay $0x4  }
0x6d: {  	v14 =	vand.u32 $0xF, v14  }
0x6e: {  	v15 =	vperm.xlane v10, v14  }
0x6f: {  	v62 =	vperm.xlane v13, v14  }
0x70: {  	v63 =	vperm.xlane v11, v14;
	[tilespmem:s23+$0xFFFFFF00] =	vst v15  }
0x71: {  	v14 =	vperm.xlane v12, v14;
	[tilespmem:s23+$0x158] =	vst v62  }
0x72: {  	[tilespmem:s23+$0xFFFFFFC8] =	vst v63  }
0x73: {  	[tilespmem:s23+$0x90] =	vst v14  }
0x74: {  	s26 =	simm.s32 $0xC8;
	s24 =	simm.s32 $0x3510;
	v14 =	vld [tilespmem:s22+$0x120]  }
.LBB2_3:
0x75: {  	p0 =	sne.s32 s26, $0x1838;
	s25 =	sadd.s32 $0x320, s25;
	s23 =	sadd.s32 $0x320, s23  }
0x76: {  	s28 =	smov.u32 s26;
	s26 =	sadd.s32 $0xC8, s26;
	_ =	sdelay $0x2  }
0x77: {  	v14 =	vand.u32 $0xF, v14  }
0x78: {  	v15 =	vperm.xlane v10, v14;
	v16 =	vperm.xlane v11, v14  }
0x79: {  	v17 =	vperm.xlane v12, v14;
	v14 =	vperm.xlane v13, v14  }
0x7a: {  	[tilespmem:s24+$0xFFFFFF10] =	vst v15  }
0x7b: {  	[tilespmem:s24+$0xFFFFFFD8] =	vst v16  }
0x7c: {  	[tilespmem:s24+$0xA0] =	vst v17  }
0x7d: {  	[tilespmem:s24+$0x168] =	vst v14  }
0x7e: {  	v14 =	vld [tilespmem:s22+$0x130];
	_ =	sdelay $0x4  }
0x7f: {  	v14 =	vand.u32 $0xF, v14  }
0x80: {  	v15 =	vperm.xlane v10, v14;
	v16 =	vperm.xlane v11, v14  }
0x81: {  	v17 =	vperm.xlane v12, v14;
	v14 =	vperm.xlane v13, v14  }
0x82: {  	[tilespmem:s24+$0xFFFFFF20] =	vst v15  }
0x83: {  	[tilespmem:s24+$0xFFFFFFE8] =	vst v16  }
0x84: {  	[tilespmem:s24+$0x178] =	vst v14  }
0x85: {  	[tilespmem:s24+$0xB0] =	vst v17  }
0x86: {  	v14 =	vld [tilespmem:s22+$0x138];
	_ =	sdelay $0x4  }
0x87: {  	v14 =	vand.u32 $0xF, v14  }
0x88: {  	v15 =	vperm.xlane v10, v14  }
0x89: {  	v16 =	vperm.xlane v11, v14  }
0x8a: {  	[tilespmem:s24+$0xFFFFFF28] =	vst v15;
	v15 =	vperm.xlane v12, v14;
	v14 =	vperm.xlane v13, v14  }
0x8b: {  	[tilespmem:s29+$0x3500] =	vst v16  }
0x8c: {  	[tilespmem:s24+$0xB8] =	vst v15  }
0x8d: {  	s22 =	sshra.s32 s25, $0x2;
	[tilespmem:s24+$0x180] =	vst v14;
	s24 =	smov.u32 s23  }
0x8e: {  	v14 =	vld [tilespmem:s22+$0x80];
	_ =	sdelay $0x4  }
0x8f: {  	v14 =	vand.u32 $0xF, v14  }
0x90: {  	v15 =	vperm.xlane v10, v14;
	v16 =	vperm.xlane v13, v14  }
0x91: {  	v17 =	vperm.xlane v11, v14;
	v14 =	vperm.xlane v12, v14  }
0x92: {  	[tilespmem:s23+$0xC8] =	vst v16  }
0x93: {  	[tilespmem:s23+$0xFFFFFE70] =	vst v15  }
0x94: {  	[tilespmem:s23+$0xFFFFFF38] =	vst v17  }
0x95: {  	[tilespmem:s23+$0x0] =	vst v14  }
0x96: {  	v14 =	vld [tilespmem:s22+$0x90];
	_ =	sdelay $0x4  }
0x97: {  	v14 =	vand.u32 $0xF, v14  }
0x98: {  	v15 =	vperm.xlane v10, v14;
	v16 =	vperm.xlane v11, v14  }
0x99: {  	v17 =	vperm.xlane v12, v14;
	v14 =	vperm.xlane v13, v14  }
0x9a: {  	[tilespmem:s23+$0xFFFFFE80] =	vst v15  }
0x9b: {  	[tilespmem:s23+$0xD8] =	vst v14  }
0x9c: {  	[tilespmem:s23+$0xFFFFFF48] =	vst v16  }
0x9d: {  	[tilespmem:s23+$0x10] =	vst v17  }
0x9e: {  	v14 =	vld [tilespmem:s22+$0xA0];
	_ =	sdelay $0x4  }
0x9f: {  	v14 =	vand.u32 $0xF, v14  }
0xa0: {  	v15 =	vperm.xlane v10, v14;
	v16 =	vperm.xlane v11, v14  }
0xa1: {  	v17 =	vperm.xlane v12, v14;
	v14 =	vperm.xlane v13, v14  }
0xa2: {  	[tilespmem:s23+$0xFFFFFE90] =	vst v15  }
0xa3: {  	[tilespmem:s23+$0xE8] =	vst v14  }
0xa4: {  	[tilespmem:s23+$0x20] =	vst v17  }
0xa5: {  	[tilespmem:s23+$0xFFFFFF58] =	vst v16  }
0xa6: {  	v14 =	vld [tilespmem:s22+$0xB0];
	_ =	sdelay $0x4  }
0xa7: {  	v14 =	vand.u32 $0xF, v14  }
0xa8: {  	v15 =	vperm.xlane v10, v14;
	v16 =	vperm.xlane v11, v14  }
0xa9: {  	v17 =	vperm.xlane v12, v14;
	v14 =	vperm.xlane v13, v14  }
0xaa: {  	[tilespmem:s23+$0xFFFFFEA0] =	vst v15  }
0xab: {  	[tilespmem:s23+$0xF8] =	vst v14  }
0xac: {  	[tilespmem:s23+$0x30] =	vst v17  }
0xad: {  	[tilespmem:s23+$0xFFFFFF68] =	vst v16  }
0xae: {  	v14 =	vld [tilespmem:s22+$0xC0];
	_ =	sdelay $0x4  }
0xaf: {  	v14 =	vand.u32 $0xF, v14  }
0xb0: {  	v15 =	vperm.xlane v10, v14;
	v16 =	vperm.xlane v11, v14  }
0xb1: {  	v17 =	vperm.xlane v12, v14;
	v14 =	vperm.xlane v13, v14  }
0xb2: {  	[tilespmem:s23+$0xFFFFFEB0] =	vst v15  }
0xb3: {  	[tilespmem:s23+$0x108] =	vst v14  }
0xb4: {  	[tilespmem:s23+$0x40] =	vst v17  }
0xb5: {  	[tilespmem:s23+$0xFFFFFF78] =	vst v16  }
0xb6: {  	v14 =	vld [tilespmem:s22+$0xD0];
	_ =	sdelay $0x4  }
0xb7: {  	v14 =	vand.u32 $0xF, v14  }
0xb8: {  	v15 =	vperm.xlane v10, v14;
	v16 =	vperm.xlane v11, v14  }
0xb9: {  	v17 =	vperm.xlane v12, v14;
	v14 =	vperm.xlane v13, v14  }
0xba: {  	[tilespmem:s23+$0xFFFFFEC0] =	vst v15  }
0xbb: {  	[tilespmem:s23+$0x118] =	vst v14  }
0xbc: {  	[tilespmem:s23+$0x50] =	vst v17  }
0xbd: {  	[tilespmem:s23+$0xFFFFFF88] =	vst v16  }
0xbe: {  	v14 =	vld [tilespmem:s22+$0xE0];
	_ =	sdelay $0x4  }
0xbf: {  	v14 =	vand.u32 $0xF, v14  }
0xc0: {  	v15 =	vperm.xlane v10, v14;
	v16 =	vperm.xlane v11, v14  }
0xc1: {  	v17 =	vperm.xlane v12, v14;
	v14 =	vperm.xlane v13, v14  }
0xc2: {  	[tilespmem:s23+$0xFFFFFED0] =	vst v15  }
0xc3: {  	[tilespmem:s23+$0x128] =	vst v14  }
0xc4: {  	[tilespmem:s23+$0x60] =	vst v17  }
0xc5: {  	[tilespmem:s23+$0xFFFFFF98] =	vst v16  }
0xc6: {  	v14 =	vld [tilespmem:s22+$0xF0];
	_ =	sdelay $0x4  }
0xc7: {  	v14 =	vand.u32 $0xF, v14  }
0xc8: {  	v15 =	vperm.xlane v10, v14;
	v16 =	vperm.xlane v11, v14;
	_ =	sdelay $0x1  }
0xc9: {  	[tilespmem:s23+$0xFFFFFEE0] =	vst v15;
	v15 =	vperm.xlane v12, v14  }
0xca: {  	s29 =	sand.u32 $0x7FE0, s25;
	v14 =	vperm.xlane v13, v14;
	[tilespmem:s23+$0xFFFFFFA8] =	vst v16  }
0xcb: {  	[tilespmem:s29+$0x3580] =	vst v15  }
0xcc: {  	s28 =	sand.u32 $0x1FF8, s28;
	[tilespmem:s23+$0x138] =	vst v14  }
0xcd: {  	v14 =	vld [tilespmem:s28+$0x100];
	_ =	sdelay $0x4  }
0xce: {  	v14 =	vand.u32 $0xF, v14  }
0xcf: {  	v15 =	vperm.xlane v10, v14;
	v16 =	vperm.xlane v12, v14  }
0xd0: {  	v17 =	vperm.xlane v11, v14;
	v14 =	vperm.xlane v13, v14  }
0xd1: {  	[tilespmem:s29+$0x3400] =	vst v15  }
0xd2: {  	[tilespmem:s23+$0x80] =	vst v16  }
0xd3: {  	[tilespmem:s23+$0xFFFFFFB8] =	vst v17  }
0xd4: {  	[tilespmem:s23+$0x148] =	vst v14  }
0xd5: {  	v14 =	vld [tilespmem:s22+$0x110];
	_ =	sdelay $0x4  }
0xd6: {  	v14 =	vand.u32 $0xF, v14  }
0xd7: {  	v15 =	vperm.xlane v10, v14;
	v16 =	vperm.xlane v11, v14  }
0xd8: {  	v17 =	vperm.xlane v12, v14;
	v14 =	vperm.xlane v13, v14  }
.Ltmp0:
0xd9: {  	[tilespmem:s23+$0xFFFFFF00] =	vst v15;
	(pc) =	sbr.rel @p0 .LBB2_3-.Ltmp0, $4  }
0xda: {  	[tilespmem:s23+$0x158] =	vst v14  }
0xdb: {  	[tilespmem:s23+$0xFFFFFFC8] =	vst v16  }
0xdc: {  	[tilespmem:s23+$0x90] =	vst v17  }
0xdd: {  	v14 =	vld [tilespmem:s22+$0x120]  }
0xde: {  	_ =	sdelay $0x3  }
0xdf: {  	v14 =	vand.u32 $0xF, v14  }
0xe0: {  	v15 =	vperm.xlane v10, v14  }
0xe1: {  	v16 =	vperm.xlane v11, v14  }
0xe2: {  	v17 =	vperm.xlane v12, v14;
	[tilespmem:s24+$0xFFFFFF10] =	vst v15  }
0xe3: {  	v14 =	vperm.xlane v13, v14;
	[tilespmem:s24+$0xFFFFFFD8] =	vst v16  }
0xe4: {  	[tilespmem:s24+$0xA0] =	vst v17  }
0xe5: {  	[tilespmem:s24+$0x168] =	vst v14  }
0xe6: {  	v14 =	vld [tilespmem:s22+$0x130];
	_ =	sdelay $0x4  }
0xe7: {  	v14 =	vand.u32 $0xF, v14  }
0xe8: {  	v15 =	vperm.xlane v10, v14  }
0xe9: {  	v42 =	vperm.xlane v11, v14  }
0xea: {  	v43 =	vperm.xlane v13, v14;
	[tilespmem:s24+$0xFFFFFF20] =	vst v15  }
0xeb: {  	v14 =	vperm.xlane v12, v14;
	[tilespmem:s24+$0xFFFFFFE8] =	vst v42  }
0xec: {  	[tilespmem:s24+$0x178] =	vst v43  }
0xed: {  	[tilespmem:s24+$0xB0] =	vst v14  }
0xee: {  	v14 =	vld [tilespmem:s22+$0x138];
	_ =	sdelay $0x4  }
0xef: {  	s22 =	smul.u32 $0xC800, s21;
	v14 =	vand.u32 $0xF, v14  }
0xf0: {  	v15 =	vperm.xlane v10, v14  }
0xf1: {  	s23 =	sadd.s32 s5, s22;
	v44 =	vperm.xlane v11, v14  }
0xf2: {  	p0 =	seq.s32 s21, $0x7;
	s23 =	sshrl.u32 s23, $0x3;
	[tilespmem:s24+$0xFFFFFF28] =	vst v15;
	v15 =	vperm.xlane v12, v14  }
0xf3: {  	s30 =	sadd.s32 s2, s23;
	s23 =	smul.u32 @!p0 $0x3200, s21;
	v14 =	vperm.xlane v13, v14;
	[tilespmem:s29+$0x3500] =	vst v44  }
0xf4: {  	[tilespmem:s24+$0xB8] =	vst v15  }
0xf5: {  	[tilespmem:s24+$0x180] =	vst v14;
	s24 =	sadd.s32 @!p0 s23, s9  }
0xf6: {  	[hbm4b:s30+s3] =	stream.linear.scatter [tilespmem:s17], [sflag:$0x3], $0x6400, $0x38;
	[tilespmem:$0xFC80] =	vst v63  }
0xf7: {  	s24 =	sshrl.u32 @!p0 s24, $0x3  }
0xf8: {  	s25 =	simm.s32 @!p0 $0x0;
	s26 =	simm.s32 @!p0 $0x80;
	s24 =	sadd.s32 @!p0 s4, s24  }
0xf9: {  	[tilespmem:s26], [sflag:$0x1] =	stream.linear.gather @!p0 [hbm4b:s24+s25], $0x1900, $0x38;
	[tilespmem:$0xFC80] =	vst v63  }
0xfa: {  	_ =	swait.ge [sflag:s18], $0x1900  }
0xfb: {  	[sflag:s18] =	ssyncset.done $0x0  }
0xfc: {  	s24 =	simm.s32 $0x0;
	[sflag:s18] =	ssyncadd.s32 $0xFFFFE700  }
0xfd: {  	v14 =	vld [tilespmem:s24+$0x1A00];
	_ =	sdelay $0x4  }
0xfe: {  	v14 =	vand.u32 $0xF, v14  }
0xff: {  	v15 =	vperm.xlane v13, v14  }
0x100: {  	s25 =	simm.s32 $0x9990;
	v45 =	vperm.xlane v10, v14  }
0x101: {  	v46 =	vperm.xlane v11, v14;
	[tilespmem:s25+$0xC8] =	vst v15  }
0x102: {  	v14 =	vperm.xlane v12, v14;
	[tilespmem:s25+$0xFFFFFE70] =	vst v45  }
0x103: {  	[tilespmem:s25+$0xFFFFFF38] =	vst v46  }
0x104: {  	[tilespmem:s25+$0x0] =	vst v14  }
0x105: {  	v14 =	vld [tilespmem:s24+$0x1A10];
	_ =	sdelay $0x4  }
0x106: {  	v14 =	vand.u32 $0xF, v14  }
0x107: {  	v15 =	vperm.xlane v10, v14  }
0x108: {  	v47 =	vperm.xlane v13, v14  }
0x109: {  	v48 =	vperm.xlane v11, v14;
	[tilespmem:s25+$0xFFFFFE80] =	vst v15  }
0x10a: {  	v14 =	vperm.xlane v12, v14;
	[tilespmem:s25+$0xD8] =	vst v47  }
0x10b: {  	[tilespmem:s25+$0xFFFFFF48] =	vst v48  }
0x10c: {  	[tilespmem:s25+$0x10] =	vst v14  }
0x10d: {  	v14 =	vld [tilespmem:s24+$0x1A20];
	_ =	sdelay $0x4  }
0x10e: {  	v14 =	vand.u32 $0xF, v14  }
0x10f: {  	v15 =	vperm.xlane v10, v14  }
0x110: {  	v49 =	vperm.xlane v13, v14  }
0x111: {  	v50 =	vperm.xlane v12, v14;
	[tilespmem:s25+$0xFFFFFE90] =	vst v15  }
0x112: {  	v14 =	vperm.xlane v11, v14;
	[tilespmem:s25+$0xE8] =	vst v49  }
0x113: {  	[tilespmem:s25+$0x20] =	vst v50  }
0x114: {  	[tilespmem:s25+$0xFFFFFF58] =	vst v14  }
0x115: {  	v14 =	vld [tilespmem:s24+$0x1A30];
	_ =	sdelay $0x4  }
0x116: {  	v14 =	vand.u32 $0xF, v14  }
0x117: {  	v15 =	vperm.xlane v10, v14  }
0x118: {  	v51 =	vperm.xlane v13, v14  }
0x119: {  	v52 =	vperm.xlane v12, v14;
	[tilespmem:s25+$0xFFFFFEA0] =	vst v15  }
0x11a: {  	v14 =	vperm.xlane v11, v14;
	[tilespmem:s25+$0xF8] =	vst v51  }
0x11b: {  	[tilespmem:s25+$0x30] =	vst v52  }
0x11c: {  	[tilespmem:s25+$0xFFFFFF68] =	vst v14  }
0x11d: {  	v14 =	vld [tilespmem:s24+$0x1A40];
	_ =	sdelay $0x4  }
0x11e: {  	v14 =	vand.u32 $0xF, v14  }
0x11f: {  	v15 =	vperm.xlane v10, v14  }
0x120: {  	v53 =	vperm.xlane v13, v14  }
0x121: {  	v54 =	vperm.xlane v12, v14;
	[tilespmem:s25+$0xFFFFFEB0] =	vst v15  }
0x122: {  	v14 =	vperm.xlane v11, v14;
	[tilespmem:s25+$0x108] =	vst v53  }
0x123: {  	[tilespmem:s25+$0x40] =	vst v54  }
0x124: {  	[tilespmem:s25+$0xFFFFFF78] =	vst v14  }
0x125: {  	v14 =	vld [tilespmem:s24+$0x1A50];
	_ =	sdelay $0x4  }
0x126: {  	v14 =	vand.u32 $0xF, v14  }
0x127: {  	v15 =	vperm.xlane v10, v14  }
0x128: {  	v55 =	vperm.xlane v13, v14  }
0x129: {  	v56 =	vperm.xlane v12, v14;
	[tilespmem:s25+$0xFFFFFEC0] =	vst v15  }
0x12a: {  	v14 =	vperm.xlane v11, v14;
	[tilespmem:s25+$0x118] =	vst v55  }
0x12b: {  	[tilespmem:s25+$0x50] =	vst v56  }
0x12c: {  	[tilespmem:s25+$0xFFFFFF88] =	vst v14  }
0x12d: {  	v14 =	vld [tilespmem:s24+$0x1A60];
	_ =	sdelay $0x4  }
0x12e: {  	v14 =	vand.u32 $0xF, v14  }
0x12f: {  	v15 =	vperm.xlane v10, v14  }
0x130: {  	v57 =	vperm.xlane v13, v14  }
0x131: {  	v58 =	vperm.xlane v12, v14;
	[tilespmem:s25+$0xFFFFFED0] =	vst v15  }
0x132: {  	v14 =	vperm.xlane v11, v14;
	[tilespmem:s25+$0x128] =	vst v57  }
0x133: {  	[tilespmem:s25+$0x60] =	vst v58  }
0x134: {  	[tilespmem:s25+$0xFFFFFF98] =	vst v14  }
0x135: {  	v14 =	vld [tilespmem:s24+$0x1A70];
	_ =	sdelay $0x4  }
0x136: {  	v14 =	vand.u32 $0xF, v14  }
0x137: {  	v15 =	vperm.xlane v10, v14  }
0x138: {  	v59 =	vperm.xlane v11, v14  }
0x139: {  	s26 =	simm.s32 $0x0;
	[tilespmem:s25+$0xFFFFFEE0] =	vst v15;
	v15 =	vperm.xlane v12, v14  }
0x13a: {  	s31 =	sand.u32 $0x7FE0, s26;
	[tilespmem:s25+$0xFFFFFFA8] =	vst v59;
	v14 =	vperm.xlane v13, v14  }
0x13b: {  	[tilespmem:s31+$0x9A00] =	vst v15  }
0x13c: {  	s28 =	sand.u32 $0x1FF8, s26;
	[tilespmem:s25+$0x138] =	vst v14  }
0x13d: {  	v14 =	vld [tilespmem:s28+$0x1A80];
	_ =	sdelay $0x4  }
0x13e: {  	v14 =	vand.u32 $0xF, v14  }
0x13f: {  	v15 =	vperm.xlane v10, v14  }
0x140: {  	v60 =	vperm.xlane v12, v14  }
0x141: {  	v61 =	vperm.xlane v11, v14;
	[tilespmem:s31+$0x9880] =	vst v15  }
0x142: {  	v14 =	vperm.xlane v13, v14;
	[tilespmem:s25+$0x80] =	vst v60  }
0x143: {  	[tilespmem:s25+$0xFFFFFFB8] =	vst v61  }
0x144: {  	[tilespmem:s25+$0x148] =	vst v14  }
0x145: {  	v14 =	vld [tilespmem:s24+$0x1A90];
	_ =	sdelay $0x4  }
0x146: {  	v14 =	vand.u32 $0xF, v14  }
0x147: {  	v15 =	vperm.xlane v10, v14  }
0x148: {  	v62 =	vperm.xlane v13, v14  }
0x149: {  	v63 =	vperm.xlane v11, v14;
	[tilespmem:s25+$0xFFFFFF00] =	vst v15  }
0x14a: {  	v14 =	vperm.xlane v12, v14;
	[tilespmem:s25+$0x158] =	vst v62  }
0x14b: {  	[tilespmem:s25+$0xFFFFFFC8] =	vst v63  }
0x14c: {  	[tilespmem:s25+$0x90] =	vst v14  }
0x14d: {  	s21 =	sadd.s32 $0x1, s21;
	s29 =	simm.s32 $0xC8;
	s28 =	simm.s32 $0x9990;
	v14 =	vld [tilespmem:s24+$0x1AA0]  }
.LBB2_5:
0x14e: {  	p1 =	sne.s32 s29, $0x1838;
	s26 =	sadd.s32 $0x320, s26;
	s25 =	sadd.s32 $0x320, s25  }
0x14f: {  	s30 =	smov.u32 s29;
	s29 =	sadd.s32 $0xC8, s29;
	_ =	sdelay $0x2  }
0x150: {  	v14 =	vand.u32 $0xF, v14  }
0x151: {  	v15 =	vperm.xlane v10, v14;
	v16 =	vperm.xlane v11, v14  }
0x152: {  	v17 =	vperm.xlane v12, v14;
	v14 =	vperm.xlane v13, v14  }
0x153: {  	[tilespmem:s28+$0xFFFFFF10] =	vst v15  }
0x154: {  	[tilespmem:s28+$0xFFFFFFD8] =	vst v16  }
0x155: {  	[tilespmem:s28+$0xA0] =	vst v17  }
0x156: {  	[tilespmem:s28+$0x168] =	vst v14  }
0x157: {  	v14 =	vld [tilespmem:s24+$0x1AB0];
	_ =	sdelay $0x4  }
0x158: {  	v14 =	vand.u32 $0xF, v14  }
0x159: {  	v15 =	vperm.xlane v10, v14;
	v16 =	vperm.xlane v11, v14  }
0x15a: {  	v17 =	vperm.xlane v12, v14;
	v14 =	vperm.xlane v13, v14  }
0x15b: {  	[tilespmem:s28+$0xFFFFFF20] =	vst v15  }
0x15c: {  	[tilespmem:s28+$0xFFFFFFE8] =	vst v16  }
0x15d: {  	[tilespmem:s28+$0x178] =	vst v14  }
0x15e: {  	[tilespmem:s28+$0xB0] =	vst v17  }
0x15f: {  	v14 =	vld [tilespmem:s24+$0x1AB8];
	_ =	sdelay $0x4  }
0x160: {  	v14 =	vand.u32 $0xF, v14  }
0x161: {  	v15 =	vperm.xlane v10, v14  }
0x162: {  	v16 =	vperm.xlane v11, v14  }
0x163: {  	[tilespmem:s28+$0xFFFFFF28] =	vst v15;
	v15 =	vperm.xlane v12, v14;
	v14 =	vperm.xlane v13, v14  }
0x164: {  	[tilespmem:s31+$0x9980] =	vst v16  }
0x165: {  	[tilespmem:s28+$0xB8] =	vst v15  }
0x166: {  	s24 =	sshra.s32 s26, $0x2;
	[tilespmem:s28+$0x180] =	vst v14;
	s28 =	smov.u32 s25  }
0x167: {  	v14 =	vld [tilespmem:s24+$0x1A00];
	_ =	sdelay $0x4  }
0x168: {  	v14 =	vand.u32 $0xF, v14  }
0x169: {  	v15 =	vperm.xlane v10, v14;
	v16 =	vperm.xlane v13, v14  }
0x16a: {  	v17 =	vperm.xlane v11, v14;
	v14 =	vperm.xlane v12, v14  }
0x16b: {  	[tilespmem:s25+$0xC8] =	vst v16  }
0x16c: {  	[tilespmem:s25+$0xFFFFFE70] =	vst v15  }
0x16d: {  	[tilespmem:s25+$0xFFFFFF38] =	vst v17  }
0x16e: {  	[tilespmem:s25+$0x0] =	vst v14  }
0x16f: {  	v14 =	vld [tilespmem:s24+$0x1A10];
	_ =	sdelay $0x4  }
0x170: {  	v14 =	vand.u32 $0xF, v14  }
0x171: {  	v15 =	vperm.xlane v10, v14;
	v16 =	vperm.xlane v11, v14  }
0x172: {  	v17 =	vperm.xlane v12, v14;
	v14 =	vperm.xlane v13, v14  }
0x173: {  	[tilespmem:s25+$0xFFFFFE80] =	vst v15  }
0x174: {  	[tilespmem:s25+$0xD8] =	vst v14  }
0x175: {  	[tilespmem:s25+$0xFFFFFF48] =	vst v16  }
0x176: {  	[tilespmem:s25+$0x10] =	vst v17  }
0x177: {  	v14 =	vld [tilespmem:s24+$0x1A20];
	_ =	sdelay $0x4  }
0x178: {  	v14 =	vand.u32 $0xF, v14  }
0x179: {  	v15 =	vperm.xlane v10, v14;
	v16 =	vperm.xlane v11, v14  }
0x17a: {  	v17 =	vperm.xlane v12, v14;
	v14 =	vperm.xlane v13, v14  }
0x17b: {  	[tilespmem:s25+$0xFFFFFE90] =	vst v15  }
0x17c: {  	[tilespmem:s25+$0xE8] =	vst v14  }
0x17d: {  	[tilespmem:s25+$0x20] =	vst v17  }
0x17e: {  	[tilespmem:s25+$0xFFFFFF58] =	vst v16  }
0x17f: {  	v14 =	vld [tilespmem:s24+$0x1A30];
	_ =	sdelay $0x4  }
0x180: {  	v14 =	vand.u32 $0xF, v14  }
0x181: {  	v15 =	vperm.xlane v10, v14;
	v16 =	vperm.xlane v11, v14  }
0x182: {  	v17 =	vperm.xlane v12, v14;
	v14 =	vperm.xlane v13, v14  }
0x183: {  	[tilespmem:s25+$0xFFFFFEA0] =	vst v15  }
0x184: {  	[tilespmem:s25+$0xF8] =	vst v14  }
0x185: {  	[tilespmem:s25+$0x30] =	vst v17  }
0x186: {  	[tilespmem:s25+$0xFFFFFF68] =	vst v16  }
0x187: {  	v14 =	vld [tilespmem:s24+$0x1A40];
	_ =	sdelay $0x4  }
0x188: {  	v14 =	vand.u32 $0xF, v14  }
0x189: {  	v15 =	vperm.xlane v10, v14;
	v16 =	vperm.xlane v11, v14  }
0x18a: {  	v17 =	vperm.xlane v12, v14;
	v14 =	vperm.xlane v13, v14  }
0x18b: {  	[tilespmem:s25+$0xFFFFFEB0] =	vst v15  }
0x18c: {  	[tilespmem:s25+$0x108] =	vst v14  }
0x18d: {  	[tilespmem:s25+$0x40] =	vst v17  }
0x18e: {  	[tilespmem:s25+$0xFFFFFF78] =	vst v16  }
0x18f: {  	v14 =	vld [tilespmem:s24+$0x1A50];
	_ =	sdelay $0x4  }
0x190: {  	v14 =	vand.u32 $0xF, v14  }
0x191: {  	v15 =	vperm.xlane v10, v14;
	v16 =	vperm.xlane v11, v14  }
0x192: {  	v17 =	vperm.xlane v12, v14;
	v14 =	vperm.xlane v13, v14  }
0x193: {  	[tilespmem:s25+$0xFFFFFEC0] =	vst v15  }
0x194: {  	[tilespmem:s25+$0x118] =	vst v14  }
0x195: {  	[tilespmem:s25+$0x50] =	vst v17  }
0x196: {  	[tilespmem:s25+$0xFFFFFF88] =	vst v16  }
0x197: {  	v14 =	vld [tilespmem:s24+$0x1A60];
	_ =	sdelay $0x4  }
0x198: {  	v14 =	vand.u32 $0xF, v14  }
0x199: {  	v15 =	vperm.xlane v10, v14;
	v16 =	vperm.xlane v11, v14  }
0x19a: {  	v17 =	vperm.xlane v12, v14;
	v14 =	vperm.xlane v13, v14  }
0x19b: {  	[tilespmem:s25+$0xFFFFFED0] =	vst v15  }
0x19c: {  	[tilespmem:s25+$0x128] =	vst v14  }
0x19d: {  	[tilespmem:s25+$0x60] =	vst v17  }
0x19e: {  	[tilespmem:s25+$0xFFFFFF98] =	vst v16  }
0x19f: {  	v14 =	vld [tilespmem:s24+$0x1A70];
	_ =	sdelay $0x4  }
0x1a0: {  	v14 =	vand.u32 $0xF, v14  }
0x1a1: {  	v15 =	vperm.xlane v10, v14;
	v16 =	vperm.xlane v11, v14;
	_ =	sdelay $0x1  }
0x1a2: {  	[tilespmem:s25+$0xFFFFFEE0] =	vst v15;
	v15 =	vperm.xlane v12, v14  }
0x1a3: {  	s31 =	sand.u32 $0x7FE0, s26;
	v14 =	vperm.xlane v13, v14;
	[tilespmem:s25+$0xFFFFFFA8] =	vst v16  }
0x1a4: {  	[tilespmem:s31+$0x9A00] =	vst v15  }
0x1a5: {  	s30 =	sand.u32 $0x1FF8, s30;
	[tilespmem:s25+$0x138] =	vst v14  }
0x1a6: {  	v14 =	vld [tilespmem:s30+$0x1A80];
	_ =	sdelay $0x4  }
0x1a7: {  	v14 =	vand.u32 $0xF, v14  }
0x1a8: {  	v15 =	vperm.xlane v10, v14;
	v16 =	vperm.xlane v12, v14  }
0x1a9: {  	v17 =	vperm.xlane v11, v14;
	v14 =	vperm.xlane v13, v14  }
0x1aa: {  	[tilespmem:s31+$0x9880] =	vst v15  }
0x1ab: {  	[tilespmem:s25+$0x80] =	vst v16  }
0x1ac: {  	[tilespmem:s25+$0xFFFFFFB8] =	vst v17  }
0x1ad: {  	[tilespmem:s25+$0x148] =	vst v14  }
0x1ae: {  	v14 =	vld [tilespmem:s24+$0x1A90];
	_ =	sdelay $0x4  }
0x1af: {  	v14 =	vand.u32 $0xF, v14  }
0x1b0: {  	v15 =	vperm.xlane v10, v14;
	v16 =	vperm.xlane v11, v14  }
0x1b1: {  	v17 =	vperm.xlane v12, v14;
	v14 =	vperm.xlane v13, v14  }
.Ltmp1:
0x1b2: {  	[tilespmem:s25+$0xFFFFFF00] =	vst v15;
	(pc) =	sbr.rel @p1 .LBB2_5-.Ltmp1, $4  }
0x1b3: {  	[tilespmem:s25+$0x158] =	vst v14  }
0x1b4: {  	[tilespmem:s25+$0xFFFFFFC8] =	vst v16  }
0x1b5: {  	[tilespmem:s25+$0x90] =	vst v17  }
0x1b6: {  	v14 =	vld [tilespmem:s24+$0x1AA0]  }
0x1b7: {  	_ =	sdelay $0x3  }
0x1b8: {  	v14 =	vand.u32 $0xF, v14  }
0x1b9: {  	v15 =	vperm.xlane v10, v14  }
0x1ba: {  	v16 =	vperm.xlane v11, v14  }
0x1bb: {  	v17 =	vperm.xlane v12, v14;
	[tilespmem:s28+$0xFFFFFF10] =	vst v15  }
0x1bc: {  	v14 =	vperm.xlane v13, v14;
	[tilespmem:s28+$0xFFFFFFD8] =	vst v16  }
0x1bd: {  	[tilespmem:s28+$0xA0] =	vst v17  }
0x1be: {  	[tilespmem:s28+$0x168] =	vst v14  }
0x1bf: {  	v14 =	vld [tilespmem:s24+$0x1AB0];
	_ =	sdelay $0x4  }
0x1c0: {  	v14 =	vand.u32 $0xF, v14  }
0x1c1: {  	v15 =	vperm.xlane v10, v14  }
0x1c2: {  	v61 =	vperm.xlane v11, v14  }
0x1c3: {  	v62 =	vperm.xlane v13, v14;
	[tilespmem:s28+$0xFFFFFF20] =	vst v15  }
0x1c4: {  	v14 =	vperm.xlane v12, v14;
	[tilespmem:s28+$0xFFFFFFE8] =	vst v61  }
0x1c5: {  	[tilespmem:s28+$0x178] =	vst v62  }
0x1c6: {  	[tilespmem:s28+$0xB0] =	vst v14  }
0x1c7: {  	v14 =	vld [tilespmem:s24+$0x1AB8];
	_ =	sdelay $0x4  }
0x1c8: {  	v14 =	vand.u32 $0xF, v14  }
0x1c9: {  	v15 =	vperm.xlane v10, v14  }
0x1ca: {  	v63 =	vperm.xlane v11, v14  }
0x1cb: {  	[tilespmem:s28+$0xFFFFFF28] =	vst v15;
	v15 =	vperm.xlane v12, v14  }
0x1cc: {  	s22 =	sadd.s32 s22, s10;
	v14 =	vperm.xlane v13, v14;
	[tilespmem:s31+$0x9980] =	vst v63  }
0x1cd: {  	s22 =	sshrl.u32 s22, $0x3;
	[tilespmem:s28+$0xB8] =	vst v15  }
0x1ce: {  	s22 =	sadd.s32 s2, s22;
	[tilespmem:s28+$0x180] =	vst v14  }
0x1cf: {  	[hbm4b:s22+s3] =	stream.linear.scatter [tilespmem:s19], [sflag:$0x4], $0x6400, $0x38;
	[tilespmem:$0xFC80] =	vst v63  }
0x1d0: {  	s22 =	sadd.s32 @!p0 s23, s11  }
0x1d1: {  	p1 =	sne.s32 @!p0 s21, $0x8;
	s22 =	sshrl.u32 @!p0 s22, $0x3  }
0x1d2: {  	s24 =	simm.s32 @!p0 $0x1A00;
	s23 =	simm.s32 @!p0 $0x0;
	s22 =	sadd.s32 @!p0 s4, s22  }
0x1d3: {  	[tilespmem:s24], [sflag:$0x2] =	stream.linear.gather @!p0 [hbm4b:s22+s23], $0x1900, $0x38;
	[tilespmem:$0xFC80] =	vst v63  }
0x1d4: {  	p0 =	por p0, !p1  }
.Ltmp2:
0x1d5: {  	_ = 	snop;
	(pc) =	sbr.rel @!p0 .LBB2_2-.Ltmp2, $1  }
0x1d6: {  	_ =	sdelay $0x3  }
0x1d7: {  	s20 =	sadd.s32 $0x1, s20  }
0x1d8: {  	p0 =	sne.s32 s20, s12  }
.Ltmp3:
0x1d9: {  	_ = 	snop;
	(pc) =	sbr.rel @p0 .LBB2_1-.Ltmp3, $1  }
0x1da: {  	_ =	sdelay $0x3  }
0x1db: {  	_ =	sfence.sel $0x180000  }
0x1dc: {  	[bflag:$0x0] =	sbarrier.arrive $0xFFFF  }
0x1dd: {  	p0 =	sne.s32 s0, $0x0;
	_ =	strace $0x90000047  }
0x1de: {  	s0 =	sadd.s32 @!p0 $0x100000, s1;
	[bflag:$0x2] =	sbarrier.arrive $0xFFFF  }
0x1df: {  	[sflag:s0] =	ssyncadd.tile.s32 @!p0 $0x1;
	_ =	shalt  }
.Lfunc_end2:
_tile_overlayer_lowered:
.L_overlay_start_2:
0x1e0: {  	(tag) =	ssettag $0x2  }
0x1e1: {  	s0 =	rddreg [dreg:$0x0];
	s2 =	stileid.u32  }
0x1e2: {  	s1 =	rddreg [dreg:$0x1];
	p0 =	sne.s32 s2, $0x0  }
0x1e3: {  	s3 =	rddreg [dreg:$0x2];
	[bflag:$0x3] =	sbarrier.arrive $0xFFFF;
	s2 =	simm.s32 @!p0 $0x1C05  }
0x1e4: {  	[timem:s3], [sflag:s2] =	dma.local @!p0 [hbm:s0], s1  }
0x1e5: {  	s0 =	simm.s32 @!p0 $0x5  }
0x1e6: {  	_ =	swait.ge @!p0 [sflag:s0], s1  }
0x1e7: {  	s1 =	ssub.s32 @!p0 $0x0, s1;
	[sflag:s0] =	ssyncset.done @!p0 $0x0  }
0x1e8: {  	[sflag:s0] =	ssyncadd.s32 @!p0 s1  }
0x1e9: {  	[bflag:$0x3] =	sbarrier.arrive $0xFFFF  }
0x1ea: {  	_ =	shalt  }

// kernel: sparse-core-data-format-call.cloned.1.call-start
scs
called_computation_lowered:
.L_overlay_start_0:
0x0: {  	s2 =	sld [smem:$0x3FD9]  }
0x1: {  	s3 =	sld [smem:$0x3FFE];
	_ =	sdelay $0x1  }
0x2: {  	s1 =	srdreg.scid  }
0x3: {  	s0 =	sand.u32 $0x1, s1  }
0x4: {  	s18 =	sshll.u32 s0, $0xA;
	s2 =	sadd.s32 s3, s2  }
0x5: {  	s2 =	sadd.s32 s2, s18  }
0x6: {  	[smem:$0x3FC4] =	sst s2  }
0x7: {  	_ = 	snop  }
0x8: {  	s2 =	sld [smem:$0x3FD0];
	(tm) =	ssettm $0x1  }
0x9: {  	s19 =	sld [smem:$0x3FFB];
	_ =	sdelay $0x3  }
0xa: {  	_ =	strace s19  }
0xb: {  	s3 =	sld [smem:$0x3FFC];
	_ =	sdelay $0x3  }
0xc: {  	_ =	strace s3  }
0xd: {  	s3 =	sld [smem:$0x3FFD];
	_ =	sdelay $0x3  }
0xe: {  	_ =	strace s3  }
0xf: {  	_ =	strace $0x8FFFFFFF  }
0x10: {  	s20 =	sld [smem:$0x3FDB];
	_ =	sdelay $0x1  }
0x11: {  	s4 =	simm.s32 $_scs_section_size  }
0x12: {  	s5 =	simm.s32 $_size__tile_overlayer_lowered;
	s6 =	simm.s32 $_tile_overlayer_lowered  }
0x13: {  	s23 =	simm.s32 $0x1BFF;
	s22 =	sshll.u32 s6, $0x1;
	s3 =	sadd.s32 s4, s20  }
0x14: {  	s7 =	simm.s32 $0x0;
	s21 =	sshll.u32 s5, $0x1;
	s5 =	sadd.s32 s22, s3  }
0x15: {  	[timem:s7], [sflag:s23] =	dma.local [hbm:s5], s21  }
0x16: {  	_ =	swait.ge [sflag:s23], s21  }
0x17: {  	s4 =	ssub.s32 $0x0, s21;
	[sflag:s23] =	ssyncset.done $0x0  }
0x18: {  	[sflag:s23] =	ssyncadd.s32 s4;
	_ =	sdelay $0x1  }
0x19: {  	s24 =	simm.s32 $0x1B8B  }
0x1a: {  	_ =	swait.ge [sflag:s24], $0x1  }
0x1b: {  	[sflag:s24] =	ssyncset.done $0x0  }
0x1c: {  	s26 =	simm.s32 $0x1B8E;
	s25 =	sld [smem:$0x3FFE];
	[sflag:s24] =	ssyncadd.s32 $0xFFFFFFFF  }
0x1d: {  	s27 =	simm.s32 $execute0_lowered;
	[smem:$0x3FD2] =	sst s26  }
0x1e: {  	s5 =	sshll.u32 s27, $0x1;
	_ =	strace $0x80000049;
	[dreg:$0x1] =	wrdreg $0xFFFFFFFF  }
0x1f: {  	s28 =	simm.s32 $_size_execute0_lowered;
	s3 =	sadd.s32 s3, s5;
	[dreg:$0x0] =	wrdreg $0x0  }
0x20: {  	s5 =	sshll.u32 s28, $0x1;
	[dreg:$0x2] =	wrdreg s3  }
0x21: {  	[dreg:$0x3] =	wrdreg s5  }
0x22: {  	[dreg:$0x4] =	wrdreg $0xC0  }
0x23: {  	_ =	task [dreg:s7], $0x5FFFF  }
0x24: {  	[dreg:$0x1] =	wrdreg $0xFFFFFFFF  }
0x25: {  	[dreg:$0x0] =	wrdreg $0x60  }
0x26: {  	[dreg:$0x2] =	wrdreg s25  }
0x27: {  	[dreg:$0x3] =	wrdreg s2  }
0x28: {  	[dreg:$0x4] =	wrdreg $0x9  }
0x29: {  	_ =	task.clear_ibuf [dreg:s7], $0x5FFFF;
	_ =	strace $0x90000049  }
0x2a: {  	s29 =	simm.s32 $0x9;
	_ =	strace $0x8000004B  }
0x2b: {  	_ =	swait.ge [sflag:s29], $0x1  }
0x2c: {  	[sflag:s29] =	ssyncadd.s32 $0xFFFFFFFF  }
0x2d: {  	_ =	strace $0x9000004B  }
0x2e: {  	_ =	sfence  }
0x2f: {  	s30 =	sld [smem:$0x0];
	_ =	sdelay $0x2  }
0x30: {  	s31 =	sshll.u32 s1, $0xD;
	s1 =	sshrl.u32 s1, $0x2  }
0x31: {  	s3 =	sand.u32 $0x4000, s31;
	s1 =	sadd.s32 s1, s30  }
0x32: {  	s0 =	sor.u32 s3, s0;
	s1 =	sshll.u32 s1, $0x11  }
0x33: {  	s0 =	sor.u32 s1, s0  }
0x34: {  	s0 =	sadd.s32 $0x8F2B, s0  }
0x35: {  	[sflag:s0] =	ssyncadd.remote.s32 $0x1  }
0x36: {  	_ =	sfence.sel $0xFFFF  }
0x37: {  	[dreg:$0x0] =	wrdreg $0xFFFFFFFF;
	(pc) =	sbr.abs _section_cstart, $3  }
0x38: {  	[dreg:$0x1] =	wrdreg $0xFFFFFFFF  }
0x39: {  	_ =	task.clear_ibuf [dreg:s7], $0x2FFFF;
	_ =	strace $0x9FFFFFFF  }
0x3a: {  	(tm) =	ssettm $0x7FFFFFFF  }
0x3b: {  	_ =	shalt  }
tec
execute0_lowered:
.L_overlay_start_1:
0x0: {  	(tag) =	ssettag $0x1  }
0x1: {  	s5 =	rddreg [dreg:$0x0]  }
0x2: {  	s0 =	srdreg.scid;
	s3 =	rddreg [dreg:$0x1];
	s7 =	simm.s32 $0x1  }
0x3: {  	s8 =	simm.s32 $0x2;
	s18 =	simm.s32 $0x0;
	s1 =	sshll.u32 s0, $0x4  }
0x4: {  	s17 =	simm.s32 $0x0;
	s0 =	stileid.u32;
	s1 =	sand.u32 $0x10, s1  }
0x5: {  	s16 =	simm.s32 $0x0;
	s9 =	simm.s32 $0x0;
	s1 =	sor.u32 s0, s1  }
0x6: {  	s10 =	simm.s32 $0x0;
	s11 =	simm.s32 $0x0;
	s2 =	sshll.u32 s1, $0x7  }
0x7: {  	s12 =	simm.s32 $0x0;
	s13 =	simm.s32 $0x0;
	s6 =	ssub.s32 $0x4000, s2  }
0x8: {  	s15 =	simm.s32 $0x0;
	s5 =	sadd.s32 $0xC00, s5;
	s4 =	sand.u32 $0xF80, s6  }
.Ltmp0:
0x9: {  	s1 =	rddreg [dreg:$0x2];
	p0 =	sne.s32 s4, $0x0;
	(pc) =	sbr.rel .LBB1_1-.Ltmp0, $4  }
0xa: {  	_ =	strace $0x8000004A;
	s6 =	sshrl.u32 s6, $0xC;
	s7 =	simm.s32 @!p0 $0x0  }
0xb: {  	s14 =	smov.u32 s2;
	s4 =	simm.s32 $0x1;
	s6 =	sadd.s32 s7, s6  }
0xc: {  	[sflag:s4] =	ssyncpa.u1 $0x0;
	p0 =	por $0x0, $0x0;
	s6 =	sshll.u32 s6, $0x3  }
0xd: {  	[sflag:s8] =	ssyncpa.u1 $0x0;
	s8 =	simm.s32 $0x10000;
	s7 =	sor.u32 $0x1, s6  }
.LBB1_4:
0xe: {  	s23 =	sshra.s32 s23, $0x2  }
0xf: {  	p1 =	sgt.s32 s9, $0x48;
	s24 =	sshra.s32 s9, $0x1F;
	s25 =	smov.u32 s10  }
0x10: {  	s27 =	sshra.s32 s10, $0x1F;
	s22 =	sadd.s32 s23, s22;
	s23 =	smov.u32 s9  }
0x11: {  	s24 =	sand.u32 s24, s9;
	s23 =	simm.s32 @!p1 $0x48;
	p1 =	sgt.s32 s10, $0x3  }
0x12: {  	s26 =	smov.u32 s11;
	s23 =	ssub.s32 s23, s24;
	s25 =	simm.s32 @!p1 $0x3  }
0x13: {  	s24 =	sand.u32 s27, s10;
	p1 =	sgt.s32 s11, $0x3F80;
	s27 =	sshra.s32 s11, $0x1F  }
0x14: {  	v5 =	vld [tilespmem:s20+$0xFFFFFFD0];
	[tilespmem:s21+$0x2040 ss:$0x81] =	vst.msk $0xffff, v4;
	s24 =	ssub.s32 s25, s24;
	s26 =	simm.s32 @!p1 $0x3F80;
	s28 =	sand.u32 s27, s11  }
0x15: {  	v58 =	vld [tilespmem:s20+$0xFFFFFFE0];
	[tilespmem:s21+$0x2850 ss:$0x81] =	vst.msk $0xffff, v3;
	s29 =	sadd.s32 $0xFFFFFFB8, s23;
	s23 =	ssub.s32 $0xC8, s23;
	s25 =	ssub.s32 s26, s28  }
0x16: {  	v59 =	vld [tilespmem:s20+$0xFFFFFFF0];
	[tilespmem:s21+$0x3060 ss:$0x81] =	vst.msk $0xffff, v2;
	s30 =	sadd.s32 $0xFFFFFFFD, s24;
	s24 =	ssub.s32 $0x4, s24;
	s28 =	sshll.u32 s11, $0x2  }
0x17: {  	[tilespmem:s21+$0x0 ss:$0x81] =	vst.msk $0xffff, v1;
	v60 =	vld [tilespmem:s20+$0x0];
	s26 =	sshrl.u32 s11, $0x1;
	p1 =	sgt.s32 s30, $0x0;
	s31 =	sadd.s32 $0xFFFFC080, s25  }
0x18: {  	v61 =	vld [tilespmem:s20+$0x10];
	[tilespmem:s22+$0x3870 ss:$0x81] =	vst.msk $0xffff, v0;
	s21 =	ssub.s32 $0x4000, s25;
	s25 =	sand.u32 $0x78, s11;
	s27 =	sand.u32 $0x1800, s26  }
0x19: {  	v62 =	vld [tilespmem:s20+$0x20];
	[tilespmem:s22+$0x810 ss:$0x81] =	vst.msk $0xffff, v5;
	s24 =	simm.s32 @p1 $0x0;
	p1 =	sgt.s32 s31, $0x7F;
	s31 =	sand.u32 $0x3E00, s28  }
0x1a: {  	v63 =	vld [tilespmem:s20+$0xFFFFFFC0];
	[tilespmem:s22+$0x1020 ss:$0x81] =	vst.msk $0xffff, v58;
	s21 =	simm.s32 @p1 $0x0;
	p1 =	sgt.s32 s29, $0x7F;
	s29 =	sshll.u32 s10, $0x7  }
0x1b: {  	[tilespmem:s22+$0x1830 ss:$0x81] =	vst.msk $0xffff, v59;
	s28 =	sshll.u32 s9, $0xD;
	s21 =	smul.u32 s21, s24;
	s30 =	sand.u32 $0x180, s29  }
0x1c: {  	[tilespmem:s22+$0x2040 ss:$0x81] =	vst.msk $0xffff, v60;
	s24 =	sor.u32 s25, s31;
	s23 =	simm.s32 @p1 $0x0;
	s29 =	sand.u32 $0x7, s11  }
0x1d: {  	[tilespmem:s22+$0x2850 ss:$0x81] =	vst.msk $0xffff, v61;
	s20 =	sor.u32 s30, s24;
	s21 =	smul.u32 s23, s21;
	s23 =	sadd.s32 s3, s27  }
0x1e: {  	[tilespmem:s22+$0x3060 ss:$0x81] =	vst.msk $0xffff, v62;
	s30 =	sshll.u32 s29, $0x12;
	s20 =	sshrl.u32 s20, $0x3;
	s23 =	sadd.s32 s28, s23  }
0x1f: {  	[tilespmem:s22+$0x0 ss:$0x81] =	vst.msk $0xffff, v63;
	s31 =	sor.u32 $0x80, s30;
	s21 =	sand.u32 $0x3FFFFFFF, s21;
	s20 =	sadd.s32 s20, s23  }
0x20: {  	[hbm4b:s20+s31] =	stream.strided.scatter [tilespmem:s19], [sflag:$0x2], s21, s8, s31, $0x20;
	[tilespmem:$0x10100] =	vst v63  }
.LBB1_5:
0x21: {  	p1 =	slt.u32 s15, $0x2  }
0x22: {  	p2 =	sgt.s32 @!p1 s18, $0x48  }
0x23: {  	s19 =	smov.u32 s18;
	s20 =	sshra.s32 @!p1 s18, $0x1F;
	p2 =	por !p2, p1  }
0x24: {  	s18 =	sand.u32 @!p1 s20, s18;
	s19 =	simm.s32 @p2 $0x48  }
0x25: {  	s20 =	sshra.s32 @!p1 s17, $0x1F;
	p2 =	sgt.s32 @!p1 s17, $0x3;
	s18 =	ssub.s32 @!p1 s19, s18  }
0x26: {  	p2 =	por !p2, p1;
	s19 =	smov.u32 s17;
	s17 =	sand.u32 @!p1 s20, s17  }
0x27: {  	s20 =	sshra.s32 @!p1 s16, $0x1F;
	s19 =	simm.s32 @p2 $0x3;
	p2 =	sgt.s32 @!p1 s16, $0x3F80  }
0x28: {  	s17 =	ssub.s32 @!p1 s19, s17;
	p2 =	por !p2, p1;
	s19 =	smov.u32 s16  }
0x29: {  	s16 =	sand.u32 @!p1 s20, s16;
	s20 =	sadd.s32 @!p1 $0xFFFFFFFD, s17;
	s19 =	simm.s32 @p2 $0x3F80  }
0x2a: {  	p2 =	sgt.s32 @!p1 s20, $0x0;
	s16 =	ssub.s32 @!p1 s19, s16  }
0x2b: {  	s17 =	ssub.s32 @!p1 $0x4, s17;
	p2 =	por !p2, p1;
	s19 =	sadd.s32 @!p1 $0xFFFFC080, s16  }
0x2c: {  	s17 =	simm.s32 @!p2 $0x0;
	p2 =	sgt.s32 @!p1 s19, $0x7F  }
0x2d: {  	s21 =	smov.u32 s14;
	s16 =	ssub.s32 @!p1 $0x4000, s16;
	p2 =	por !p2, p1  }
0x2e: {  	s20 =	sadd.s32 @!p1 $0xFFFFFFB8, s18;
	s19 =	sadd.s32 $0x80, s12;
	s16 =	simm.s32 @!p2 $0x0  }
0x2f: {  	p2 =	sgt.s32 s19, $0xC7;
	s16 =	smul.u32 @!p1 s16, s17;
	s17 =	simm.s32 $0x1  }
0x30: {  	p0 =	por !p0, !p0;
	p3 =	sgt.s32 @!p1 s20, $0x7F;
	s17 =	simm.s32 @!p2 $0x0  }
0x31: {  	s18 =	ssub.s32 @!p1 $0xC8, s18;
	p3 =	por !p3, p1;
	s20 =	sadd.s32 s17, s13  }
0x32: {  	s18 =	simm.s32 @!p3 $0x0;
	s17 =	sadd.s32 $0x1000, s14;
	p3 =	sgt.s32 s20, $0x3  }
0x33: {  	s22 =	simm.s32 @!p1 $0x2;
	s19 =	simm.s32 @p2 $0x0;
	s21 =	smov.u32 @p3 s17  }
0x34: {  	s16 =	smul.u32 @!p1 s18, s16;
	s18 =	smov.u32 s9;
	p2 =	sgt.s32 s21, $0x3FFF  }
0x35: {  	s9 =	smov.u32 s12;
	s21 =	smov.u32 @p2 s2;
	p2 =	sne.s32 s15, s7  }
.Ltmp1:
0x36: {  	s12 =	smov.u32 s19;
	s16 =	sand.u32 @!p1 $0x3FFFFFFF, s16;
	(pc) =	sbr.rel @!p2 .LBB1_6-.Ltmp1, $4  }
0x37: {  	s20 =	simm.s32 @p3 $0x0;
	s17 =	smov.u32 s10;
	s10 =	smov.u32 s13  }
0x38: {  	_ =	swait.ge @!p1 [sflag:s22], s16;
	s23 =	ssub.s32 @!p1 $0x0, s16;
	s16 =	smov.u32 s11  }
0x39: {  	s11 =	smov.u32 s14;
	s13 =	smov.u32 s20;
	[sflag:s22] =	ssyncset.done @!p1 $0x0  }
0x3a: {  	s15 =	sadd.s32 $0x1, s15;
	[sflag:s22] =	ssyncadd.s32 @!p1 s23;
	s14 =	smov.u32 s21  }
.LBB1_1:
0x3b: {  	p1 =	sge.u32 s15, s6;
	s31 =	sadd.s32 $0xFFFFFFFF, s15  }
0x3c: {  	s19 =	sxor.u32 @!p1 $0xFFFFFFFF, s15;
	s20 =	sshll.u32 @!p1 s13, $0x7;
	s21 =	sand.u32 @!p1 $0x78, s12  }
0x3d: {  	s22 =	sshll.u32 @!p1 s12, $0x2;
	s19 =	sshll.u32 @!p1 s19, $0xE;
	s20 =	sand.u32 @!p1 $0x180, s20  }
0x3e: {  	s22 =	sand.u32 @!p1 $0x200, s22;
	s19 =	sand.u32 @!p1 $0x4000, s19;
	s20 =	sor.u32 @!p1 s21, s20  }
0x3f: {  	s21 =	sshll.u32 @!p1 s14, $0x7;
	s20 =	sor.u32 @!p1 s22, s20;
	s22 =	sand.u32 @!p1 $0x7, s12  }
0x40: {  	s21 =	sadd.s32 @!p1 s5, s21;
	s20 =	sshrl.u32 @!p1 s20, $0x3;
	s22 =	sshll.u32 @!p1 s22, $0x12  }
0x41: {  	s20 =	sadd.s32 @!p1 s20, s21;
	s21 =	sor.u32 @!p1 $0x80, s22;
	s22 =	simm.s32 @!p1 $0x400  }
0x42: {  	[tilespmem:s19], [sflag:$0x1] =	stream.strided.gather @!p1 [hbm4b:s20+s21], $0x4000, s22, s21, $0x38;
	[tilespmem:$0x10100] =	vst v63  }
0x43: {  	p1 =	sge.u32 s31, s6  }
.Ltmp2:
0x44: {  	_ = 	snop;
	(pc) =	sbr.rel @p1 .LBB1_5-.Ltmp2, $1  }
0x45: {  	_ =	sdelay $0x3  }
0x46: {  	s19 =	simm.s32 $0x1  }
0x47: {  	_ =	swait.ge [sflag:s4], $0x4000;
	s19 =	simm.s32 @!p0 $0x0  }
0x48: {  	[sflag:s4] =	ssyncset.done $0x0;
	s20 =	sshll.u32 s19, $0xE  }
0x49: {  	[sflag:s4] =	ssyncadd.s32 $0xFFFFC000;
	s20 =	sor.u32 $0x40, s20  }
0x4a: {  	s19 =	smul.u32 $0x10200, s19;
	v0 =	vld [tilespmem:s20+$0x30]  }
0x4b: {  	v1 =	vld [tilespmem:s20+$0xFFFFFFD0]  }
0x4c: {  	s19 =	sshrl.u32 s19, $0x2;
	v5 =	vld [tilespmem:s20+$0xFFFFFFE0]  }
0x4d: {  	v6 =	vld [tilespmem:s20+$0xFFFFFFF0];
	s22 =	sor.u32 $0x8000, s19  }
0x4e: {  	s31 =	sand.u32 $0x1, s15;
	v4 =	vld [tilespmem:s20+$0x0];
	s21 =	sadd.s32 $0x0, s22  }
0x4f: {  	v3 =	vld [tilespmem:s20+$0x10];
	s19 =	smul.u32 $0x10200, s31;
	[tilespmem:s21+$0x3870 ss:$0x81] =	vst.msk $0xffff, v0  }
0x50: {  	v2 =	vld [tilespmem:s20+$0x20];
	[tilespmem:s21+$0x810 ss:$0x81] =	vst.msk $0xffff, v1  }
0x51: {  	s19 =	sshrl.u32 s19, $0x2;
	v1 =	vld [tilespmem:s20+$0xFFFFFFC0];
	[tilespmem:s21+$0x1020 ss:$0x81] =	vst.msk $0xffff, v5;
	s20 =	sadd.s32 $0x80, s20  }
0x52: {  	s23 =	simm.s32 $0x4;
	s24 =	simm.s32 $0x8;
	s19 =	sor.u32 $0x8000, s19;
	[tilespmem:s21+$0x1830 ss:$0x81] =	vst.msk $0xffff, v6;
	v0 =	vld [tilespmem:s20+$0x30]  }
.LBB1_3:
0x53: {  	p1 =	sne.s32 s24, $0x1FC;
	v5 =	vld [tilespmem:s20+$0xFFFFFFD0];
	[tilespmem:s21+$0x2040 ss:$0x81] =	vst.msk $0xffff, v4  }
0x54: {  	v6 =	vld [tilespmem:s20+$0xFFFFFFE0];
	[tilespmem:s21+$0x2850 ss:$0x81] =	vst.msk $0xffff, v3  }
0x55: {  	s25 =	sshra.s32 s23, $0x2;
	s23 =	smov.u32 s24;
	v7 =	vld [tilespmem:s20+$0xFFFFFFF0];
	[tilespmem:s21+$0x3060 ss:$0x81] =	vst.msk $0xffff, v2  }
.Ltmp3:
0x56: {  	v4 =	vld [tilespmem:s20+$0x0];
	[tilespmem:s21+$0x0 ss:$0x81] =	vst.msk $0xffff, v1;
	s21 =	sadd.s32 s25, s22;
	(pc) =	sbr.rel @p1 .LBB1_3-.Ltmp3, $4  }
0x57: {  	v3 =	vld [tilespmem:s20+$0x10];
	[tilespmem:s21+$0x3870 ss:$0x81] =	vst.msk $0xffff, v0  }
0x58: {  	[tilespmem:s21+$0x810 ss:$0x81] =	vst.msk $0xffff, v5;
	v2 =	vld [tilespmem:s20+$0x20]  }
0x59: {  	v1 =	vld [tilespmem:s20+$0xFFFFFFC0];
	[tilespmem:s21+$0x1020 ss:$0x81] =	vst.msk $0xffff, v6;
	s20 =	sadd.s32 $0x80, s20  }
0x5a: {  	s24 =	sadd.s32 $0x4, s24;
	v0 =	vld [tilespmem:s20+$0x30];
	[tilespmem:s21+$0x1830 ss:$0x81] =	vst.msk $0xffff, v7  }
.Ltmp4:
0x5b: {  	_ = 	snop;
	(pc) =	sbr.rel .LBB1_4-.Ltmp4, $1  }
0x5c: {  	_ =	sdelay $0x3  }
.LBB1_6:
0x5d: {  	_ =	sfence.sel $0x180000  }
0x5e: {  	s2 =	simm.s32 $0x1;
	[bflag:$0x0] =	sbarrier.arrive $0xFFFF  }
0x5f: {  	s31 =	simm.s32 $0x2;
	[sflag:s2] =	ssyncpa.u1 $0x1  }
0x60: {  	[sflag:s31] =	ssyncpa.u1 $0x1  }
0x61: {  	p0 =	sne.s32 s0, $0x0;
	_ =	strace $0x9000004A  }
0x62: {  	s0 =	sadd.s32 @!p0 $0x100000, s1;
	[bflag:$0x2] =	sbarrier.arrive $0xFFFF  }
0x63: {  	[sflag:s0] =	ssyncadd.tile.s32 @!p0 $0x1;
	_ =	shalt  }
.Lfunc_end1:
_tile_overlayer_lowered:
.L_overlay_start_2:
0x64: {  	(tag) =	ssettag $0x2  }
0x65: {  	s0 =	rddreg [dreg:$0x0];
	s2 =	stileid.u32  }
0x66: {  	s1 =	rddreg [dreg:$0x1];
	p0 =	sne.s32 s2, $0x0  }
0x67: {  	s3 =	rddreg [dreg:$0x2];
	[bflag:$0x3] =	sbarrier.arrive $0xFFFF;
	s2 =	simm.s32 @!p0 $0x1C01  }
0x68: {  	[timem:s3], [sflag:s2] =	dma.local @!p0 [hbm:s0], s1  }
0x69: {  	s0 =	simm.s32 @!p0 $0x1  }
0x6a: {  	_ =	swait.ge @!p0 [sflag:s0], s1  }
0x6b: {  	s1 =	ssub.s32 @!p0 $0x0, s1;
	[sflag:s0] =	ssyncset.done @!p0 $0x0  }
0x6c: {  	[sflag:s0] =	ssyncadd.s32 @!p0 s1  }
0x6d: {  	[bflag:$0x3] =	sbarrier.arrive $0xFFFF  }
0x6e: {  	_ =	shalt  }

</sc_bundles>
